<compile_context>
chip_gen: v7x
topology: tpu7x:2x2x1
jax: 0.10.2.dev20260603
libtpu: 0.0.44.dev20260713+nightly
codegen_flags: <defaults>
</compile_context>

<pallas_src>
import functools

import jax
import jax.numpy as jnp
from jax import lax
from jax.experimental import pallas as pl
from jax.experimental.pallas import tpu as pltpu
from jax.experimental.pallas import tpu_sc as plsc

_N = 10000
_D = 128
_E = 320000

_NC = 2
_NS = 16
_NW = _NC * _NS
_CHUNK = 128
_CHUNKS_PER_W = 80
_EPW = _CHUNK * _CHUNKS_PER_W
_E_PAD = _EPW * _NW
_N_PAD = 10112
_RPS = _N_PAD // _NS
_DZ = 640
_NBUF = 2
_IDXBLK = 40


def _agg_body(compute_deg, x_hbm, src_hbm, dst_hbm, z2_hbm,
              out_hbm, deg_hbm, sidx, didx, rows, ones, dz, acc, dacc,
              *sems):
    c = lax.axis_index("c")
    s = lax.axis_index("s")
    wid = c * _NS + s
    r0 = s * _RPS

    pltpu.sync_copy(z2_hbm.at[pl.ds(r0, _RPS)], acc.at[pl.ds(r0, _RPS)])
    if compute_deg:
        for j in range(_DZ // 16):
            dz[pl.ds(j * 16, 16)] = jnp.zeros((16,), jnp.float32)
        pltpu.sync_copy(dz.at[pl.ds(0, _RPS)], dacc.at[pl.ds(r0, _RPS)])
        for j in range(_CHUNK // 16):
            ones[pl.ds(j * 16, 16)] = jnp.full((16,), 1.0, jnp.float32)
    plsc.subcore_barrier()

    def _drain_and_refire(j, b, refire):
        pltpu.make_async_copy(x_hbm.at[sidx.at[b]], rows.at[b], sems[b]).wait()
        pltpu.sync_copy(rows.at[b], acc.at[didx.at[j]], add=True)
        if compute_deg:
            pltpu.sync_copy(ones, dacc.at[didx.at[j]], add=True)
        if refire:
            pltpu.async_copy(x_hbm.at[sidx.at[j + _NBUF]], rows.at[b],
                             sems[b])

    for h in range(_CHUNKS_PER_W // _IDXBLK):
        blk0 = wid * _CHUNKS_PER_W + h * _IDXBLK
        pltpu.sync_copy(src_hbm.at[pl.ds(blk0, _IDXBLK)], sidx)
        pltpu.sync_copy(dst_hbm.at[pl.ds(blk0, _IDXBLK)], didx)
        for b in range(_NBUF):
            pltpu.async_copy(x_hbm.at[sidx.at[b]], rows.at[b], sems[b])

        @pl.loop(0, _IDXBLK // _NBUF - 1)
        def _group(g):
            for b in range(_NBUF):
                _drain_and_refire(g * _NBUF + b, b, True)

        for b in range(_NBUF):
            _drain_and_refire(_IDXBLK - _NBUF + b, b, False)

    plsc.subcore_barrier()
    pltpu.sync_copy(acc.at[pl.ds(r0, _RPS)], out_hbm.at[c, pl.ds(r0, _RPS)])
    if compute_deg:
        pltpu.sync_copy(dacc.at[pl.ds(r0, _RPS)], dz.at[pl.ds(0, _RPS)])
        pltpu.sync_copy(dz.at[pl.ds(0, _RPS)],
                        deg_hbm.at[pl.ds(c * _N_PAD + r0, _RPS)])


def _make_agg(compute_deg):
    mesh = plsc.VectorSubcoreMesh(core_axis_name="c", subcore_axis_name="s")
    out_type = (jax.ShapeDtypeStruct((_NC, _N_PAD, _D), jnp.float32),
                jax.ShapeDtypeStruct((_NC * _N_PAD,), jnp.float32))
    scratch = [
        pltpu.VMEM((_IDXBLK, _CHUNK), jnp.int32),
        pltpu.VMEM((_IDXBLK, _CHUNK), jnp.int32),
        pltpu.VMEM((_NBUF, _CHUNK, _D), jnp.float32),
        pltpu.VMEM((_CHUNK,), jnp.float32),
        pltpu.VMEM((_DZ,), jnp.float32),
        pltpu.VMEM_SHARED((_N_PAD, _D), jnp.float32),
        pltpu.VMEM_SHARED((_N_PAD,), jnp.float32),
    ] + [pltpu.SemaphoreType.DMA] * _NBUF
    return pl.kernel(functools.partial(_agg_body, compute_deg),
                     out_type=out_type, mesh=mesh, scratch_types=scratch)


def _dense_body(relu, p0, p1, d0, d1, xr, wl, wr, b, o):
    summed = p0[...] + p1[...]
    deg = jnp.maximum(d0[...] + d1[...], 1.0)
    mean = summed / deg
    acc = jnp.dot(mean, wl[...], preferred_element_type=jnp.float32)
    acc = acc + jnp.dot(xr[...], wr[...], preferred_element_type=jnp.float32)
    acc = acc + b[...]
    if relu:
        acc = jnp.maximum(acc, 0.0)
    o[...] = acc


def _dense(p, degp, x_p, W_l, W_r, b, relu):
    return pl.pallas_call(
        functools.partial(_dense_body, relu),
        out_shape=jax.ShapeDtypeStruct((_N_PAD, _D), jnp.float32),
    )(p[0], p[1], degp[0], degp[1], x_p, W_l, W_r, b.reshape(1, _D))


def kernel(x, edge_index, W1_l, W1_r, b1, W2_l, W2_r, b2):
    src = edge_index[0]
    dst = edge_index[1]
    pad = _E_PAD - _E
    src_p = jnp.concatenate([src, jnp.zeros((pad,), jnp.int32)])
    dst_p = jnp.concatenate([dst, jnp.full((pad,), _N, jnp.int32)])
    src_p = src_p.reshape(_E_PAD // _CHUNK, _CHUNK)
    dst_p = dst_p.reshape(_E_PAD // _CHUNK, _CHUNK)
    z2 = jnp.zeros((_N_PAD, _D), jnp.float32)
    x_p = jnp.pad(x, ((0, _N_PAD - _N), (0, 0)))

    agg1 = _make_agg(True)
    p1, degp = agg1(x, src_p, dst_p, z2)
    degp = degp.reshape(_NC, _N_PAD, 1)
    h = _dense(p1, degp, x_p, W1_l, W1_r, b1, True)

    agg2 = _make_agg(False)
    p2, _ = agg2(h, src_p, dst_p, z2)
    out = _dense(p2, degp, h, W2_l, W2_r, b2, False)
    return out[:_N]

# --- scband reference (transcript-rebuilt; emitter-appended) ---
"""Pipeline reference for scband-sage-28948079575701 (READ-ONLY COPY).

The authoritative reference and input builder live on the scoring server;
editing this copy changes nothing except your own understanding.
"""

import jax, jax.numpy as jnp
import numpy as np

N_NODES = 10000
N_EDGES = 320000
D_IN = 128
D_HID = 128
D_OUT = 128


def setup_inputs(seed: int = 0) -> dict:
    key = jax.random.key(seed)
    ks = jax.random.split(key, 9)
    x = jax.random.normal(ks[0], (N_NODES, D_IN), dtype=jnp.float32)
    edge_index = jax.random.randint(ks[1], (2, N_EDGES), 0, N_NODES, dtype=jnp.int32)
    s1 = 1.0 / np.sqrt(D_IN)
    s2 = 1.0 / np.sqrt(D_HID)
    W1_l = jax.random.normal(ks[2], (D_IN, D_HID), dtype=jnp.float32) * s1
    W1_r = jax.random.normal(ks[3], (D_IN, D_HID), dtype=jnp.float32) * s1
    b1 = jnp.zeros((D_HID,), dtype=jnp.float32)
    W2_l = jax.random.normal(ks[4], (D_HID, D_OUT), dtype=jnp.float32) * s2
    W2_r = jax.random.normal(ks[5], (D_HID, D_OUT), dtype=jnp.float32) * s2
    b2 = jnp.zeros((D_OUT,), dtype=jnp.float32)
    return {"x": x, "edge_index": edge_index, "W1_l": W1_l, "W1_r": W1_r, "b1": b1,
            "W2_l": W2_l, "W2_r": W2_r, "b2": b2}


def _sage_conv(x, edge_index, W_l, W_r, b, num_nodes):
    # PyG-style SAGEConv with mean aggregation:
    # out = lin_l(mean_{j in N(i)} x_j) + lin_r(x_i)
    src = edge_index[0]
    dst = edge_index[1]
    msg = jnp.take(x, src, axis=0)                       # gather  [E, d]
    summed = jax.ops.segment_sum(msg, dst, num_segments=num_nodes)  # scatter-add [N, d]
    deg = jax.ops.segment_sum(jnp.ones((edge_index.shape[1],), dtype=x.dtype), dst,
                              num_segments=num_nodes)
    mean = summed / jnp.maximum(deg, 1.0)[:, None]
    return mean @ W_l + b + x @ W_r


def reference(x, edge_index, W1_l, W1_r, b1, W2_l, W2_r, b2):
    # Layer 1
    h = _sage_conv(x, edge_index, W1_l, W1_r, b1, N_NODES)
    h = jax.nn.relu(h)
    # dropout p=0.5 is identity in eval mode (training=False)
    # Layer 2
    out = _sage_conv(h, edge_index, W2_l, W2_r, b2, N_NODES)
    # original returns (x, out_per_layer={}, intermediate={}) with save_int=False;
    # the array output is the meaningful result
    return out

if __name__ == "__main__":
    import jax
    _d = setup_inputs()
    print(jax.jit(kernel)(*tuple(_d.values())))

</pallas_src>

<mosaic_0001>
#map = affine_map<(d0, d1) -> (0, 0)>
#map1 = affine_map<(d0, d1) -> (0, 0, 0)>
#map2 = affine_map<(d0, d1) -> (0)>
module attributes {stable_mosaic.version = 14 : i64} {
  func.func @_agg_body(%arg0: i32, %arg1: i32, %arg2: memref<10112x128xf32, #tpu.memory_space<hbm>>, %arg3: memref<2560x128xi32, #tpu.memory_space<hbm>>, %arg4: memref<2560x128xi32, #tpu.memory_space<hbm>>, %arg5: memref<10112x128xf32, #tpu.memory_space<hbm>>, %arg6: memref<2x10112x128xf32, #tpu.memory_space<hbm>>, %arg7: memref<20224xf32, #tpu.memory_space<hbm>>, %arg8: memref<40x128xi32, #tpu.memory_space<vmem>>, %arg9: memref<40x128xi32, #tpu.memory_space<vmem>>, %arg10: memref<2x128x128xf32, #tpu.memory_space<vmem>>, %arg11: memref<128xf32, #tpu.memory_space<vmem>>, %arg12: memref<640xf32, #tpu.memory_space<vmem>>, %arg13: memref<10112x128xf32, #tpu.memory_space<vmem_shared>>, %arg14: memref<10112xf32, #tpu.memory_space<vmem_shared>>, %arg15: memref<!tpu.dma_semaphore, #tpu.memory_space<semaphore_mem>>, %arg16: memref<!tpu.dma_semaphore, #tpu.memory_space<semaphore_mem>>) attributes {dimension_semantics = [#tpu.dimension_semantics<core_parallel>, #tpu.dimension_semantics<subcore_parallel>], iteration_bounds = array<i64: 2, 16>, scalar_prefetch = 0 : i64, scratch_operands = 9 : i64, tpu.core_type = #tpu.core_type<sc_vector_subcore>, window_params = [{transform_indices = #map}, {transform_indices = #map}, {transform_indices = #map}, {transform_indices = #map}, {transform_indices = #map1}, {transform_indices = #map2}]} {
    %mul3A = arith.constant 16 : i32
    %mul3A_0 = arith.muli %arg0, %mul3A : i32
    %add3A = arith.addi %mul3A_0, %arg1 : i32
    %mul3A_1 = arith.constant 632 : i32
    %mul3A_2 = arith.muli %arg1, %mul3A_1 : i32
    "tpu.region"() ({
      %run_scoped3A_122 = tpu.sem_alloc : memref<!tpu.dma_semaphore, #tpu.memory_space<semaphore_mem>>
      %dma_start3A_123 = arith.constant 0 : i32
      %dma_start3A_124 = tpu.memref_slice %arg13[%mul3A_2, %dma_start3A_123] : memref<10112x128xf32, #tpu.memory_space<vmem_shared>> -> memref<632x128xf32, #tpu.memory_space<vmem_shared>>
      %dma_start3A_125 = arith.constant 0 : i32
      %dma_start3A_126 = tpu.memref_slice %arg5[%mul3A_2, %dma_start3A_125] : memref<10112x128xf32, #tpu.memory_space<hbm>> -> memref<632x128xf32, #tpu.memory_space<hbm>>
      tpu.enqueue_dma source(%dma_start3A_126 : memref<632x128xf32, #tpu.memory_space<hbm>>) target(%dma_start3A_124 : memref<632x128xf32, #tpu.memory_space<vmem_shared>>) target_semaphore(%run_scoped3A_122 : memref<!tpu.dma_semaphore, #tpu.memory_space<semaphore_mem>>)
      %dma_wait3A_127 = arith.constant 0 : i32
      %dma_wait3A_128 = tpu.memref_slice %arg13[%mul3A_2, %dma_wait3A_127] : memref<10112x128xf32, #tpu.memory_space<vmem_shared>> -> memref<632x128xf32, #tpu.memory_space<vmem_shared>>
      %dma_wait3A_129 = arith.constant 0 : i32
      %dma_wait3A_130 = tpu.memref_slice %arg5[%mul3A_2, %dma_wait3A_129] : memref<10112x128xf32, #tpu.memory_space<hbm>> -> memref<632x128xf32, #tpu.memory_space<hbm>>
      tpu.wait_dma2 semaphore(%run_scoped3A_122 : memref<!tpu.dma_semaphore, #tpu.memory_space<semaphore_mem>>) src(%dma_wait3A_130 : memref<632x128xf32, #tpu.memory_space<hbm>>) dst(%dma_wait3A_128 : memref<632x128xf32, #tpu.memory_space<vmem_shared>>)
      tpu.yield
    }) : () -> ()
    %barrier3A = arith.constant 0 : index
    tpu.barrier barrier_id(%barrier3A)
    %mul3A_3 = arith.constant 80 : i32
    %mul3A_4 = arith.muli %add3A, %mul3A_3 : i32
    %add3A_5 = arith.constant 0 : i32
    %add3A_6 = arith.addi %mul3A_4, %add3A_5 : i32
    "tpu.region"() ({
      %run_scoped3A_122 = tpu.sem_alloc : memref<!tpu.dma_semaphore, #tpu.memory_space<semaphore_mem>>
      %dma_start3A_123 = arith.constant 0 : i32
      %dma_start3A_124 = tpu.memref_slice %arg3[%add3A_6, %dma_start3A_123] : memref<2560x128xi32, #tpu.memory_space<hbm>> -> memref<40x128xi32, #tpu.memory_space<hbm>>
      %dma_start3A_125 = arith.constant 0 : i32
      %dma_start3A_126 = tpu.memref_slice %arg3[%add3A_6, %dma_start3A_125] : memref<2560x128xi32, #tpu.memory_space<hbm>> -> memref<40x128xi32, #tpu.memory_space<hbm>>
      tpu.enqueue_dma source(%dma_start3A_126 : memref<40x128xi32, #tpu.memory_space<hbm>>) target(%arg8 : memref<40x128xi32, #tpu.memory_space<vmem>>) target_semaphore(%run_scoped3A_122 : memref<!tpu.dma_semaphore, #tpu.memory_space<semaphore_mem>>)
      %dma_wait3A_127 = arith.constant 0 : i32
      %dma_wait3A_128 = tpu.memref_slice %arg3[%add3A_6, %dma_wait3A_127] : memref<2560x128xi32, #tpu.memory_space<hbm>> -> memref<40x128xi32, #tpu.memory_space<hbm>>
      %dma_wait3A_129 = arith.constant 0 : i32
      %dma_wait3A_130 = tpu.memref_slice %arg3[%add3A_6, %dma_wait3A_129] : memref<2560x128xi32, #tpu.memory_space<hbm>> -> memref<40x128xi32, #tpu.memory_space<hbm>>
      tpu.wait_dma2 semaphore(%run_scoped3A_122 : memref<!tpu.dma_semaphore, #tpu.memory_space<semaphore_mem>>) src(%dma_wait3A_130 : memref<40x128xi32, #tpu.memory_space<hbm>>) dst(%arg8 : memref<40x128xi32, #tpu.memory_space<vmem>>)
      tpu.yield
    }) : () -> ()
    "tpu.region"() ({
      %run_scoped3A_122 = tpu.sem_alloc : memref<!tpu.dma_semaphore, #tpu.memory_space<semaphore_mem>>
      %dma_start3A_123 = arith.constant 0 : i32
      %dma_start3A_124 = tpu.memref_slice %arg4[%add3A_6, %dma_start3A_123] : memref<2560x128xi32, #tpu.memory_space<hbm>> -> memref<40x128xi32, #tpu.memory_space<hbm>>
      %dma_start3A_125 = arith.constant 0 : i32
      %dma_start3A_126 = tpu.memref_slice %arg4[%add3A_6, %dma_start3A_125] : memref<2560x128xi32, #tpu.memory_space<hbm>> -> memref<40x128xi32, #tpu.memory_space<hbm>>
      tpu.enqueue_dma source(%dma_start3A_126 : memref<40x128xi32, #tpu.memory_space<hbm>>) target(%arg9 : memref<40x128xi32, #tpu.memory_space<vmem>>) target_semaphore(%run_scoped3A_122 : memref<!tpu.dma_semaphore, #tpu.memory_space<semaphore_mem>>)
      %dma_wait3A_127 = arith.constant 0 : i32
      %dma_wait3A_128 = tpu.memref_slice %arg4[%add3A_6, %dma_wait3A_127] : memref<2560x128xi32, #tpu.memory_space<hbm>> -> memref<40x128xi32, #tpu.memory_space<hbm>>
      %dma_wait3A_129 = arith.constant 0 : i32
      %dma_wait3A_130 = tpu.memref_slice %arg4[%add3A_6, %dma_wait3A_129] : memref<2560x128xi32, #tpu.memory_space<hbm>> -> memref<40x128xi32, #tpu.memory_space<hbm>>
      tpu.wait_dma2 semaphore(%run_scoped3A_122 : memref<!tpu.dma_semaphore, #tpu.memory_space<semaphore_mem>>) src(%dma_wait3A_130 : memref<40x128xi32, #tpu.memory_space<hbm>>) dst(%arg9 : memref<40x128xi32, #tpu.memory_space<vmem>>)
      tpu.yield
    }) : () -> ()
    %dma_start3A = arith.constant 0 : i32
    %dma_start3A_7 = arith.constant 0 : i32
    %dma_start3A_8 = arith.constant 0 : i32
    %dma_start3A_9 = arith.constant 0 : i32
    %dma_start3A_10 = tpu.memref_slice %arg10[%dma_start3A_7, %dma_start3A_8, %dma_start3A_9] : memref<2x128x128xf32, #tpu.memory_space<vmem>> -> memref<1x128x128xf32, #tpu.memory_space<vmem>>
    %dma_start3A_11 = tpu.memref_squeeze %dma_start3A_10 : memref<1x128x128xf32, #tpu.memory_space<vmem>> -> memref<128x128xf32, #tpu.memory_space<vmem>>
    %dma_start3A_12 = arith.constant 0 : i32
    %dma_start3A_13 = tpu.memref_slice %arg8[%dma_start3A, %dma_start3A_12] : memref<40x128xi32, #tpu.memory_space<vmem>> -> memref<1x128xi32, #tpu.memory_space<vmem>>
    %dma_start3A_14 = tpu.memref_squeeze %dma_start3A_13 : memref<1x128xi32, #tpu.memory_space<vmem>> -> memref<128xi32, #tpu.memory_space<vmem>>
    %dma_start3A_15 = arith.constant 0 : i32
    %dma_start3A_16 = arith.constant 0 : i32
    %dma_start3A_17 = tpu.memref_slice %arg2[%dma_start3A_15, %dma_start3A_16] : memref<10112x128xf32, #tpu.memory_space<hbm>> -> memref<10112x128xf32, #tpu.memory_space<hbm>>
    tpu.enqueue_indirect_dma source(%dma_start3A_17 : memref<10112x128xf32, #tpu.memory_space<hbm>>) target(%dma_start3A_11 : memref<128x128xf32, #tpu.memory_space<vmem>>) offsets(%dma_start3A_14 : memref<128xi32, #tpu.memory_space<vmem>>) semaphore(%arg15 : memref<!tpu.dma_semaphore, #tpu.memory_space<semaphore_mem>>)
    %dma_start3A_18 = arith.constant 1 : i32
    %dma_start3A_19 = arith.constant 1 : i32
    %dma_start3A_20 = arith.constant 0 : i32
    %dma_start3A_21 = arith.constant 0 : i32
    %dma_start3A_22 = tpu.memref_slice %arg10[%dma_start3A_19, %dma_start3A_20, %dma_start3A_21] : memref<2x128x128xf32, #tpu.memory_space<vmem>> -> memref<1x128x128xf32, #tpu.memory_space<vmem>>
    %dma_start3A_23 = tpu.memref_squeeze %dma_start3A_22 : memref<1x128x128xf32, #tpu.memory_space<vmem>> -> memref<128x128xf32, #tpu.memory_space<vmem>>
    %dma_start3A_24 = arith.constant 0 : i32
    %dma_start3A_25 = tpu.memref_slice %arg8[%dma_start3A_18, %dma_start3A_24] : memref<40x128xi32, #tpu.memory_space<vmem>> -> memref<1x128xi32, #tpu.memory_space<vmem>>
    %dma_start3A_26 = tpu.memref_squeeze %dma_start3A_25 : memref<1x128xi32, #tpu.memory_space<vmem>> -> memref<128xi32, #tpu.memory_space<vmem>>
    %dma_start3A_27 = arith.constant 0 : i32
    %dma_start3A_28 = arith.constant 0 : i32
    %dma_start3A_29 = tpu.memref_slice %arg2[%dma_start3A_27, %dma_start3A_28] : memref<10112x128xf32, #tpu.memory_space<hbm>> -> memref<10112x128xf32, #tpu.memory_space<hbm>>
    tpu.enqueue_indirect_dma source(%dma_start3A_29 : memref<10112x128xf32, #tpu.memory_space<hbm>>) target(%dma_start3A_23 : memref<128x128xf32, #tpu.memory_space<vmem>>) offsets(%dma_start3A_26 : memref<128xi32, #tpu.memory_space<vmem>>) semaphore(%arg16 : memref<!tpu.dma_semaphore, #tpu.memory_space<semaphore_mem>>)
    %scan3A = arith.constant 0 : i32
    %scan3A_30 = arith.constant 19 : i32
    %scan3A_31 = arith.addi %scan3A, %scan3A_30 : i32
    %scan3A_32 = arith.constant 1 : i32
    scf.for %scan3A_122 = %scan3A to %scan3A_31 step %scan3A_32  : i32 {
      %mul3A_123 = arith.constant 1 : i32
      %mul3A_124 = arith.muli %scan3A_122, %mul3A_123 : i32
      %add3A_125 = arith.constant 0 : i32
      %add3A_126 = arith.addi %add3A_125, %mul3A_124 : i32
      %mul3A_127 = arith.constant 2 : i32
      %mul3A_128 = arith.muli %add3A_126, %mul3A_127 : i32
      %add3A_129 = arith.constant 0 : i32
      %add3A_130 = arith.addi %mul3A_128, %add3A_129 : i32
      %dma_wait3A_131 = arith.constant 0 : i32
      %dma_wait3A_132 = arith.constant 0 : i32
      %dma_wait3A_133 = arith.constant 0 : i32
      %dma_wait3A_134 = arith.constant 0 : i32
      %dma_wait3A_135 = tpu.memref_slice %arg10[%dma_wait3A_132, %dma_wait3A_133, %dma_wait3A_134] : memref<2x128x128xf32, #tpu.memory_space<vmem>> -> memref<1x128x128xf32, #tpu.memory_space<vmem>>
      %dma_wait3A_136 = tpu.memref_squeeze %dma_wait3A_135 : memref<1x128x128xf32, #tpu.memory_space<vmem>> -> memref<128x128xf32, #tpu.memory_space<vmem>>
      %dma_wait3A_137 = arith.constant 0 : i32
      %dma_wait3A_138 = tpu.memref_slice %arg8[%dma_wait3A_131, %dma_wait3A_137] : memref<40x128xi32, #tpu.memory_space<vmem>> -> memref<1x128xi32, #tpu.memory_space<vmem>>
      %dma_wait3A_139 = tpu.memref_squeeze %dma_wait3A_138 : memref<1x128xi32, #tpu.memory_space<vmem>> -> memref<128xi32, #tpu.memory_space<vmem>>
      %dma_wait3A_140 = arith.constant 0 : i32
      %dma_wait3A_141 = arith.constant 0 : i32
      %dma_wait3A_142 = tpu.memref_slice %arg2[%dma_wait3A_140, %dma_wait3A_141] : memref<10112x128xf32, #tpu.memory_space<hbm>> -> memref<10112x128xf32, #tpu.memory_space<hbm>>
      tpu.wait_indirect_dma semaphore(%arg15 : memref<!tpu.dma_semaphore, #tpu.memory_space<semaphore_mem>>) src(%dma_wait3A_142 : memref<10112x128xf32, #tpu.memory_space<hbm>>) dst(%dma_wait3A_136 : memref<128x128xf32, #tpu.memory_space<vmem>>)
      %run_scoped3A_143 = arith.constant 0 : i32
      "tpu.region"() ({
        %run_scoped3A_187 = tpu.sem_alloc : memref<!tpu.dma_semaphore, #tpu.memory_space<semaphore_mem>>
        %dma_start3A_188 = arith.constant 0 : i32
        %dma_start3A_189 = arith.constant 0 : i32
        %dma_start3A_190 = tpu.memref_slice %arg10[%run_scoped3A_143, %dma_start3A_188, %dma_start3A_189] : memref<2x128x128xf32, #tpu.memory_space<vmem>> -> memref<1x128x128xf32, #tpu.memory_space<vmem>>
        %dma_start3A_191 = tpu.memref_squeeze %dma_start3A_190 : memref<1x128x128xf32, #tpu.memory_space<vmem>> -> memref<128x128xf32, #tpu.memory_space<vmem>>
        %dma_start3A_192 = arith.constant 0 : i32
        %dma_start3A_193 = tpu.memref_slice %arg9[%add3A_130, %dma_start3A_192] : memref<40x128xi32, #tpu.memory_space<vmem>> -> memref<1x128xi32, #tpu.memory_space<vmem>>
        %dma_start3A_194 = tpu.memref_squeeze %dma_start3A_193 : memref<1x128xi32, #tpu.memory_space<vmem>> -> memref<128xi32, #tpu.memory_space<vmem>>
        %dma_start3A_195 = arith.constant 0 : i32
        %dma_start3A_196 = arith.constant 0 : i32
        %dma_start3A_197 = tpu.memref_slice %arg13[%dma_start3A_195, %dma_start3A_196] : memref<10112x128xf32, #tpu.memory_space<vmem_shared>> -> memref<10112x128xf32, #tpu.memory_space<vmem_shared>>
        tpu.enqueue_indirect_dma source(%dma_start3A_191 : memref<128x128xf32, #tpu.memory_space<vmem>>) target(%dma_start3A_197 : memref<10112x128xf32, #tpu.memory_space<vmem_shared>>) offsets(%dma_start3A_194 : memref<128xi32, #tpu.memory_space<vmem>>) semaphore(%run_scoped3A_187 : memref<!tpu.dma_semaphore, #tpu.memory_space<semaphore_mem>>) {add = true}
        %dma_wait3A_198 = arith.constant 0 : i32
        %dma_wait3A_199 = arith.constant 0 : i32
        %dma_wait3A_200 = tpu.memref_slice %arg10[%run_scoped3A_143, %dma_wait3A_198, %dma_wait3A_199] : memref<2x128x128xf32, #tpu.memory_space<vmem>> -> memref<1x128x128xf32, #tpu.memory_space<vmem>>
        %dma_wait3A_201 = tpu.memref_squeeze %dma_wait3A_200 : memref<1x128x128xf32, #tpu.memory_space<vmem>> -> memref<128x128xf32, #tpu.memory_space<vmem>>
        %dma_wait3A_202 = arith.constant 0 : i32
        %dma_wait3A_203 = tpu.memref_slice %arg9[%add3A_130, %dma_wait3A_202] : memref<40x128xi32, #tpu.memory_space<vmem>> -> memref<1x128xi32, #tpu.memory_space<vmem>>
        %dma_wait3A_204 = tpu.memref_squeeze %dma_wait3A_203 : memref<1x128xi32, #tpu.memory_space<vmem>> -> memref<128xi32, #tpu.memory_space<vmem>>
        %dma_wait3A_205 = arith.constant 0 : i32
        %dma_wait3A_206 = arith.constant 0 : i32
        %dma_wait3A_207 = tpu.memref_slice %arg13[%dma_wait3A_205, %dma_wait3A_206] : memref<10112x128xf32, #tpu.memory_space<vmem_shared>> -> memref<10112x128xf32, #tpu.memory_space<vmem_shared>>
        tpu.wait_indirect_dma semaphore(%run_scoped3A_187 : memref<!tpu.dma_semaphore, #tpu.memory_space<semaphore_mem>>) src(%dma_wait3A_201 : memref<128x128xf32, #tpu.memory_space<vmem>>) dst(%dma_wait3A_207 : memref<10112x128xf32, #tpu.memory_space<vmem_shared>>)
        tpu.yield
      }) : () -> ()
      %add3A_144 = arith.constant 2 : i32
      %add3A_145 = arith.addi %add3A_130, %add3A_144 : i32
      %dma_start3A_146 = arith.constant 0 : i32
      %dma_start3A_147 = arith.constant 0 : i32
      %dma_start3A_148 = arith.constant 0 : i32
      %dma_start3A_149 = tpu.memref_slice %arg10[%dma_start3A_146, %dma_start3A_147, %dma_start3A_148] : memref<2x128x128xf32, #tpu.memory_space<vmem>> -> memref<1x128x128xf32, #tpu.memory_space<vmem>>
      %dma_start3A_150 = tpu.memref_squeeze %dma_start3A_149 : memref<1x128x128xf32, #tpu.memory_space<vmem>> -> memref<128x128xf32, #tpu.memory_space<vmem>>
      %dma_start3A_151 = arith.constant 0 : i32
      %dma_start3A_152 = tpu.memref_slice %arg8[%add3A_145, %dma_start3A_151] : memref<40x128xi32, #tpu.memory_space<vmem>> -> memref<1x128xi32, #tpu.memory_space<vmem>>
      %dma_start3A_153 = tpu.memref_squeeze %dma_start3A_152 : memref<1x128xi32, #tpu.memory_space<vmem>> -> memref<128xi32, #tpu.memory_space<vmem>>
      %dma_start3A_154 = arith.constant 0 : i32
      %dma_start3A_155 = arith.constant 0 : i32
      %dma_start3A_156 = tpu.memref_slice %arg2[%dma_start3A_154, %dma_start3A_155] : memref<10112x128xf32, #tpu.memory_space<hbm>> -> memref<10112x128xf32, #tpu.memory_space<hbm>>
      tpu.enqueue_indirect_dma source(%dma_start3A_156 : memref<10112x128xf32, #tpu.memory_space<hbm>>) target(%dma_start3A_150 : memref<128x128xf32, #tpu.memory_space<vmem>>) offsets(%dma_start3A_153 : memref<128xi32, #tpu.memory_space<vmem>>) semaphore(%arg15 : memref<!tpu.dma_semaphore, #tpu.memory_space<semaphore_mem>>)
      %mul3A_157 = arith.constant 2 : i32
      %mul3A_158 = arith.muli %add3A_126, %mul3A_157 : i32
      %add3A_159 = arith.constant 1 : i32
      %add3A_160 = arith.addi %mul3A_158, %add3A_159 : i32
      %dma_wait3A_161 = arith.constant 1 : i32
      %dma_wait3A_162 = arith.constant 1 : i32
      %dma_wait3A_163 = arith.constant 0 : i32
      %dma_wait3A_164 = arith.constant 0 : i32
      %dma_wait3A_165 = tpu.memref_slice %arg10[%dma_wait3A_162, %dma_wait3A_163, %dma_wait3A_164] : memref<2x128x128xf32, #tpu.memory_space<vmem>> -> memref<1x128x128xf32, #tpu.memory_space<vmem>>
      %dma_wait3A_166 = tpu.memref_squeeze %dma_wait3A_165 : memref<1x128x128xf32, #tpu.memory_space<vmem>> -> memref<128x128xf32, #tpu.memory_space<vmem>>
      %dma_wait3A_167 = arith.constant 0 : i32
      %dma_wait3A_168 = tpu.memref_slice %arg8[%dma_wait3A_161, %dma_wait3A_167] : memref<40x128xi32, #tpu.memory_space<vmem>> -> memref<1x128xi32, #tpu.memory_space<vmem>>
      %dma_wait3A_169 = tpu.memref_squeeze %dma_wait3A_168 : memref<1x128xi32, #tpu.memory_space<vmem>> -> memref<128xi32, #tpu.memory_space<vmem>>
      %dma_wait3A_170 = arith.constant 0 : i32
      %dma_wait3A_171 = arith.constant 0 : i32
      %dma_wait3A_172 = tpu.memref_slice %arg2[%dma_wait3A_170, %dma_wait3A_171] : memref<10112x128xf32, #tpu.memory_space<hbm>> -> memref<10112x128xf32, #tpu.memory_space<hbm>>
      tpu.wait_indirect_dma semaphore(%arg16 : memref<!tpu.dma_semaphore, #tpu.memory_space<semaphore_mem>>) src(%dma_wait3A_172 : memref<10112x128xf32, #tpu.memory_space<hbm>>) dst(%dma_wait3A_166 : memref<128x128xf32, #tpu.memory_space<vmem>>)
      %run_scoped3A_173 = arith.constant 1 : i32
      "tpu.region"() ({
        %run_scoped3A_187 = tpu.sem_alloc : memref<!tpu.dma_semaphore, #tpu.memory_space<semaphore_mem>>
        %dma_start3A_188 = arith.constant 0 : i32
        %dma_start3A_189 = arith.constant 0 : i32
        %dma_start3A_190 = tpu.memref_slice %arg10[%run_scoped3A_173, %dma_start3A_188, %dma_start3A_189] : memref<2x128x128xf32, #tpu.memory_space<vmem>> -> memref<1x128x128xf32, #tpu.memory_space<vmem>>
        %dma_start3A_191 = tpu.memref_squeeze %dma_start3A_190 : memref<1x128x128xf32, #tpu.memory_space<vmem>> -> memref<128x128xf32, #tpu.memory_space<vmem>>
        %dma_start3A_192 = arith.constant 0 : i32
        %dma_start3A_193 = tpu.memref_slice %arg9[%add3A_160, %dma_start3A_192] : memref<40x128xi32, #tpu.memory_space<vmem>> -> memref<1x128xi32, #tpu.memory_space<vmem>>
        %dma_start3A_194 = tpu.memref_squeeze %dma_start3A_193 : memref<1x128xi32, #tpu.memory_space<vmem>> -> memref<128xi32, #tpu.memory_space<vmem>>
        %dma_start3A_195 = arith.constant 0 : i32
        %dma_start3A_196 = arith.constant 0 : i32
        %dma_start3A_197 = tpu.memref_slice %arg13[%dma_start3A_195, %dma_start3A_196] : memref<10112x128xf32, #tpu.memory_space<vmem_shared>> -> memref<10112x128xf32, #tpu.memory_space<vmem_shared>>
        tpu.enqueue_indirect_dma source(%dma_start3A_191 : memref<128x128xf32, #tpu.memory_space<vmem>>) target(%dma_start3A_197 : memref<10112x128xf32, #tpu.memory_space<vmem_shared>>) offsets(%dma_start3A_194 : memref<128xi32, #tpu.memory_space<vmem>>) semaphore(%run_scoped3A_187 : memref<!tpu.dma_semaphore, #tpu.memory_space<semaphore_mem>>) {add = true}
        %dma_wait3A_198 = arith.constant 0 : i32
        %dma_wait3A_199 = arith.constant 0 : i32
        %dma_wait3A_200 = tpu.memref_slice %arg10[%run_scoped3A_173, %dma_wait3A_198, %dma_wait3A_199] : memref<2x128x128xf32, #tpu.memory_space<vmem>> -> memref<1x128x128xf32, #tpu.memory_space<vmem>>
        %dma_wait3A_201 = tpu.memref_squeeze %dma_wait3A_200 : memref<1x128x128xf32, #tpu.memory_space<vmem>> -> memref<128x128xf32, #tpu.memory_space<vmem>>
        %dma_wait3A_202 = arith.constant 0 : i32
        %dma_wait3A_203 = tpu.memref_slice %arg9[%add3A_160, %dma_wait3A_202] : memref<40x128xi32, #tpu.memory_space<vmem>> -> memref<1x128xi32, #tpu.memory_space<vmem>>
        %dma_wait3A_204 = tpu.memref_squeeze %dma_wait3A_203 : memref<1x128xi32, #tpu.memory_space<vmem>> -> memref<128xi32, #tpu.memory_space<vmem>>
        %dma_wait3A_205 = arith.constant 0 : i32
        %dma_wait3A_206 = arith.constant 0 : i32
        %dma_wait3A_207 = tpu.memref_slice %arg13[%dma_wait3A_205, %dma_wait3A_206] : memref<10112x128xf32, #tpu.memory_space<vmem_shared>> -> memref<10112x128xf32, #tpu.memory_space<vmem_shared>>
        tpu.wait_indirect_dma semaphore(%run_scoped3A_187 : memref<!tpu.dma_semaphore, #tpu.memory_space<semaphore_mem>>) src(%dma_wait3A_201 : memref<128x128xf32, #tpu.memory_space<vmem>>) dst(%dma_wait3A_207 : memref<10112x128xf32, #tpu.memory_space<vmem_shared>>)
        tpu.yield
      }) : () -> ()
      %add3A_174 = arith.constant 2 : i32
      %add3A_175 = arith.addi %add3A_160, %add3A_174 : i32
      %dma_start3A_176 = arith.constant 1 : i32
      %dma_start3A_177 = arith.constant 0 : i32
      %dma_start3A_178 = arith.constant 0 : i32
      %dma_start3A_179 = tpu.memref_slice %arg10[%dma_start3A_176, %dma_start3A_177, %dma_start3A_178] : memref<2x128x128xf32, #tpu.memory_space<vmem>> -> memref<1x128x128xf32, #tpu.memory_space<vmem>>
      %dma_start3A_180 = tpu.memref_squeeze %dma_start3A_179 : memref<1x128x128xf32, #tpu.memory_space<vmem>> -> memref<128x128xf32, #tpu.memory_space<vmem>>
      %dma_start3A_181 = arith.constant 0 : i32
      %dma_start3A_182 = tpu.memref_slice %arg8[%add3A_175, %dma_start3A_181] : memref<40x128xi32, #tpu.memory_space<vmem>> -> memref<1x128xi32, #tpu.memory_space<vmem>>
      %dma_start3A_183 = tpu.memref_squeeze %dma_start3A_182 : memref<1x128xi32, #tpu.memory_space<vmem>> -> memref<128xi32, #tpu.memory_space<vmem>>
      %dma_start3A_184 = arith.constant 0 : i32
      %dma_start3A_185 = arith.constant 0 : i32
      %dma_start3A_186 = tpu.memref_slice %arg2[%dma_start3A_184, %dma_start3A_185] : memref<10112x128xf32, #tpu.memory_space<hbm>> -> memref<10112x128xf32, #tpu.memory_space<hbm>>
      tpu.enqueue_indirect_dma source(%dma_start3A_186 : memref<10112x128xf32, #tpu.memory_space<hbm>>) target(%dma_start3A_180 : memref<128x128xf32, #tpu.memory_space<vmem>>) offsets(%dma_start3A_183 : memref<128xi32, #tpu.memory_space<vmem>>) semaphore(%arg16 : memref<!tpu.dma_semaphore, #tpu.memory_space<semaphore_mem>>)
    }
    %scan3A_33 = arith.constant 19 : i32
    %dma_wait3A = arith.constant 0 : i32
    %dma_wait3A_34 = arith.constant 0 : i32
    %dma_wait3A_35 = arith.constant 0 : i32
    %dma_wait3A_36 = arith.constant 0 : i32
    %dma_wait3A_37 = tpu.memref_slice %arg10[%dma_wait3A_34, %dma_wait3A_35, %dma_wait3A_36] : memref<2x128x128xf32, #tpu.memory_space<vmem>> -> memref<1x128x128xf32, #tpu.memory_space<vmem>>
    %dma_wait3A_38 = tpu.memref_squeeze %dma_wait3A_37 : memref<1x128x128xf32, #tpu.memory_space<vmem>> -> memref<128x128xf32, #tpu.memory_space<vmem>>
    %dma_wait3A_39 = arith.constant 0 : i32
    %dma_wait3A_40 = tpu.memref_slice %arg8[%dma_wait3A, %dma_wait3A_39] : memref<40x128xi32, #tpu.memory_space<vmem>> -> memref<1x128xi32, #tpu.memory_space<vmem>>
    %dma_wait3A_41 = tpu.memref_squeeze %dma_wait3A_40 : memref<1x128xi32, #tpu.memory_space<vmem>> -> memref<128xi32, #tpu.memory_space<vmem>>
    %dma_wait3A_42 = arith.constant 0 : i32
    %dma_wait3A_43 = arith.constant 0 : i32
    %dma_wait3A_44 = tpu.memref_slice %arg2[%dma_wait3A_42, %dma_wait3A_43] : memref<10112x128xf32, #tpu.memory_space<hbm>> -> memref<10112x128xf32, #tpu.memory_space<hbm>>
    tpu.wait_indirect_dma semaphore(%arg15 : memref<!tpu.dma_semaphore, #tpu.memory_space<semaphore_mem>>) src(%dma_wait3A_44 : memref<10112x128xf32, #tpu.memory_space<hbm>>) dst(%dma_wait3A_38 : memref<128x128xf32, #tpu.memory_space<vmem>>)
    %run_scoped3A = arith.constant 0 : i32
    %run_scoped3A_45 = arith.constant 38 : i32
    "tpu.region"() ({
      %run_scoped3A_122 = tpu.sem_alloc : memref<!tpu.dma_semaphore, #tpu.memory_space<semaphore_mem>>
      %dma_start3A_123 = arith.constant 0 : i32
      %dma_start3A_124 = arith.constant 0 : i32
      %dma_start3A_125 = tpu.memref_slice %arg10[%run_scoped3A, %dma_start3A_123, %dma_start3A_124] : memref<2x128x128xf32, #tpu.memory_space<vmem>> -> memref<1x128x128xf32, #tpu.memory_space<vmem>>
      %dma_start3A_126 = tpu.memref_squeeze %dma_start3A_125 : memref<1x128x128xf32, #tpu.memory_space<vmem>> -> memref<128x128xf32, #tpu.memory_space<vmem>>
      %dma_start3A_127 = arith.constant 0 : i32
      %dma_start3A_128 = tpu.memref_slice %arg9[%run_scoped3A_45, %dma_start3A_127] : memref<40x128xi32, #tpu.memory_space<vmem>> -> memref<1x128xi32, #tpu.memory_space<vmem>>
      %dma_start3A_129 = tpu.memref_squeeze %dma_start3A_128 : memref<1x128xi32, #tpu.memory_space<vmem>> -> memref<128xi32, #tpu.memory_space<vmem>>
      %dma_start3A_130 = arith.constant 0 : i32
      %dma_start3A_131 = arith.constant 0 : i32
      %dma_start3A_132 = tpu.memref_slice %arg13[%dma_start3A_130, %dma_start3A_131] : memref<10112x128xf32, #tpu.memory_space<vmem_shared>> -> memref<10112x128xf32, #tpu.memory_space<vmem_shared>>
      tpu.enqueue_indirect_dma source(%dma_start3A_126 : memref<128x128xf32, #tpu.memory_space<vmem>>) target(%dma_start3A_132 : memref<10112x128xf32, #tpu.memory_space<vmem_shared>>) offsets(%dma_start3A_129 : memref<128xi32, #tpu.memory_space<vmem>>) semaphore(%run_scoped3A_122 : memref<!tpu.dma_semaphore, #tpu.memory_space<semaphore_mem>>) {add = true}
      %dma_wait3A_133 = arith.constant 0 : i32
      %dma_wait3A_134 = arith.constant 0 : i32
      %dma_wait3A_135 = tpu.memref_slice %arg10[%run_scoped3A, %dma_wait3A_133, %dma_wait3A_134] : memref<2x128x128xf32, #tpu.memory_space<vmem>> -> memref<1x128x128xf32, #tpu.memory_space<vmem>>
      %dma_wait3A_136 = tpu.memref_squeeze %dma_wait3A_135 : memref<1x128x128xf32, #tpu.memory_space<vmem>> -> memref<128x128xf32, #tpu.memory_space<vmem>>
      %dma_wait3A_137 = arith.constant 0 : i32
      %dma_wait3A_138 = tpu.memref_slice %arg9[%run_scoped3A_45, %dma_wait3A_137] : memref<40x128xi32, #tpu.memory_space<vmem>> -> memref<1x128xi32, #tpu.memory_space<vmem>>
      %dma_wait3A_139 = tpu.memref_squeeze %dma_wait3A_138 : memref<1x128xi32, #tpu.memory_space<vmem>> -> memref<128xi32, #tpu.memory_space<vmem>>
      %dma_wait3A_140 = arith.constant 0 : i32
      %dma_wait3A_141 = arith.constant 0 : i32
      %dma_wait3A_142 = tpu.memref_slice %arg13[%dma_wait3A_140, %dma_wait3A_141] : memref<10112x128xf32, #tpu.memory_space<vmem_shared>> -> memref<10112x128xf32, #tpu.memory_space<vmem_shared>>
      tpu.wait_indirect_dma semaphore(%run_scoped3A_122 : memref<!tpu.dma_semaphore, #tpu.memory_space<semaphore_mem>>) src(%dma_wait3A_136 : memref<128x128xf32, #tpu.memory_space<vmem>>) dst(%dma_wait3A_142 : memref<10112x128xf32, #tpu.memory_space<vmem_shared>>)
      tpu.yield
    }) : () -> ()
    %dma_wait3A_46 = arith.constant 1 : i32
    %dma_wait3A_47 = arith.constant 1 : i32
    %dma_wait3A_48 = arith.constant 0 : i32
    %dma_wait3A_49 = arith.constant 0 : i32
    %dma_wait3A_50 = tpu.memref_slice %arg10[%dma_wait3A_47, %dma_wait3A_48, %dma_wait3A_49] : memref<2x128x128xf32, #tpu.memory_space<vmem>> -> memref<1x128x128xf32, #tpu.memory_space<vmem>>
    %dma_wait3A_51 = tpu.memref_squeeze %dma_wait3A_50 : memref<1x128x128xf32, #tpu.memory_space<vmem>> -> memref<128x128xf32, #tpu.memory_space<vmem>>
    %dma_wait3A_52 = arith.constant 0 : i32
    %dma_wait3A_53 = tpu.memref_slice %arg8[%dma_wait3A_46, %dma_wait3A_52] : memref<40x128xi32, #tpu.memory_space<vmem>> -> memref<1x128xi32, #tpu.memory_space<vmem>>
    %dma_wait3A_54 = tpu.memref_squeeze %dma_wait3A_53 : memref<1x128xi32, #tpu.memory_space<vmem>> -> memref<128xi32, #tpu.memory_space<vmem>>
    %dma_wait3A_55 = arith.constant 0 : i32
    %dma_wait3A_56 = arith.constant 0 : i32
    %dma_wait3A_57 = tpu.memref_slice %arg2[%dma_wait3A_55, %dma_wait3A_56] : memref<10112x128xf32, #tpu.memory_space<hbm>> -> memref<10112x128xf32, #tpu.memory_space<hbm>>
    tpu.wait_indirect_dma semaphore(%arg16 : memref<!tpu.dma_semaphore, #tpu.memory_space<semaphore_mem>>) src(%dma_wait3A_57 : memref<10112x128xf32, #tpu.memory_space<hbm>>) dst(%dma_wait3A_51 : memref<128x128xf32, #tpu.memory_space<vmem>>)
    %run_scoped3A_58 = arith.constant 1 : i32
    %run_scoped3A_59 = arith.constant 39 : i32
    "tpu.region"() ({
      %run_scoped3A_122 = tpu.sem_alloc : memref<!tpu.dma_semaphore, #tpu.memory_space<semaphore_mem>>
      %dma_start3A_123 = arith.constant 0 : i32
      %dma_start3A_124 = arith.constant 0 : i32
      %dma_start3A_125 = tpu.memref_slice %arg10[%run_scoped3A_58, %dma_start3A_123, %dma_start3A_124] : memref<2x128x128xf32, #tpu.memory_space<vmem>> -> memref<1x128x128xf32, #tpu.memory_space<vmem>>
      %dma_start3A_126 = tpu.memref_squeeze %dma_start3A_125 : memref<1x128x128xf32, #tpu.memory_space<vmem>> -> memref<128x128xf32, #tpu.memory_space<vmem>>
      %dma_start3A_127 = arith.constant 0 : i32
      %dma_start3A_128 = tpu.memref_slice %arg9[%run_scoped3A_59, %dma_start3A_127] : memref<40x128xi32, #tpu.memory_space<vmem>> -> memref<1x128xi32, #tpu.memory_space<vmem>>
      %dma_start3A_129 = tpu.memref_squeeze %dma_start3A_128 : memref<1x128xi32, #tpu.memory_space<vmem>> -> memref<128xi32, #tpu.memory_space<vmem>>
      %dma_start3A_130 = arith.constant 0 : i32
      %dma_start3A_131 = arith.constant 0 : i32
      %dma_start3A_132 = tpu.memref_slice %arg13[%dma_start3A_130, %dma_start3A_131] : memref<10112x128xf32, #tpu.memory_space<vmem_shared>> -> memref<10112x128xf32, #tpu.memory_space<vmem_shared>>
      tpu.enqueue_indirect_dma source(%dma_start3A_126 : memref<128x128xf32, #tpu.memory_space<vmem>>) target(%dma_start3A_132 : memref<10112x128xf32, #tpu.memory_space<vmem_shared>>) offsets(%dma_start3A_129 : memref<128xi32, #tpu.memory_space<vmem>>) semaphore(%run_scoped3A_122 : memref<!tpu.dma_semaphore, #tpu.memory_space<semaphore_mem>>) {add = true}
      %dma_wait3A_133 = arith.constant 0 : i32
      %dma_wait3A_134 = arith.constant 0 : i32
      %dma_wait3A_135 = tpu.memref_slice %arg10[%run_scoped3A_58, %dma_wait3A_133, %dma_wait3A_134] : memref<2x128x128xf32, #tpu.memory_space<vmem>> -> memref<1x128x128xf32, #tpu.memory_space<vmem>>
      %dma_wait3A_136 = tpu.memref_squeeze %dma_wait3A_135 : memref<1x128x128xf32, #tpu.memory_space<vmem>> -> memref<128x128xf32, #tpu.memory_space<vmem>>
      %dma_wait3A_137 = arith.constant 0 : i32
      %dma_wait3A_138 = tpu.memref_slice %arg9[%run_scoped3A_59, %dma_wait3A_137] : memref<40x128xi32, #tpu.memory_space<vmem>> -> memref<1x128xi32, #tpu.memory_space<vmem>>
      %dma_wait3A_139 = tpu.memref_squeeze %dma_wait3A_138 : memref<1x128xi32, #tpu.memory_space<vmem>> -> memref<128xi32, #tpu.memory_space<vmem>>
      %dma_wait3A_140 = arith.constant 0 : i32
      %dma_wait3A_141 = arith.constant 0 : i32
      %dma_wait3A_142 = tpu.memref_slice %arg13[%dma_wait3A_140, %dma_wait3A_141] : memref<10112x128xf32, #tpu.memory_space<vmem_shared>> -> memref<10112x128xf32, #tpu.memory_space<vmem_shared>>
      tpu.wait_indirect_dma semaphore(%run_scoped3A_122 : memref<!tpu.dma_semaphore, #tpu.memory_space<semaphore_mem>>) src(%dma_wait3A_136 : memref<128x128xf32, #tpu.memory_space<vmem>>) dst(%dma_wait3A_142 : memref<10112x128xf32, #tpu.memory_space<vmem_shared>>)
      tpu.yield
    }) : () -> ()
    %mul3A_60 = arith.constant 80 : i32
    %mul3A_61 = arith.muli %add3A, %mul3A_60 : i32
    %add3A_62 = arith.constant 40 : i32
    %add3A_63 = arith.addi %mul3A_61, %add3A_62 : i32
    "tpu.region"() ({
      %run_scoped3A_122 = tpu.sem_alloc : memref<!tpu.dma_semaphore, #tpu.memory_space<semaphore_mem>>
      %dma_start3A_123 = arith.constant 0 : i32
      %dma_start3A_124 = tpu.memref_slice %arg3[%add3A_63, %dma_start3A_123] : memref<2560x128xi32, #tpu.memory_space<hbm>> -> memref<40x128xi32, #tpu.memory_space<hbm>>
      %dma_start3A_125 = arith.constant 0 : i32
      %dma_start3A_126 = tpu.memref_slice %arg3[%add3A_63, %dma_start3A_125] : memref<2560x128xi32, #tpu.memory_space<hbm>> -> memref<40x128xi32, #tpu.memory_space<hbm>>
      tpu.enqueue_dma source(%dma_start3A_126 : memref<40x128xi32, #tpu.memory_space<hbm>>) target(%arg8 : memref<40x128xi32, #tpu.memory_space<vmem>>) target_semaphore(%run_scoped3A_122 : memref<!tpu.dma_semaphore, #tpu.memory_space<semaphore_mem>>)
      %dma_wait3A_127 = arith.constant 0 : i32
      %dma_wait3A_128 = tpu.memref_slice %arg3[%add3A_63, %dma_wait3A_127] : memref<2560x128xi32, #tpu.memory_space<hbm>> -> memref<40x128xi32, #tpu.memory_space<hbm>>
      %dma_wait3A_129 = arith.constant 0 : i32
      %dma_wait3A_130 = tpu.memref_slice %arg3[%add3A_63, %dma_wait3A_129] : memref<2560x128xi32, #tpu.memory_space<hbm>> -> memref<40x128xi32, #tpu.memory_space<hbm>>
      tpu.wait_dma2 semaphore(%run_scoped3A_122 : memref<!tpu.dma_semaphore, #tpu.memory_space<semaphore_mem>>) src(%dma_wait3A_130 : memref<40x128xi32, #tpu.memory_space<hbm>>) dst(%arg8 : memref<40x128xi32, #tpu.memory_space<vmem>>)
      tpu.yield
    }) : () -> ()
    "tpu.region"() ({
      %run_scoped3A_122 = tpu.sem_alloc : memref<!tpu.dma_semaphore, #tpu.memory_space<semaphore_mem>>
      %dma_start3A_123 = arith.constant 0 : i32
      %dma_start3A_124 = tpu.memref_slice %arg4[%add3A_63, %dma_start3A_123] : memref<2560x128xi32, #tpu.memory_space<hbm>> -> memref<40x128xi32, #tpu.memory_space<hbm>>
      %dma_start3A_125 = arith.constant 0 : i32
      %dma_start3A_126 = tpu.memref_slice %arg4[%add3A_63, %dma_start3A_125] : memref<2560x128xi32, #tpu.memory_space<hbm>> -> memref<40x128xi32, #tpu.memory_space<hbm>>
      tpu.enqueue_dma source(%dma_start3A_126 : memref<40x128xi32, #tpu.memory_space<hbm>>) target(%arg9 : memref<40x128xi32, #tpu.memory_space<vmem>>) target_semaphore(%run_scoped3A_122 : memref<!tpu.dma_semaphore, #tpu.memory_space<semaphore_mem>>)
      %dma_wait3A_127 = arith.constant 0 : i32
      %dma_wait3A_128 = tpu.memref_slice %arg4[%add3A_63, %dma_wait3A_127] : memref<2560x128xi32, #tpu.memory_space<hbm>> -> memref<40x128xi32, #tpu.memory_space<hbm>>
      %dma_wait3A_129 = arith.constant 0 : i32
      %dma_wait3A_130 = tpu.memref_slice %arg4[%add3A_63, %dma_wait3A_129] : memref<2560x128xi32, #tpu.memory_space<hbm>> -> memref<40x128xi32, #tpu.memory_space<hbm>>
      tpu.wait_dma2 semaphore(%run_scoped3A_122 : memref<!tpu.dma_semaphore, #tpu.memory_space<semaphore_mem>>) src(%dma_wait3A_130 : memref<40x128xi32, #tpu.memory_space<hbm>>) dst(%arg9 : memref<40x128xi32, #tpu.memory_space<vmem>>)
      tpu.yield
    }) : () -> ()
    %dma_start3A_64 = arith.constant 0 : i32
    %dma_start3A_65 = arith.constant 0 : i32
    %dma_start3A_66 = arith.constant 0 : i32
    %dma_start3A_67 = arith.constant 0 : i32
    %dma_start3A_68 = tpu.memref_slice %arg10[%dma_start3A_65, %dma_start3A_66, %dma_start3A_67] : memref<2x128x128xf32, #tpu.memory_space<vmem>> -> memref<1x128x128xf32, #tpu.memory_space<vmem>>
    %dma_start3A_69 = tpu.memref_squeeze %dma_start3A_68 : memref<1x128x128xf32, #tpu.memory_space<vmem>> -> memref<128x128xf32, #tpu.memory_space<vmem>>
    %dma_start3A_70 = arith.constant 0 : i32
    %dma_start3A_71 = tpu.memref_slice %arg8[%dma_start3A_64, %dma_start3A_70] : memref<40x128xi32, #tpu.memory_space<vmem>> -> memref<1x128xi32, #tpu.memory_space<vmem>>
    %dma_start3A_72 = tpu.memref_squeeze %dma_start3A_71 : memref<1x128xi32, #tpu.memory_space<vmem>> -> memref<128xi32, #tpu.memory_space<vmem>>
    %dma_start3A_73 = arith.constant 0 : i32
    %dma_start3A_74 = arith.constant 0 : i32
    %dma_start3A_75 = tpu.memref_slice %arg2[%dma_start3A_73, %dma_start3A_74] : memref<10112x128xf32, #tpu.memory_space<hbm>> -> memref<10112x128xf32, #tpu.memory_space<hbm>>
    tpu.enqueue_indirect_dma source(%dma_start3A_75 : memref<10112x128xf32, #tpu.memory_space<hbm>>) target(%dma_start3A_69 : memref<128x128xf32, #tpu.memory_space<vmem>>) offsets(%dma_start3A_72 : memref<128xi32, #tpu.memory_space<vmem>>) semaphore(%arg15 : memref<!tpu.dma_semaphore, #tpu.memory_space<semaphore_mem>>)
    %dma_start3A_76 = arith.constant 1 : i32
    %dma_start3A_77 = arith.constant 1 : i32
    %dma_start3A_78 = arith.constant 0 : i32
    %dma_start3A_79 = arith.constant 0 : i32
    %dma_start3A_80 = tpu.memref_slice %arg10[%dma_start3A_77, %dma_start3A_78, %dma_start3A_79] : memref<2x128x128xf32, #tpu.memory_space<vmem>> -> memref<1x128x128xf32, #tpu.memory_space<vmem>>
    %dma_start3A_81 = tpu.memref_squeeze %dma_start3A_80 : memref<1x128x128xf32, #tpu.memory_space<vmem>> -> memref<128x128xf32, #tpu.memory_space<vmem>>
    %dma_start3A_82 = arith.constant 0 : i32
    %dma_start3A_83 = tpu.memref_slice %arg8[%dma_start3A_76, %dma_start3A_82] : memref<40x128xi32, #tpu.memory_space<vmem>> -> memref<1x128xi32, #tpu.memory_space<vmem>>
    %dma_start3A_84 = tpu.memref_squeeze %dma_start3A_83 : memref<1x128xi32, #tpu.memory_space<vmem>> -> memref<128xi32, #tpu.memory_space<vmem>>
    %dma_start3A_85 = arith.constant 0 : i32
    %dma_start3A_86 = arith.constant 0 : i32
    %dma_start3A_87 = tpu.memref_slice %arg2[%dma_start3A_85, %dma_start3A_86] : memref<10112x128xf32, #tpu.memory_space<hbm>> -> memref<10112x128xf32, #tpu.memory_space<hbm>>
    tpu.enqueue_indirect_dma source(%dma_start3A_87 : memref<10112x128xf32, #tpu.memory_space<hbm>>) target(%dma_start3A_81 : memref<128x128xf32, #tpu.memory_space<vmem>>) offsets(%dma_start3A_84 : memref<128xi32, #tpu.memory_space<vmem>>) semaphore(%arg16 : memref<!tpu.dma_semaphore, #tpu.memory_space<semaphore_mem>>)
    %scan3A_88 = arith.constant 0 : i32
    %scan3A_89 = arith.constant 19 : i32
    %scan3A_90 = arith.addi %scan3A_88, %scan3A_89 : i32
    %scan3A_91 = arith.constant 1 : i32
    scf.for %scan3A_122 = %scan3A_88 to %scan3A_90 step %scan3A_91  : i32 {
      %mul3A_123 = arith.constant 1 : i32
      %mul3A_124 = arith.muli %scan3A_122, %mul3A_123 : i32
      %add3A_125 = arith.constant 0 : i32
      %add3A_126 = arith.addi %add3A_125, %mul3A_124 : i32
      %mul3A_127 = arith.constant 2 : i32
      %mul3A_128 = arith.muli %add3A_126, %mul3A_127 : i32
      %add3A_129 = arith.constant 0 : i32
      %add3A_130 = arith.addi %mul3A_128, %add3A_129 : i32
      %dma_wait3A_131 = arith.constant 0 : i32
      %dma_wait3A_132 = arith.constant 0 : i32
      %dma_wait3A_133 = arith.constant 0 : i32
      %dma_wait3A_134 = arith.constant 0 : i32
      %dma_wait3A_135 = tpu.memref_slice %arg10[%dma_wait3A_132, %dma_wait3A_133, %dma_wait3A_134] : memref<2x128x128xf32, #tpu.memory_space<vmem>> -> memref<1x128x128xf32, #tpu.memory_space<vmem>>
      %dma_wait3A_136 = tpu.memref_squeeze %dma_wait3A_135 : memref<1x128x128xf32, #tpu.memory_space<vmem>> -> memref<128x128xf32, #tpu.memory_space<vmem>>
      %dma_wait3A_137 = arith.constant 0 : i32
      %dma_wait3A_138 = tpu.memref_slice %arg8[%dma_wait3A_131, %dma_wait3A_137] : memref<40x128xi32, #tpu.memory_space<vmem>> -> memref<1x128xi32, #tpu.memory_space<vmem>>
      %dma_wait3A_139 = tpu.memref_squeeze %dma_wait3A_138 : memref<1x128xi32, #tpu.memory_space<vmem>> -> memref<128xi32, #tpu.memory_space<vmem>>
      %dma_wait3A_140 = arith.constant 0 : i32
      %dma_wait3A_141 = arith.constant 0 : i32
      %dma_wait3A_142 = tpu.memref_slice %arg2[%dma_wait3A_140, %dma_wait3A_141] : memref<10112x128xf32, #tpu.memory_space<hbm>> -> memref<10112x128xf32, #tpu.memory_space<hbm>>
      tpu.wait_indirect_dma semaphore(%arg15 : memref<!tpu.dma_semaphore, #tpu.memory_space<semaphore_mem>>) src(%dma_wait3A_142 : memref<10112x128xf32, #tpu.memory_space<hbm>>) dst(%dma_wait3A_136 : memref<128x128xf32, #tpu.memory_space<vmem>>)
      %run_scoped3A_143 = arith.constant 0 : i32
      "tpu.region"() ({
        %run_scoped3A_187 = tpu.sem_alloc : memref<!tpu.dma_semaphore, #tpu.memory_space<semaphore_mem>>
        %dma_start3A_188 = arith.constant 0 : i32
        %dma_start3A_189 = arith.constant 0 : i32
        %dma_start3A_190 = tpu.memref_slice %arg10[%run_scoped3A_143, %dma_start3A_188, %dma_start3A_189] : memref<2x128x128xf32, #tpu.memory_space<vmem>> -> memref<1x128x128xf32, #tpu.memory_space<vmem>>
        %dma_start3A_191 = tpu.memref_squeeze %dma_start3A_190 : memref<1x128x128xf32, #tpu.memory_space<vmem>> -> memref<128x128xf32, #tpu.memory_space<vmem>>
        %dma_start3A_192 = arith.constant 0 : i32
        %dma_start3A_193 = tpu.memref_slice %arg9[%add3A_130, %dma_start3A_192] : memref<40x128xi32, #tpu.memory_space<vmem>> -> memref<1x128xi32, #tpu.memory_space<vmem>>
        %dma_start3A_194 = tpu.memref_squeeze %dma_start3A_193 : memref<1x128xi32, #tpu.memory_space<vmem>> -> memref<128xi32, #tpu.memory_space<vmem>>
        %dma_start3A_195 = arith.constant 0 : i32
        %dma_start3A_196 = arith.constant 0 : i32
        %dma_start3A_197 = tpu.memref_slice %arg13[%dma_start3A_195, %dma_start3A_196] : memref<10112x128xf32, #tpu.memory_space<vmem_shared>> -> memref<10112x128xf32, #tpu.memory_space<vmem_shared>>
        tpu.enqueue_indirect_dma source(%dma_start3A_191 : memref<128x128xf32, #tpu.memory_space<vmem>>) target(%dma_start3A_197 : memref<10112x128xf32, #tpu.memory_space<vmem_shared>>) offsets(%dma_start3A_194 : memref<128xi32, #tpu.memory_space<vmem>>) semaphore(%run_scoped3A_187 : memref<!tpu.dma_semaphore, #tpu.memory_space<semaphore_mem>>) {add = true}
        %dma_wait3A_198 = arith.constant 0 : i32
        %dma_wait3A_199 = arith.constant 0 : i32
        %dma_wait3A_200 = tpu.memref_slice %arg10[%run_scoped3A_143, %dma_wait3A_198, %dma_wait3A_199] : memref<2x128x128xf32, #tpu.memory_space<vmem>> -> memref<1x128x128xf32, #tpu.memory_space<vmem>>
        %dma_wait3A_201 = tpu.memref_squeeze %dma_wait3A_200 : memref<1x128x128xf32, #tpu.memory_space<vmem>> -> memref<128x128xf32, #tpu.memory_space<vmem>>
        %dma_wait3A_202 = arith.constant 0 : i32
        %dma_wait3A_203 = tpu.memref_slice %arg9[%add3A_130, %dma_wait3A_202] : memref<40x128xi32, #tpu.memory_space<vmem>> -> memref<1x128xi32, #tpu.memory_space<vmem>>
        %dma_wait3A_204 = tpu.memref_squeeze %dma_wait3A_203 : memref<1x128xi32, #tpu.memory_space<vmem>> -> memref<128xi32, #tpu.memory_space<vmem>>
        %dma_wait3A_205 = arith.constant 0 : i32
        %dma_wait3A_206 = arith.constant 0 : i32
        %dma_wait3A_207 = tpu.memref_slice %arg13[%dma_wait3A_205, %dma_wait3A_206] : memref<10112x128xf32, #tpu.memory_space<vmem_shared>> -> memref<10112x128xf32, #tpu.memory_space<vmem_shared>>
        tpu.wait_indirect_dma semaphore(%run_scoped3A_187 : memref<!tpu.dma_semaphore, #tpu.memory_space<semaphore_mem>>) src(%dma_wait3A_201 : memref<128x128xf32, #tpu.memory_space<vmem>>) dst(%dma_wait3A_207 : memref<10112x128xf32, #tpu.memory_space<vmem_shared>>)
        tpu.yield
      }) : () -> ()
      %add3A_144 = arith.constant 2 : i32
      %add3A_145 = arith.addi %add3A_130, %add3A_144 : i32
      %dma_start3A_146 = arith.constant 0 : i32
      %dma_start3A_147 = arith.constant 0 : i32
      %dma_start3A_148 = arith.constant 0 : i32
      %dma_start3A_149 = tpu.memref_slice %arg10[%dma_start3A_146, %dma_start3A_147, %dma_start3A_148] : memref<2x128x128xf32, #tpu.memory_space<vmem>> -> memref<1x128x128xf32, #tpu.memory_space<vmem>>
      %dma_start3A_150 = tpu.memref_squeeze %dma_start3A_149 : memref<1x128x128xf32, #tpu.memory_space<vmem>> -> memref<128x128xf32, #tpu.memory_space<vmem>>
      %dma_start3A_151 = arith.constant 0 : i32
      %dma_start3A_152 = tpu.memref_slice %arg8[%add3A_145, %dma_start3A_151] : memref<40x128xi32, #tpu.memory_space<vmem>> -> memref<1x128xi32, #tpu.memory_space<vmem>>
      %dma_start3A_153 = tpu.memref_squeeze %dma_start3A_152 : memref<1x128xi32, #tpu.memory_space<vmem>> -> memref<128xi32, #tpu.memory_space<vmem>>
      %dma_start3A_154 = arith.constant 0 : i32
      %dma_start3A_155 = arith.constant 0 : i32
      %dma_start3A_156 = tpu.memref_slice %arg2[%dma_start3A_154, %dma_start3A_155] : memref<10112x128xf32, #tpu.memory_space<hbm>> -> memref<10112x128xf32, #tpu.memory_space<hbm>>
      tpu.enqueue_indirect_dma source(%dma_start3A_156 : memref<10112x128xf32, #tpu.memory_space<hbm>>) target(%dma_start3A_150 : memref<128x128xf32, #tpu.memory_space<vmem>>) offsets(%dma_start3A_153 : memref<128xi32, #tpu.memory_space<vmem>>) semaphore(%arg15 : memref<!tpu.dma_semaphore, #tpu.memory_space<semaphore_mem>>)
      %mul3A_157 = arith.constant 2 : i32
      %mul3A_158 = arith.muli %add3A_126, %mul3A_157 : i32
      %add3A_159 = arith.constant 1 : i32
      %add3A_160 = arith.addi %mul3A_158, %add3A_159 : i32
      %dma_wait3A_161 = arith.constant 1 : i32
      %dma_wait3A_162 = arith.constant 1 : i32
      %dma_wait3A_163 = arith.constant 0 : i32
      %dma_wait3A_164 = arith.constant 0 : i32
      %dma_wait3A_165 = tpu.memref_slice %arg10[%dma_wait3A_162, %dma_wait3A_163, %dma_wait3A_164] : memref<2x128x128xf32, #tpu.memory_space<vmem>> -> memref<1x128x128xf32, #tpu.memory_space<vmem>>
      %dma_wait3A_166 = tpu.memref_squeeze %dma_wait3A_165 : memref<1x128x128xf32, #tpu.memory_space<vmem>> -> memref<128x128xf32, #tpu.memory_space<vmem>>
      %dma_wait3A_167 = arith.constant 0 : i32
      %dma_wait3A_168 = tpu.memref_slice %arg8[%dma_wait3A_161, %dma_wait3A_167] : memref<40x128xi32, #tpu.memory_space<vmem>> -> memref<1x128xi32, #tpu.memory_space<vmem>>
      %dma_wait3A_169 = tpu.memref_squeeze %dma_wait3A_168 : memref<1x128xi32, #tpu.memory_space<vmem>> -> memref<128xi32, #tpu.memory_space<vmem>>
      %dma_wait3A_170 = arith.constant 0 : i32
      %dma_wait3A_171 = arith.constant 0 : i32
      %dma_wait3A_172 = tpu.memref_slice %arg2[%dma_wait3A_170, %dma_wait3A_171] : memref<10112x128xf32, #tpu.memory_space<hbm>> -> memref<10112x128xf32, #tpu.memory_space<hbm>>
      tpu.wait_indirect_dma semaphore(%arg16 : memref<!tpu.dma_semaphore, #tpu.memory_space<semaphore_mem>>) src(%dma_wait3A_172 : memref<10112x128xf32, #tpu.memory_space<hbm>>) dst(%dma_wait3A_166 : memref<128x128xf32, #tpu.memory_space<vmem>>)
      %run_scoped3A_173 = arith.constant 1 : i32
      "tpu.region"() ({
        %run_scoped3A_187 = tpu.sem_alloc : memref<!tpu.dma_semaphore, #tpu.memory_space<semaphore_mem>>
        %dma_start3A_188 = arith.constant 0 : i32
        %dma_start3A_189 = arith.constant 0 : i32
        %dma_start3A_190 = tpu.memref_slice %arg10[%run_scoped3A_173, %dma_start3A_188, %dma_start3A_189] : memref<2x128x128xf32, #tpu.memory_space<vmem>> -> memref<1x128x128xf32, #tpu.memory_space<vmem>>
        %dma_start3A_191 = tpu.memref_squeeze %dma_start3A_190 : memref<1x128x128xf32, #tpu.memory_space<vmem>> -> memref<128x128xf32, #tpu.memory_space<vmem>>
        %dma_start3A_192 = arith.constant 0 : i32
        %dma_start3A_193 = tpu.memref_slice %arg9[%add3A_160, %dma_start3A_192] : memref<40x128xi32, #tpu.memory_space<vmem>> -> memref<1x128xi32, #tpu.memory_space<vmem>>
        %dma_start3A_194 = tpu.memref_squeeze %dma_start3A_193 : memref<1x128xi32, #tpu.memory_space<vmem>> -> memref<128xi32, #tpu.memory_space<vmem>>
        %dma_start3A_195 = arith.constant 0 : i32
        %dma_start3A_196 = arith.constant 0 : i32
        %dma_start3A_197 = tpu.memref_slice %arg13[%dma_start3A_195, %dma_start3A_196] : memref<10112x128xf32, #tpu.memory_space<vmem_shared>> -> memref<10112x128xf32, #tpu.memory_space<vmem_shared>>
        tpu.enqueue_indirect_dma source(%dma_start3A_191 : memref<128x128xf32, #tpu.memory_space<vmem>>) target(%dma_start3A_197 : memref<10112x128xf32, #tpu.memory_space<vmem_shared>>) offsets(%dma_start3A_194 : memref<128xi32, #tpu.memory_space<vmem>>) semaphore(%run_scoped3A_187 : memref<!tpu.dma_semaphore, #tpu.memory_space<semaphore_mem>>) {add = true}
        %dma_wait3A_198 = arith.constant 0 : i32
        %dma_wait3A_199 = arith.constant 0 : i32
        %dma_wait3A_200 = tpu.memref_slice %arg10[%run_scoped3A_173, %dma_wait3A_198, %dma_wait3A_199] : memref<2x128x128xf32, #tpu.memory_space<vmem>> -> memref<1x128x128xf32, #tpu.memory_space<vmem>>
        %dma_wait3A_201 = tpu.memref_squeeze %dma_wait3A_200 : memref<1x128x128xf32, #tpu.memory_space<vmem>> -> memref<128x128xf32, #tpu.memory_space<vmem>>
        %dma_wait3A_202 = arith.constant 0 : i32
        %dma_wait3A_203 = tpu.memref_slice %arg9[%add3A_160, %dma_wait3A_202] : memref<40x128xi32, #tpu.memory_space<vmem>> -> memref<1x128xi32, #tpu.memory_space<vmem>>
        %dma_wait3A_204 = tpu.memref_squeeze %dma_wait3A_203 : memref<1x128xi32, #tpu.memory_space<vmem>> -> memref<128xi32, #tpu.memory_space<vmem>>
        %dma_wait3A_205 = arith.constant 0 : i32
        %dma_wait3A_206 = arith.constant 0 : i32
        %dma_wait3A_207 = tpu.memref_slice %arg13[%dma_wait3A_205, %dma_wait3A_206] : memref<10112x128xf32, #tpu.memory_space<vmem_shared>> -> memref<10112x128xf32, #tpu.memory_space<vmem_shared>>
        tpu.wait_indirect_dma semaphore(%run_scoped3A_187 : memref<!tpu.dma_semaphore, #tpu.memory_space<semaphore_mem>>) src(%dma_wait3A_201 : memref<128x128xf32, #tpu.memory_space<vmem>>) dst(%dma_wait3A_207 : memref<10112x128xf32, #tpu.memory_space<vmem_shared>>)
        tpu.yield
      }) : () -> ()
      %add3A_174 = arith.constant 2 : i32
      %add3A_175 = arith.addi %add3A_160, %add3A_174 : i32
      %dma_start3A_176 = arith.constant 1 : i32
      %dma_start3A_177 = arith.constant 0 : i32
      %dma_start3A_178 = arith.constant 0 : i32
      %dma_start3A_179 = tpu.memref_slice %arg10[%dma_start3A_176, %dma_start3A_177, %dma_start3A_178] : memref<2x128x128xf32, #tpu.memory_space<vmem>> -> memref<1x128x128xf32, #tpu.memory_space<vmem>>
      %dma_start3A_180 = tpu.memref_squeeze %dma_start3A_179 : memref<1x128x128xf32, #tpu.memory_space<vmem>> -> memref<128x128xf32, #tpu.memory_space<vmem>>
      %dma_start3A_181 = arith.constant 0 : i32
      %dma_start3A_182 = tpu.memref_slice %arg8[%add3A_175, %dma_start3A_181] : memref<40x128xi32, #tpu.memory_space<vmem>> -> memref<1x128xi32, #tpu.memory_space<vmem>>
      %dma_start3A_183 = tpu.memref_squeeze %dma_start3A_182 : memref<1x128xi32, #tpu.memory_space<vmem>> -> memref<128xi32, #tpu.memory_space<vmem>>
      %dma_start3A_184 = arith.constant 0 : i32
      %dma_start3A_185 = arith.constant 0 : i32
      %dma_start3A_186 = tpu.memref_slice %arg2[%dma_start3A_184, %dma_start3A_185] : memref<10112x128xf32, #tpu.memory_space<hbm>> -> memref<10112x128xf32, #tpu.memory_space<hbm>>
      tpu.enqueue_indirect_dma source(%dma_start3A_186 : memref<10112x128xf32, #tpu.memory_space<hbm>>) target(%dma_start3A_180 : memref<128x128xf32, #tpu.memory_space<vmem>>) offsets(%dma_start3A_183 : memref<128xi32, #tpu.memory_space<vmem>>) semaphore(%arg16 : memref<!tpu.dma_semaphore, #tpu.memory_space<semaphore_mem>>)
    }
    %scan3A_92 = arith.constant 19 : i32
    %dma_wait3A_93 = arith.constant 0 : i32
    %dma_wait3A_94 = arith.constant 0 : i32
    %dma_wait3A_95 = arith.constant 0 : i32
    %dma_wait3A_96 = arith.constant 0 : i32
    %dma_wait3A_97 = tpu.memref_slice %arg10[%dma_wait3A_94, %dma_wait3A_95, %dma_wait3A_96] : memref<2x128x128xf32, #tpu.memory_space<vmem>> -> memref<1x128x128xf32, #tpu.memory_space<vmem>>
    %dma_wait3A_98 = tpu.memref_squeeze %dma_wait3A_97 : memref<1x128x128xf32, #tpu.memory_space<vmem>> -> memref<128x128xf32, #tpu.memory_space<vmem>>
    %dma_wait3A_99 = arith.constant 0 : i32
    %dma_wait3A_100 = tpu.memref_slice %arg8[%dma_wait3A_93, %dma_wait3A_99] : memref<40x128xi32, #tpu.memory_space<vmem>> -> memref<1x128xi32, #tpu.memory_space<vmem>>
    %dma_wait3A_101 = tpu.memref_squeeze %dma_wait3A_100 : memref<1x128xi32, #tpu.memory_space<vmem>> -> memref<128xi32, #tpu.memory_space<vmem>>
    %dma_wait3A_102 = arith.constant 0 : i32
    %dma_wait3A_103 = arith.constant 0 : i32
    %dma_wait3A_104 = tpu.memref_slice %arg2[%dma_wait3A_102, %dma_wait3A_103] : memref<10112x128xf32, #tpu.memory_space<hbm>> -> memref<10112x128xf32, #tpu.memory_space<hbm>>
    tpu.wait_indirect_dma semaphore(%arg15 : memref<!tpu.dma_semaphore, #tpu.memory_space<semaphore_mem>>) src(%dma_wait3A_104 : memref<10112x128xf32, #tpu.memory_space<hbm>>) dst(%dma_wait3A_98 : memref<128x128xf32, #tpu.memory_space<vmem>>)
    %run_scoped3A_105 = arith.constant 0 : i32
    %run_scoped3A_106 = arith.constant 38 : i32
    "tpu.region"() ({
      %run_scoped3A_122 = tpu.sem_alloc : memref<!tpu.dma_semaphore, #tpu.memory_space<semaphore_mem>>
      %dma_start3A_123 = arith.constant 0 : i32
      %dma_start3A_124 = arith.constant 0 : i32
      %dma_start3A_125 = tpu.memref_slice %arg10[%run_scoped3A_105, %dma_start3A_123, %dma_start3A_124] : memref<2x128x128xf32, #tpu.memory_space<vmem>> -> memref<1x128x128xf32, #tpu.memory_space<vmem>>
      %dma_start3A_126 = tpu.memref_squeeze %dma_start3A_125 : memref<1x128x128xf32, #tpu.memory_space<vmem>> -> memref<128x128xf32, #tpu.memory_space<vmem>>
      %dma_start3A_127 = arith.constant 0 : i32
      %dma_start3A_128 = tpu.memref_slice %arg9[%run_scoped3A_106, %dma_start3A_127] : memref<40x128xi32, #tpu.memory_space<vmem>> -> memref<1x128xi32, #tpu.memory_space<vmem>>
      %dma_start3A_129 = tpu.memref_squeeze %dma_start3A_128 : memref<1x128xi32, #tpu.memory_space<vmem>> -> memref<128xi32, #tpu.memory_space<vmem>>
      %dma_start3A_130 = arith.constant 0 : i32
      %dma_start3A_131 = arith.constant 0 : i32
      %dma_start3A_132 = tpu.memref_slice %arg13[%dma_start3A_130, %dma_start3A_131] : memref<10112x128xf32, #tpu.memory_space<vmem_shared>> -> memref<10112x128xf32, #tpu.memory_space<vmem_shared>>
      tpu.enqueue_indirect_dma source(%dma_start3A_126 : memref<128x128xf32, #tpu.memory_space<vmem>>) target(%dma_start3A_132 : memref<10112x128xf32, #tpu.memory_space<vmem_shared>>) offsets(%dma_start3A_129 : memref<128xi32, #tpu.memory_space<vmem>>) semaphore(%run_scoped3A_122 : memref<!tpu.dma_semaphore, #tpu.memory_space<semaphore_mem>>) {add = true}
      %dma_wait3A_133 = arith.constant 0 : i32
      %dma_wait3A_134 = arith.constant 0 : i32
      %dma_wait3A_135 = tpu.memref_slice %arg10[%run_scoped3A_105, %dma_wait3A_133, %dma_wait3A_134] : memref<2x128x128xf32, #tpu.memory_space<vmem>> -> memref<1x128x128xf32, #tpu.memory_space<vmem>>
      %dma_wait3A_136 = tpu.memref_squeeze %dma_wait3A_135 : memref<1x128x128xf32, #tpu.memory_space<vmem>> -> memref<128x128xf32, #tpu.memory_space<vmem>>
      %dma_wait3A_137 = arith.constant 0 : i32
      %dma_wait3A_138 = tpu.memref_slice %arg9[%run_scoped3A_106, %dma_wait3A_137] : memref<40x128xi32, #tpu.memory_space<vmem>> -> memref<1x128xi32, #tpu.memory_space<vmem>>
      %dma_wait3A_139 = tpu.memref_squeeze %dma_wait3A_138 : memref<1x128xi32, #tpu.memory_space<vmem>> -> memref<128xi32, #tpu.memory_space<vmem>>
      %dma_wait3A_140 = arith.constant 0 : i32
      %dma_wait3A_141 = arith.constant 0 : i32
      %dma_wait3A_142 = tpu.memref_slice %arg13[%dma_wait3A_140, %dma_wait3A_141] : memref<10112x128xf32, #tpu.memory_space<vmem_shared>> -> memref<10112x128xf32, #tpu.memory_space<vmem_shared>>
      tpu.wait_indirect_dma semaphore(%run_scoped3A_122 : memref<!tpu.dma_semaphore, #tpu.memory_space<semaphore_mem>>) src(%dma_wait3A_136 : memref<128x128xf32, #tpu.memory_space<vmem>>) dst(%dma_wait3A_142 : memref<10112x128xf32, #tpu.memory_space<vmem_shared>>)
      tpu.yield
    }) : () -> ()
    %dma_wait3A_107 = arith.constant 1 : i32
    %dma_wait3A_108 = arith.constant 1 : i32
    %dma_wait3A_109 = arith.constant 0 : i32
    %dma_wait3A_110 = arith.constant 0 : i32
    %dma_wait3A_111 = tpu.memref_slice %arg10[%dma_wait3A_108, %dma_wait3A_109, %dma_wait3A_110] : memref<2x128x128xf32, #tpu.memory_space<vmem>> -> memref<1x128x128xf32, #tpu.memory_space<vmem>>
    %dma_wait3A_112 = tpu.memref_squeeze %dma_wait3A_111 : memref<1x128x128xf32, #tpu.memory_space<vmem>> -> memref<128x128xf32, #tpu.memory_space<vmem>>
    %dma_wait3A_113 = arith.constant 0 : i32
    %dma_wait3A_114 = tpu.memref_slice %arg8[%dma_wait3A_107, %dma_wait3A_113] : memref<40x128xi32, #tpu.memory_space<vmem>> -> memref<1x128xi32, #tpu.memory_space<vmem>>
    %dma_wait3A_115 = tpu.memref_squeeze %dma_wait3A_114 : memref<1x128xi32, #tpu.memory_space<vmem>> -> memref<128xi32, #tpu.memory_space<vmem>>
    %dma_wait3A_116 = arith.constant 0 : i32
    %dma_wait3A_117 = arith.constant 0 : i32
    %dma_wait3A_118 = tpu.memref_slice %arg2[%dma_wait3A_116, %dma_wait3A_117] : memref<10112x128xf32, #tpu.memory_space<hbm>> -> memref<10112x128xf32, #tpu.memory_space<hbm>>
    tpu.wait_indirect_dma semaphore(%arg16 : memref<!tpu.dma_semaphore, #tpu.memory_space<semaphore_mem>>) src(%dma_wait3A_118 : memref<10112x128xf32, #tpu.memory_space<hbm>>) dst(%dma_wait3A_112 : memref<128x128xf32, #tpu.memory_space<vmem>>)
    %run_scoped3A_119 = arith.constant 1 : i32
    %run_scoped3A_120 = arith.constant 39 : i32
    "tpu.region"() ({
      %run_scoped3A_122 = tpu.sem_alloc : memref<!tpu.dma_semaphore, #tpu.memory_space<semaphore_mem>>
      %dma_start3A_123 = arith.constant 0 : i32
      %dma_start3A_124 = arith.constant 0 : i32
      %dma_start3A_125 = tpu.memref_slice %arg10[%run_scoped3A_119, %dma_start3A_123, %dma_start3A_124] : memref<2x128x128xf32, #tpu.memory_space<vmem>> -> memref<1x128x128xf32, #tpu.memory_space<vmem>>
      %dma_start3A_126 = tpu.memref_squeeze %dma_start3A_125 : memref<1x128x128xf32, #tpu.memory_space<vmem>> -> memref<128x128xf32, #tpu.memory_space<vmem>>
      %dma_start3A_127 = arith.constant 0 : i32
      %dma_start3A_128 = tpu.memref_slice %arg9[%run_scoped3A_120, %dma_start3A_127] : memref<40x128xi32, #tpu.memory_space<vmem>> -> memref<1x128xi32, #tpu.memory_space<vmem>>
      %dma_start3A_129 = tpu.memref_squeeze %dma_start3A_128 : memref<1x128xi32, #tpu.memory_space<vmem>> -> memref<128xi32, #tpu.memory_space<vmem>>
      %dma_start3A_130 = arith.constant 0 : i32
      %dma_start3A_131 = arith.constant 0 : i32
      %dma_start3A_132 = tpu.memref_slice %arg13[%dma_start3A_130, %dma_start3A_131] : memref<10112x128xf32, #tpu.memory_space<vmem_shared>> -> memref<10112x128xf32, #tpu.memory_space<vmem_shared>>
      tpu.enqueue_indirect_dma source(%dma_start3A_126 : memref<128x128xf32, #tpu.memory_space<vmem>>) target(%dma_start3A_132 : memref<10112x128xf32, #tpu.memory_space<vmem_shared>>) offsets(%dma_start3A_129 : memref<128xi32, #tpu.memory_space<vmem>>) semaphore(%run_scoped3A_122 : memref<!tpu.dma_semaphore, #tpu.memory_space<semaphore_mem>>) {add = true}
      %dma_wait3A_133 = arith.constant 0 : i32
      %dma_wait3A_134 = arith.constant 0 : i32
      %dma_wait3A_135 = tpu.memref_slice %arg10[%run_scoped3A_119, %dma_wait3A_133, %dma_wait3A_134] : memref<2x128x128xf32, #tpu.memory_space<vmem>> -> memref<1x128x128xf32, #tpu.memory_space<vmem>>
      %dma_wait3A_136 = tpu.memref_squeeze %dma_wait3A_135 : memref<1x128x128xf32, #tpu.memory_space<vmem>> -> memref<128x128xf32, #tpu.memory_space<vmem>>
      %dma_wait3A_137 = arith.constant 0 : i32
      %dma_wait3A_138 = tpu.memref_slice %arg9[%run_scoped3A_120, %dma_wait3A_137] : memref<40x128xi32, #tpu.memory_space<vmem>> -> memref<1x128xi32, #tpu.memory_space<vmem>>
      %dma_wait3A_139 = tpu.memref_squeeze %dma_wait3A_138 : memref<1x128xi32, #tpu.memory_space<vmem>> -> memref<128xi32, #tpu.memory_space<vmem>>
      %dma_wait3A_140 = arith.constant 0 : i32
      %dma_wait3A_141 = arith.constant 0 : i32
      %dma_wait3A_142 = tpu.memref_slice %arg13[%dma_wait3A_140, %dma_wait3A_141] : memref<10112x128xf32, #tpu.memory_space<vmem_shared>> -> memref<10112x128xf32, #tpu.memory_space<vmem_shared>>
      tpu.wait_indirect_dma semaphore(%run_scoped3A_122 : memref<!tpu.dma_semaphore, #tpu.memory_space<semaphore_mem>>) src(%dma_wait3A_136 : memref<128x128xf32, #tpu.memory_space<vmem>>) dst(%dma_wait3A_142 : memref<10112x128xf32, #tpu.memory_space<vmem_shared>>)
      tpu.yield
    }) : () -> ()
    %barrier3A_121 = arith.constant 0 : index
    tpu.barrier barrier_id(%barrier3A_121)
    "tpu.region"() ({
      %run_scoped3A_122 = tpu.sem_alloc : memref<!tpu.dma_semaphore, #tpu.memory_space<semaphore_mem>>
      %dma_start3A_123 = arith.constant 0 : i32
      %dma_start3A_124 = tpu.memref_slice %arg6[%arg0, %mul3A_2, %dma_start3A_123] : memref<2x10112x128xf32, #tpu.memory_space<hbm>> -> memref<1x632x128xf32, #tpu.memory_space<hbm>>
      %dma_start3A_125 = tpu.memref_squeeze %dma_start3A_124 : memref<1x632x128xf32, #tpu.memory_space<hbm>> -> memref<632x128xf32, #tpu.memory_space<hbm>>
      %dma_start3A_126 = arith.constant 0 : i32
      %dma_start3A_127 = tpu.memref_slice %arg13[%mul3A_2, %dma_start3A_126] : memref<10112x128xf32, #tpu.memory_space<vmem_shared>> -> memref<632x128xf32, #tpu.memory_space<vmem_shared>>
      tpu.enqueue_dma source(%dma_start3A_127 : memref<632x128xf32, #tpu.memory_space<vmem_shared>>) target(%dma_start3A_125 : memref<632x128xf32, #tpu.memory_space<hbm>>) target_semaphore(%run_scoped3A_122 : memref<!tpu.dma_semaphore, #tpu.memory_space<semaphore_mem>>)
      %dma_wait3A_128 = arith.constant 0 : i32
      %dma_wait3A_129 = tpu.memref_slice %arg6[%arg0, %mul3A_2, %dma_wait3A_128] : memref<2x10112x128xf32, #tpu.memory_space<hbm>> -> memref<1x632x128xf32, #tpu.memory_space<hbm>>
      %dma_wait3A_130 = tpu.memref_squeeze %dma_wait3A_129 : memref<1x632x128xf32, #tpu.memory_space<hbm>> -> memref<632x128xf32, #tpu.memory_space<hbm>>
      %dma_wait3A_131 = arith.constant 0 : i32
      %dma_wait3A_132 = tpu.memref_slice %arg13[%mul3A_2, %dma_wait3A_131] : memref<10112x128xf32, #tpu.memory_space<vmem_shared>> -> memref<632x128xf32, #tpu.memory_space<vmem_shared>>
      tpu.wait_dma2 semaphore(%run_scoped3A_122 : memref<!tpu.dma_semaphore, #tpu.memory_space<semaphore_mem>>) src(%dma_wait3A_132 : memref<632x128xf32, #tpu.memory_space<vmem_shared>>) dst(%dma_wait3A_130 : memref<632x128xf32, #tpu.memory_space<hbm>>)
      tpu.yield
    }) : () -> ()
    return
  }
}

#map = affine_map<(d0, d1) -> (0, 0)>
#map1 = affine_map<(d0, d1) -> (0, 0, 0)>
#map2 = affine_map<(d0, d1) -> (0)>
module attributes {stable_mosaic.version = 14 : i64} {
  func.func @_agg_body(%arg0: i32, %arg1: i32, %arg2: memref<10000x128xf32, #tpu.memory_space<hbm>>, %arg3: memref<2560x128xi32, #tpu.memory_space<hbm>>, %arg4: memref<2560x128xi32, #tpu.memory_space<hbm>>, %arg5: memref<10112x128xf32, #tpu.memory_space<hbm>>, %arg6: memref<2x10112x128xf32, #tpu.memory_space<hbm>>, %arg7: memref<20224xf32, #tpu.memory_space<hbm>>, %arg8: memref<40x128xi32, #tpu.memory_space<vmem>>, %arg9: memref<40x128xi32, #tpu.memory_space<vmem>>, %arg10: memref<2x128x128xf32, #tpu.memory_space<vmem>>, %arg11: memref<128xf32, #tpu.memory_space<vmem>>, %arg12: memref<640xf32, #tpu.memory_space<vmem>>, %arg13: memref<10112x128xf32, #tpu.memory_space<vmem_shared>>, %arg14: memref<10112xf32, #tpu.memory_space<vmem_shared>>, %arg15: memref<!tpu.dma_semaphore, #tpu.memory_space<semaphore_mem>>, %arg16: memref<!tpu.dma_semaphore, #tpu.memory_space<semaphore_mem>>) attributes {dimension_semantics = [#tpu.dimension_semantics<core_parallel>, #tpu.dimension_semantics<subcore_parallel>], iteration_bounds = array<i64: 2, 16>, scalar_prefetch = 0 : i64, scratch_operands = 9 : i64, tpu.core_type = #tpu.core_type<sc_vector_subcore>, window_params = [{transform_indices = #map}, {transform_indices = #map}, {transform_indices = #map}, {transform_indices = #map}, {transform_indices = #map1}, {transform_indices = #map2}]} {
    %mul3A = arith.constant 16 : i32
    %mul3A_0 = arith.muli %arg0, %mul3A : i32
    %add3A = arith.addi %mul3A_0, %arg1 : i32
    %mul3A_1 = arith.constant 632 : i32
    %mul3A_2 = arith.muli %arg1, %mul3A_1 : i32
    "tpu.region"() ({
      %run_scoped3A_415 = tpu.sem_alloc : memref<!tpu.dma_semaphore, #tpu.memory_space<semaphore_mem>>
      %dma_start3A_416 = arith.constant 0 : i32
      %dma_start3A_417 = tpu.memref_slice %arg13[%mul3A_2, %dma_start3A_416] : memref<10112x128xf32, #tpu.memory_space<vmem_shared>> -> memref<632x128xf32, #tpu.memory_space<vmem_shared>>
      %dma_start3A_418 = arith.constant 0 : i32
      %dma_start3A_419 = tpu.memref_slice %arg5[%mul3A_2, %dma_start3A_418] : memref<10112x128xf32, #tpu.memory_space<hbm>> -> memref<632x128xf32, #tpu.memory_space<hbm>>
      tpu.enqueue_dma source(%dma_start3A_419 : memref<632x128xf32, #tpu.memory_space<hbm>>) target(%dma_start3A_417 : memref<632x128xf32, #tpu.memory_space<vmem_shared>>) target_semaphore(%run_scoped3A_415 : memref<!tpu.dma_semaphore, #tpu.memory_space<semaphore_mem>>)
      %dma_wait3A_420 = arith.constant 0 : i32
      %dma_wait3A_421 = tpu.memref_slice %arg13[%mul3A_2, %dma_wait3A_420] : memref<10112x128xf32, #tpu.memory_space<vmem_shared>> -> memref<632x128xf32, #tpu.memory_space<vmem_shared>>
      %dma_wait3A_422 = arith.constant 0 : i32
      %dma_wait3A_423 = tpu.memref_slice %arg5[%mul3A_2, %dma_wait3A_422] : memref<10112x128xf32, #tpu.memory_space<hbm>> -> memref<632x128xf32, #tpu.memory_space<hbm>>
      tpu.wait_dma2 semaphore(%run_scoped3A_415 : memref<!tpu.dma_semaphore, #tpu.memory_space<semaphore_mem>>) src(%dma_wait3A_423 : memref<632x128xf32, #tpu.memory_space<hbm>>) dst(%dma_wait3A_421 : memref<632x128xf32, #tpu.memory_space<vmem_shared>>)
      tpu.yield
    }) : () -> ()
    %broadcast_in_dim3A = arith.constant 0.000000e+00 : f32
    %broadcast_in_dim3A_3 = vector.broadcast %broadcast_in_dim3A : f32 to vector<16xf32>
    %swap3A = arith.constant 0 : index
    %swap3A_4 = tpu.vector_load %arg12[%swap3A] {strides = array<i32>} : memref<640xf32, #tpu.memory_space<vmem>>, vector<16xf32>,
    %swap3A_5 = vector.shape_cast %swap3A_4 : vector<16xf32> to vector<16xf32>
    %swap3A_6 = vector.shape_cast %broadcast_in_dim3A_3 : vector<16xf32> to vector<16xf32>
    tpu.vector_store %arg12[%swap3A], %swap3A_6 {strides = array<i32>} : memref<640xf32, #tpu.memory_space<vmem>>, vector<16xf32>,
    %broadcast_in_dim3A_7 = arith.constant 0.000000e+00 : f32
    %broadcast_in_dim3A_8 = vector.broadcast %broadcast_in_dim3A_7 : f32 to vector<16xf32>
    %swap3A_9 = arith.constant 16 : index
    %swap3A_10 = tpu.vector_load %arg12[%swap3A_9] {strides = array<i32>} : memref<640xf32, #tpu.memory_space<vmem>>, vector<16xf32>,
    %swap3A_11 = vector.shape_cast %swap3A_10 : vector<16xf32> to vector<16xf32>
    %swap3A_12 = vector.shape_cast %broadcast_in_dim3A_8 : vector<16xf32> to vector<16xf32>
    tpu.vector_store %arg12[%swap3A_9], %swap3A_12 {strides = array<i32>} : memref<640xf32, #tpu.memory_space<vmem>>, vector<16xf32>,
    %broadcast_in_dim3A_13 = arith.constant 0.000000e+00 : f32
    %broadcast_in_dim3A_14 = vector.broadcast %broadcast_in_dim3A_13 : f32 to vector<16xf32>
    %swap3A_15 = arith.constant 32 : index
    %swap3A_16 = tpu.vector_load %arg12[%swap3A_15] {strides = array<i32>} : memref<640xf32, #tpu.memory_space<vmem>>, vector<16xf32>,
    %swap3A_17 = vector.shape_cast %swap3A_16 : vector<16xf32> to vector<16xf32>
    %swap3A_18 = vector.shape_cast %broadcast_in_dim3A_14 : vector<16xf32> to vector<16xf32>
    tpu.vector_store %arg12[%swap3A_15], %swap3A_18 {strides = array<i32>} : memref<640xf32, #tpu.memory_space<vmem>>, vector<16xf32>,
    %broadcast_in_dim3A_19 = arith.constant 0.000000e+00 : f32
    %broadcast_in_dim3A_20 = vector.broadcast %broadcast_in_dim3A_19 : f32 to vector<16xf32>
    %swap3A_21 = arith.constant 48 : index
    %swap3A_22 = tpu.vector_load %arg12[%swap3A_21] {strides = array<i32>} : memref<640xf32, #tpu.memory_space<vmem>>, vector<16xf32>,
    %swap3A_23 = vector.shape_cast %swap3A_22 : vector<16xf32> to vector<16xf32>
    %swap3A_24 = vector.shape_cast %broadcast_in_dim3A_20 : vector<16xf32> to vector<16xf32>
    tpu.vector_store %arg12[%swap3A_21], %swap3A_24 {strides = array<i32>} : memref<640xf32, #tpu.memory_space<vmem>>, vector<16xf32>,
    %broadcast_in_dim3A_25 = arith.constant 0.000000e+00 : f32
    %broadcast_in_dim3A_26 = vector.broadcast %broadcast_in_dim3A_25 : f32 to vector<16xf32>
    %swap3A_27 = arith.constant 64 : index
    %swap3A_28 = tpu.vector_load %arg12[%swap3A_27] {strides = array<i32>} : memref<640xf32, #tpu.memory_space<vmem>>, vector<16xf32>,
    %swap3A_29 = vector.shape_cast %swap3A_28 : vector<16xf32> to vector<16xf32>
    %swap3A_30 = vector.shape_cast %broadcast_in_dim3A_26 : vector<16xf32> to vector<16xf32>
    tpu.vector_store %arg12[%swap3A_27], %swap3A_30 {strides = array<i32>} : memref<640xf32, #tpu.memory_space<vmem>>, vector<16xf32>,
    %broadcast_in_dim3A_31 = arith.constant 0.000000e+00 : f32
    %broadcast_in_dim3A_32 = vector.broadcast %broadcast_in_dim3A_31 : f32 to vector<16xf32>
    %swap3A_33 = arith.constant 80 : index
    %swap3A_34 = tpu.vector_load %arg12[%swap3A_33] {strides = array<i32>} : memref<640xf32, #tpu.memory_space<vmem>>, vector<16xf32>,
    %swap3A_35 = vector.shape_cast %swap3A_34 : vector<16xf32> to vector<16xf32>
    %swap3A_36 = vector.shape_cast %broadcast_in_dim3A_32 : vector<16xf32> to vector<16xf32>
    tpu.vector_store %arg12[%swap3A_33], %swap3A_36 {strides = array<i32>} : memref<640xf32, #tpu.memory_space<vmem>>, vector<16xf32>,
    %broadcast_in_dim3A_37 = arith.constant 0.000000e+00 : f32
    %broadcast_in_dim3A_38 = vector.broadcast %broadcast_in_dim3A_37 : f32 to vector<16xf32>
    %swap3A_39 = arith.constant 96 : index
    %swap3A_40 = tpu.vector_load %arg12[%swap3A_39] {strides = array<i32>} : memref<640xf32, #tpu.memory_space<vmem>>, vector<16xf32>,
    %swap3A_41 = vector.shape_cast %swap3A_40 : vector<16xf32> to vector<16xf32>
    %swap3A_42 = vector.shape_cast %broadcast_in_dim3A_38 : vector<16xf32> to vector<16xf32>
    tpu.vector_store %arg12[%swap3A_39], %swap3A_42 {strides = array<i32>} : memref<640xf32, #tpu.memory_space<vmem>>, vector<16xf32>,
    %broadcast_in_dim3A_43 = arith.constant 0.000000e+00 : f32
    %broadcast_in_dim3A_44 = vector.broadcast %broadcast_in_dim3A_43 : f32 to vector<16xf32>
    %swap3A_45 = arith.constant 112 : index
    %swap3A_46 = tpu.vector_load %arg12[%swap3A_45] {strides = array<i32>} : memref<640xf32, #tpu.memory_space<vmem>>, vector<16xf32>,
    %swap3A_47 = vector.shape_cast %swap3A_46 : vector<16xf32> to vector<16xf32>
    %swap3A_48 = vector.shape_cast %broadcast_in_dim3A_44 : vector<16xf32> to vector<16xf32>
    tpu.vector_store %arg12[%swap3A_45], %swap3A_48 {strides = array<i32>} : memref<640xf32, #tpu.memory_space<vmem>>, vector<16xf32>,
    %broadcast_in_dim3A_49 = arith.constant 0.000000e+00 : f32
    %broadcast_in_dim3A_50 = vector.broadcast %broadcast_in_dim3A_49 : f32 to vector<16xf32>
    %swap3A_51 = arith.constant 128 : index
    %swap3A_52 = tpu.vector_load %arg12[%swap3A_51] {strides = array<i32>} : memref<640xf32, #tpu.memory_space<vmem>>, vector<16xf32>,
    %swap3A_53 = vector.shape_cast %swap3A_52 : vector<16xf32> to vector<16xf32>
    %swap3A_54 = vector.shape_cast %broadcast_in_dim3A_50 : vector<16xf32> to vector<16xf32>
    tpu.vector_store %arg12[%swap3A_51], %swap3A_54 {strides = array<i32>} : memref<640xf32, #tpu.memory_space<vmem>>, vector<16xf32>,
    %broadcast_in_dim3A_55 = arith.constant 0.000000e+00 : f32
    %broadcast_in_dim3A_56 = vector.broadcast %broadcast_in_dim3A_55 : f32 to vector<16xf32>
    %swap3A_57 = arith.constant 144 : index
    %swap3A_58 = tpu.vector_load %arg12[%swap3A_57] {strides = array<i32>} : memref<640xf32, #tpu.memory_space<vmem>>, vector<16xf32>,
    %swap3A_59 = vector.shape_cast %swap3A_58 : vector<16xf32> to vector<16xf32>
    %swap3A_60 = vector.shape_cast %broadcast_in_dim3A_56 : vector<16xf32> to vector<16xf32>
    tpu.vector_store %arg12[%swap3A_57], %swap3A_60 {strides = array<i32>} : memref<640xf32, #tpu.memory_space<vmem>>, vector<16xf32>,
    %broadcast_in_dim3A_61 = arith.constant 0.000000e+00 : f32
    %broadcast_in_dim3A_62 = vector.broadcast %broadcast_in_dim3A_61 : f32 to vector<16xf32>
    %swap3A_63 = arith.constant 160 : index
    %swap3A_64 = tpu.vector_load %arg12[%swap3A_63] {strides = array<i32>} : memref<640xf32, #tpu.memory_space<vmem>>, vector<16xf32>,
    %swap3A_65 = vector.shape_cast %swap3A_64 : vector<16xf32> to vector<16xf32>
    %swap3A_66 = vector.shape_cast %broadcast_in_dim3A_62 : vector<16xf32> to vector<16xf32>
    tpu.vector_store %arg12[%swap3A_63], %swap3A_66 {strides = array<i32>} : memref<640xf32, #tpu.memory_space<vmem>>, vector<16xf32>,
    %broadcast_in_dim3A_67 = arith.constant 0.000000e+00 : f32
    %broadcast_in_dim3A_68 = vector.broadcast %broadcast_in_dim3A_67 : f32 to vector<16xf32>
    %swap3A_69 = arith.constant 176 : index
    %swap3A_70 = tpu.vector_load %arg12[%swap3A_69] {strides = array<i32>} : memref<640xf32, #tpu.memory_space<vmem>>, vector<16xf32>,
    %swap3A_71 = vector.shape_cast %swap3A_70 : vector<16xf32> to vector<16xf32>
    %swap3A_72 = vector.shape_cast %broadcast_in_dim3A_68 : vector<16xf32> to vector<16xf32>
    tpu.vector_store %arg12[%swap3A_69], %swap3A_72 {strides = array<i32>} : memref<640xf32, #tpu.memory_space<vmem>>, vector<16xf32>,
    %broadcast_in_dim3A_73 = arith.constant 0.000000e+00 : f32
    %broadcast_in_dim3A_74 = vector.broadcast %broadcast_in_dim3A_73 : f32 to vector<16xf32>
    %swap3A_75 = arith.constant 192 : index
    %swap3A_76 = tpu.vector_load %arg12[%swap3A_75] {strides = array<i32>} : memref<640xf32, #tpu.memory_space<vmem>>, vector<16xf32>,
    %swap3A_77 = vector.shape_cast %swap3A_76 : vector<16xf32> to vector<16xf32>
    %swap3A_78 = vector.shape_cast %broadcast_in_dim3A_74 : vector<16xf32> to vector<16xf32>
    tpu.vector_store %arg12[%swap3A_75], %swap3A_78 {strides = array<i32>} : memref<640xf32, #tpu.memory_space<vmem>>, vector<16xf32>,
    %broadcast_in_dim3A_79 = arith.constant 0.000000e+00 : f32
    %broadcast_in_dim3A_80 = vector.broadcast %broadcast_in_dim3A_79 : f32 to vector<16xf32>
    %swap3A_81 = arith.constant 208 : index
    %swap3A_82 = tpu.vector_load %arg12[%swap3A_81] {strides = array<i32>} : memref<640xf32, #tpu.memory_space<vmem>>, vector<16xf32>,
    %swap3A_83 = vector.shape_cast %swap3A_82 : vector<16xf32> to vector<16xf32>
    %swap3A_84 = vector.shape_cast %broadcast_in_dim3A_80 : vector<16xf32> to vector<16xf32>
    tpu.vector_store %arg12[%swap3A_81], %swap3A_84 {strides = array<i32>} : memref<640xf32, #tpu.memory_space<vmem>>, vector<16xf32>,
    %broadcast_in_dim3A_85 = arith.constant 0.000000e+00 : f32
    %broadcast_in_dim3A_86 = vector.broadcast %broadcast_in_dim3A_85 : f32 to vector<16xf32>
    %swap3A_87 = arith.constant 224 : index
    %swap3A_88 = tpu.vector_load %arg12[%swap3A_87] {strides = array<i32>} : memref<640xf32, #tpu.memory_space<vmem>>, vector<16xf32>,
    %swap3A_89 = vector.shape_cast %swap3A_88 : vector<16xf32> to vector<16xf32>
    %swap3A_90 = vector.shape_cast %broadcast_in_dim3A_86 : vector<16xf32> to vector<16xf32>
    tpu.vector_store %arg12[%swap3A_87], %swap3A_90 {strides = array<i32>} : memref<640xf32, #tpu.memory_space<vmem>>, vector<16xf32>,
    %broadcast_in_dim3A_91 = arith.constant 0.000000e+00 : f32
    %broadcast_in_dim3A_92 = vector.broadcast %broadcast_in_dim3A_91 : f32 to vector<16xf32>
    %swap3A_93 = arith.constant 240 : index
    %swap3A_94 = tpu.vector_load %arg12[%swap3A_93] {strides = array<i32>} : memref<640xf32, #tpu.memory_space<vmem>>, vector<16xf32>,
    %swap3A_95 = vector.shape_cast %swap3A_94 : vector<16xf32> to vector<16xf32>
    %swap3A_96 = vector.shape_cast %broadcast_in_dim3A_92 : vector<16xf32> to vector<16xf32>
    tpu.vector_store %arg12[%swap3A_93], %swap3A_96 {strides = array<i32>} : memref<640xf32, #tpu.memory_space<vmem>>, vector<16xf32>,
    %broadcast_in_dim3A_97 = arith.constant 0.000000e+00 : f32
    %broadcast_in_dim3A_98 = vector.broadcast %broadcast_in_dim3A_97 : f32 to vector<16xf32>
    %swap3A_99 = arith.constant 256 : index
    %swap3A_100 = tpu.vector_load %arg12[%swap3A_99] {strides = array<i32>} : memref<640xf32, #tpu.memory_space<vmem>>, vector<16xf32>,
    %swap3A_101 = vector.shape_cast %swap3A_100 : vector<16xf32> to vector<16xf32>
    %swap3A_102 = vector.shape_cast %broadcast_in_dim3A_98 : vector<16xf32> to vector<16xf32>
    tpu.vector_store %arg12[%swap3A_99], %swap3A_102 {strides = array<i32>} : memref<640xf32, #tpu.memory_space<vmem>>, vector<16xf32>,
    %broadcast_in_dim3A_103 = arith.constant 0.000000e+00 : f32
    %broadcast_in_dim3A_104 = vector.broadcast %broadcast_in_dim3A_103 : f32 to vector<16xf32>
    %swap3A_105 = arith.constant 272 : index
    %swap3A_106 = tpu.vector_load %arg12[%swap3A_105] {strides = array<i32>} : memref<640xf32, #tpu.memory_space<vmem>>, vector<16xf32>,
    %swap3A_107 = vector.shape_cast %swap3A_106 : vector<16xf32> to vector<16xf32>
    %swap3A_108 = vector.shape_cast %broadcast_in_dim3A_104 : vector<16xf32> to vector<16xf32>
    tpu.vector_store %arg12[%swap3A_105], %swap3A_108 {strides = array<i32>} : memref<640xf32, #tpu.memory_space<vmem>>, vector<16xf32>,
    %broadcast_in_dim3A_109 = arith.constant 0.000000e+00 : f32
    %broadcast_in_dim3A_110 = vector.broadcast %broadcast_in_dim3A_109 : f32 to vector<16xf32>
    %swap3A_111 = arith.constant 288 : index
    %swap3A_112 = tpu.vector_load %arg12[%swap3A_111] {strides = array<i32>} : memref<640xf32, #tpu.memory_space<vmem>>, vector<16xf32>,
    %swap3A_113 = vector.shape_cast %swap3A_112 : vector<16xf32> to vector<16xf32>
    %swap3A_114 = vector.shape_cast %broadcast_in_dim3A_110 : vector<16xf32> to vector<16xf32>
    tpu.vector_store %arg12[%swap3A_111], %swap3A_114 {strides = array<i32>} : memref<640xf32, #tpu.memory_space<vmem>>, vector<16xf32>,
    %broadcast_in_dim3A_115 = arith.constant 0.000000e+00 : f32
    %broadcast_in_dim3A_116 = vector.broadcast %broadcast_in_dim3A_115 : f32 to vector<16xf32>
    %swap3A_117 = arith.constant 304 : index
    %swap3A_118 = tpu.vector_load %arg12[%swap3A_117] {strides = array<i32>} : memref<640xf32, #tpu.memory_space<vmem>>, vector<16xf32>,
    %swap3A_119 = vector.shape_cast %swap3A_118 : vector<16xf32> to vector<16xf32>
    %swap3A_120 = vector.shape_cast %broadcast_in_dim3A_116 : vector<16xf32> to vector<16xf32>
    tpu.vector_store %arg12[%swap3A_117], %swap3A_120 {strides = array<i32>} : memref<640xf32, #tpu.memory_space<vmem>>, vector<16xf32>,
    %broadcast_in_dim3A_121 = arith.constant 0.000000e+00 : f32
    %broadcast_in_dim3A_122 = vector.broadcast %broadcast_in_dim3A_121 : f32 to vector<16xf32>
    %swap3A_123 = arith.constant 320 : index
    %swap3A_124 = tpu.vector_load %arg12[%swap3A_123] {strides = array<i32>} : memref<640xf32, #tpu.memory_space<vmem>>, vector<16xf32>,
    %swap3A_125 = vector.shape_cast %swap3A_124 : vector<16xf32> to vector<16xf32>
    %swap3A_126 = vector.shape_cast %broadcast_in_dim3A_122 : vector<16xf32> to vector<16xf32>
    tpu.vector_store %arg12[%swap3A_123], %swap3A_126 {strides = array<i32>} : memref<640xf32, #tpu.memory_space<vmem>>, vector<16xf32>,
    %broadcast_in_dim3A_127 = arith.constant 0.000000e+00 : f32
    %broadcast_in_dim3A_128 = vector.broadcast %broadcast_in_dim3A_127 : f32 to vector<16xf32>
    %swap3A_129 = arith.constant 336 : index
    %swap3A_130 = tpu.vector_load %arg12[%swap3A_129] {strides = array<i32>} : memref<640xf32, #tpu.memory_space<vmem>>, vector<16xf32>,
    %swap3A_131 = vector.shape_cast %swap3A_130 : vector<16xf32> to vector<16xf32>
    %swap3A_132 = vector.shape_cast %broadcast_in_dim3A_128 : vector<16xf32> to vector<16xf32>
    tpu.vector_store %arg12[%swap3A_129], %swap3A_132 {strides = array<i32>} : memref<640xf32, #tpu.memory_space<vmem>>, vector<16xf32>,
    %broadcast_in_dim3A_133 = arith.constant 0.000000e+00 : f32
    %broadcast_in_dim3A_134 = vector.broadcast %broadcast_in_dim3A_133 : f32 to vector<16xf32>
    %swap3A_135 = arith.constant 352 : index
    %swap3A_136 = tpu.vector_load %arg12[%swap3A_135] {strides = array<i32>} : memref<640xf32, #tpu.memory_space<vmem>>, vector<16xf32>,
    %swap3A_137 = vector.shape_cast %swap3A_136 : vector<16xf32> to vector<16xf32>
    %swap3A_138 = vector.shape_cast %broadcast_in_dim3A_134 : vector<16xf32> to vector<16xf32>
    tpu.vector_store %arg12[%swap3A_135], %swap3A_138 {strides = array<i32>} : memref<640xf32, #tpu.memory_space<vmem>>, vector<16xf32>,
    %broadcast_in_dim3A_139 = arith.constant 0.000000e+00 : f32
    %broadcast_in_dim3A_140 = vector.broadcast %broadcast_in_dim3A_139 : f32 to vector<16xf32>
    %swap3A_141 = arith.constant 368 : index
    %swap3A_142 = tpu.vector_load %arg12[%swap3A_141] {strides = array<i32>} : memref<640xf32, #tpu.memory_space<vmem>>, vector<16xf32>,
    %swap3A_143 = vector.shape_cast %swap3A_142 : vector<16xf32> to vector<16xf32>
    %swap3A_144 = vector.shape_cast %broadcast_in_dim3A_140 : vector<16xf32> to vector<16xf32>
    tpu.vector_store %arg12[%swap3A_141], %swap3A_144 {strides = array<i32>} : memref<640xf32, #tpu.memory_space<vmem>>, vector<16xf32>,
    %broadcast_in_dim3A_145 = arith.constant 0.000000e+00 : f32
    %broadcast_in_dim3A_146 = vector.broadcast %broadcast_in_dim3A_145 : f32 to vector<16xf32>
    %swap3A_147 = arith.constant 384 : index
    %swap3A_148 = tpu.vector_load %arg12[%swap3A_147] {strides = array<i32>} : memref<640xf32, #tpu.memory_space<vmem>>, vector<16xf32>,
    %swap3A_149 = vector.shape_cast %swap3A_148 : vector<16xf32> to vector<16xf32>
    %swap3A_150 = vector.shape_cast %broadcast_in_dim3A_146 : vector<16xf32> to vector<16xf32>
    tpu.vector_store %arg12[%swap3A_147], %swap3A_150 {strides = array<i32>} : memref<640xf32, #tpu.memory_space<vmem>>, vector<16xf32>,
    %broadcast_in_dim3A_151 = arith.constant 0.000000e+00 : f32
    %broadcast_in_dim3A_152 = vector.broadcast %broadcast_in_dim3A_151 : f32 to vector<16xf32>
    %swap3A_153 = arith.constant 400 : index
    %swap3A_154 = tpu.vector_load %arg12[%swap3A_153] {strides = array<i32>} : memref<640xf32, #tpu.memory_space<vmem>>, vector<16xf32>,
    %swap3A_155 = vector.shape_cast %swap3A_154 : vector<16xf32> to vector<16xf32>
    %swap3A_156 = vector.shape_cast %broadcast_in_dim3A_152 : vector<16xf32> to vector<16xf32>
    tpu.vector_store %arg12[%swap3A_153], %swap3A_156 {strides = array<i32>} : memref<640xf32, #tpu.memory_space<vmem>>, vector<16xf32>,
    %broadcast_in_dim3A_157 = arith.constant 0.000000e+00 : f32
    %broadcast_in_dim3A_158 = vector.broadcast %broadcast_in_dim3A_157 : f32 to vector<16xf32>
    %swap3A_159 = arith.constant 416 : index
    %swap3A_160 = tpu.vector_load %arg12[%swap3A_159] {strides = array<i32>} : memref<640xf32, #tpu.memory_space<vmem>>, vector<16xf32>,
    %swap3A_161 = vector.shape_cast %swap3A_160 : vector<16xf32> to vector<16xf32>
    %swap3A_162 = vector.shape_cast %broadcast_in_dim3A_158 : vector<16xf32> to vector<16xf32>
    tpu.vector_store %arg12[%swap3A_159], %swap3A_162 {strides = array<i32>} : memref<640xf32, #tpu.memory_space<vmem>>, vector<16xf32>,
    %broadcast_in_dim3A_163 = arith.constant 0.000000e+00 : f32
    %broadcast_in_dim3A_164 = vector.broadcast %broadcast_in_dim3A_163 : f32 to vector<16xf32>
    %swap3A_165 = arith.constant 432 : index
    %swap3A_166 = tpu.vector_load %arg12[%swap3A_165] {strides = array<i32>} : memref<640xf32, #tpu.memory_space<vmem>>, vector<16xf32>,
    %swap3A_167 = vector.shape_cast %swap3A_166 : vector<16xf32> to vector<16xf32>
    %swap3A_168 = vector.shape_cast %broadcast_in_dim3A_164 : vector<16xf32> to vector<16xf32>
    tpu.vector_store %arg12[%swap3A_165], %swap3A_168 {strides = array<i32>} : memref<640xf32, #tpu.memory_space<vmem>>, vector<16xf32>,
    %broadcast_in_dim3A_169 = arith.constant 0.000000e+00 : f32
    %broadcast_in_dim3A_170 = vector.broadcast %broadcast_in_dim3A_169 : f32 to vector<16xf32>
    %swap3A_171 = arith.constant 448 : index
    %swap3A_172 = tpu.vector_load %arg12[%swap3A_171] {strides = array<i32>} : memref<640xf32, #tpu.memory_space<vmem>>, vector<16xf32>,
    %swap3A_173 = vector.shape_cast %swap3A_172 : vector<16xf32> to vector<16xf32>
    %swap3A_174 = vector.shape_cast %broadcast_in_dim3A_170 : vector<16xf32> to vector<16xf32>
    tpu.vector_store %arg12[%swap3A_171], %swap3A_174 {strides = array<i32>} : memref<640xf32, #tpu.memory_space<vmem>>, vector<16xf32>,
    %broadcast_in_dim3A_175 = arith.constant 0.000000e+00 : f32
    %broadcast_in_dim3A_176 = vector.broadcast %broadcast_in_dim3A_175 : f32 to vector<16xf32>
    %swap3A_177 = arith.constant 464 : index
    %swap3A_178 = tpu.vector_load %arg12[%swap3A_177] {strides = array<i32>} : memref<640xf32, #tpu.memory_space<vmem>>, vector<16xf32>,
    %swap3A_179 = vector.shape_cast %swap3A_178 : vector<16xf32> to vector<16xf32>
    %swap3A_180 = vector.shape_cast %broadcast_in_dim3A_176 : vector<16xf32> to vector<16xf32>
    tpu.vector_store %arg12[%swap3A_177], %swap3A_180 {strides = array<i32>} : memref<640xf32, #tpu.memory_space<vmem>>, vector<16xf32>,
    %broadcast_in_dim3A_181 = arith.constant 0.000000e+00 : f32
    %broadcast_in_dim3A_182 = vector.broadcast %broadcast_in_dim3A_181 : f32 to vector<16xf32>
    %swap3A_183 = arith.constant 480 : index
    %swap3A_184 = tpu.vector_load %arg12[%swap3A_183] {strides = array<i32>} : memref<640xf32, #tpu.memory_space<vmem>>, vector<16xf32>,
    %swap3A_185 = vector.shape_cast %swap3A_184 : vector<16xf32> to vector<16xf32>
    %swap3A_186 = vector.shape_cast %broadcast_in_dim3A_182 : vector<16xf32> to vector<16xf32>
    tpu.vector_store %arg12[%swap3A_183], %swap3A_186 {strides = array<i32>} : memref<640xf32, #tpu.memory_space<vmem>>, vector<16xf32>,
    %broadcast_in_dim3A_187 = arith.constant 0.000000e+00 : f32
    %broadcast_in_dim3A_188 = vector.broadcast %broadcast_in_dim3A_187 : f32 to vector<16xf32>
    %swap3A_189 = arith.constant 496 : index
    %swap3A_190 = tpu.vector_load %arg12[%swap3A_189] {strides = array<i32>} : memref<640xf32, #tpu.memory_space<vmem>>, vector<16xf32>,
    %swap3A_191 = vector.shape_cast %swap3A_190 : vector<16xf32> to vector<16xf32>
    %swap3A_192 = vector.shape_cast %broadcast_in_dim3A_188 : vector<16xf32> to vector<16xf32>
    tpu.vector_store %arg12[%swap3A_189], %swap3A_192 {strides = array<i32>} : memref<640xf32, #tpu.memory_space<vmem>>, vector<16xf32>,
    %broadcast_in_dim3A_193 = arith.constant 0.000000e+00 : f32
    %broadcast_in_dim3A_194 = vector.broadcast %broadcast_in_dim3A_193 : f32 to vector<16xf32>
    %swap3A_195 = arith.constant 512 : index
    %swap3A_196 = tpu.vector_load %arg12[%swap3A_195] {strides = array<i32>} : memref<640xf32, #tpu.memory_space<vmem>>, vector<16xf32>,
    %swap3A_197 = vector.shape_cast %swap3A_196 : vector<16xf32> to vector<16xf32>
    %swap3A_198 = vector.shape_cast %broadcast_in_dim3A_194 : vector<16xf32> to vector<16xf32>
    tpu.vector_store %arg12[%swap3A_195], %swap3A_198 {strides = array<i32>} : memref<640xf32, #tpu.memory_space<vmem>>, vector<16xf32>,
    %broadcast_in_dim3A_199 = arith.constant 0.000000e+00 : f32
    %broadcast_in_dim3A_200 = vector.broadcast %broadcast_in_dim3A_199 : f32 to vector<16xf32>
    %swap3A_201 = arith.constant 528 : index
    %swap3A_202 = tpu.vector_load %arg12[%swap3A_201] {strides = array<i32>} : memref<640xf32, #tpu.memory_space<vmem>>, vector<16xf32>,
    %swap3A_203 = vector.shape_cast %swap3A_202 : vector<16xf32> to vector<16xf32>
    %swap3A_204 = vector.shape_cast %broadcast_in_dim3A_200 : vector<16xf32> to vector<16xf32>
    tpu.vector_store %arg12[%swap3A_201], %swap3A_204 {strides = array<i32>} : memref<640xf32, #tpu.memory_space<vmem>>, vector<16xf32>,
    %broadcast_in_dim3A_205 = arith.constant 0.000000e+00 : f32
    %broadcast_in_dim3A_206 = vector.broadcast %broadcast_in_dim3A_205 : f32 to vector<16xf32>
    %swap3A_207 = arith.constant 544 : index
    %swap3A_208 = tpu.vector_load %arg12[%swap3A_207] {strides = array<i32>} : memref<640xf32, #tpu.memory_space<vmem>>, vector<16xf32>,
    %swap3A_209 = vector.shape_cast %swap3A_208 : vector<16xf32> to vector<16xf32>
    %swap3A_210 = vector.shape_cast %broadcast_in_dim3A_206 : vector<16xf32> to vector<16xf32>
    tpu.vector_store %arg12[%swap3A_207], %swap3A_210 {strides = array<i32>} : memref<640xf32, #tpu.memory_space<vmem>>, vector<16xf32>,
    %broadcast_in_dim3A_211 = arith.constant 0.000000e+00 : f32
    %broadcast_in_dim3A_212 = vector.broadcast %broadcast_in_dim3A_211 : f32 to vector<16xf32>
    %swap3A_213 = arith.constant 560 : index
    %swap3A_214 = tpu.vector_load %arg12[%swap3A_213] {strides = array<i32>} : memref<640xf32, #tpu.memory_space<vmem>>, vector<16xf32>,
    %swap3A_215 = vector.shape_cast %swap3A_214 : vector<16xf32> to vector<16xf32>
    %swap3A_216 = vector.shape_cast %broadcast_in_dim3A_212 : vector<16xf32> to vector<16xf32>
    tpu.vector_store %arg12[%swap3A_213], %swap3A_216 {strides = array<i32>} : memref<640xf32, #tpu.memory_space<vmem>>, vector<16xf32>,
    %broadcast_in_dim3A_217 = arith.constant 0.000000e+00 : f32
    %broadcast_in_dim3A_218 = vector.broadcast %broadcast_in_dim3A_217 : f32 to vector<16xf32>
    %swap3A_219 = arith.constant 576 : index
    %swap3A_220 = tpu.vector_load %arg12[%swap3A_219] {strides = array<i32>} : memref<640xf32, #tpu.memory_space<vmem>>, vector<16xf32>,
    %swap3A_221 = vector.shape_cast %swap3A_220 : vector<16xf32> to vector<16xf32>
    %swap3A_222 = vector.shape_cast %broadcast_in_dim3A_218 : vector<16xf32> to vector<16xf32>
    tpu.vector_store %arg12[%swap3A_219], %swap3A_222 {strides = array<i32>} : memref<640xf32, #tpu.memory_space<vmem>>, vector<16xf32>,
    %broadcast_in_dim3A_223 = arith.constant 0.000000e+00 : f32
    %broadcast_in_dim3A_224 = vector.broadcast %broadcast_in_dim3A_223 : f32 to vector<16xf32>
    %swap3A_225 = arith.constant 592 : index
    %swap3A_226 = tpu.vector_load %arg12[%swap3A_225] {strides = array<i32>} : memref<640xf32, #tpu.memory_space<vmem>>, vector<16xf32>,
    %swap3A_227 = vector.shape_cast %swap3A_226 : vector<16xf32> to vector<16xf32>
    %swap3A_228 = vector.shape_cast %broadcast_in_dim3A_224 : vector<16xf32> to vector<16xf32>
    tpu.vector_store %arg12[%swap3A_225], %swap3A_228 {strides = array<i32>} : memref<640xf32, #tpu.memory_space<vmem>>, vector<16xf32>,
    %broadcast_in_dim3A_229 = arith.constant 0.000000e+00 : f32
    %broadcast_in_dim3A_230 = vector.broadcast %broadcast_in_dim3A_229 : f32 to vector<16xf32>
    %swap3A_231 = arith.constant 608 : index
    %swap3A_232 = tpu.vector_load %arg12[%swap3A_231] {strides = array<i32>} : memref<640xf32, #tpu.memory_space<vmem>>, vector<16xf32>,
    %swap3A_233 = vector.shape_cast %swap3A_232 : vector<16xf32> to vector<16xf32>
    %swap3A_234 = vector.shape_cast %broadcast_in_dim3A_230 : vector<16xf32> to vector<16xf32>
    tpu.vector_store %arg12[%swap3A_231], %swap3A_234 {strides = array<i32>} : memref<640xf32, #tpu.memory_space<vmem>>, vector<16xf32>,
    %broadcast_in_dim3A_235 = arith.constant 0.000000e+00 : f32
    %broadcast_in_dim3A_236 = vector.broadcast %broadcast_in_dim3A_235 : f32 to vector<16xf32>
    %swap3A_237 = arith.constant 624 : index
    %swap3A_238 = tpu.vector_load %arg12[%swap3A_237] {strides = array<i32>} : memref<640xf32, #tpu.memory_space<vmem>>, vector<16xf32>,
    %swap3A_239 = vector.shape_cast %swap3A_238 : vector<16xf32> to vector<16xf32>
    %swap3A_240 = vector.shape_cast %broadcast_in_dim3A_236 : vector<16xf32> to vector<16xf32>
    tpu.vector_store %arg12[%swap3A_237], %swap3A_240 {strides = array<i32>} : memref<640xf32, #tpu.memory_space<vmem>>, vector<16xf32>,
    "tpu.region"() ({
      %run_scoped3A_415 = tpu.sem_alloc : memref<!tpu.dma_semaphore, #tpu.memory_space<semaphore_mem>>
      %dma_start3A_416 = arith.constant 0 : i32
      %dma_start3A_417 = tpu.memref_slice %arg12[%dma_start3A_416] : memref<640xf32, #tpu.memory_space<vmem>> -> memref<632xf32, #tpu.memory_space<vmem>>
      %dma_start3A_418 = tpu.memref_slice %arg14[%mul3A_2] : memref<10112xf32, #tpu.memory_space<vmem_shared>> -> memref<632xf32, #tpu.memory_space<vmem_shared>>
      %dma_start3A_419 = tpu.memref_slice %arg14[%mul3A_2] : memref<10112xf32, #tpu.memory_space<vmem_shared>> -> memref<632xf32, #tpu.memory_space<vmem_shared>>
      %dma_start3A_420 = arith.constant 0 : i32
      %dma_start3A_421 = tpu.memref_slice %arg12[%dma_start3A_420] : memref<640xf32, #tpu.memory_space<vmem>> -> memref<632xf32, #tpu.memory_space<vmem>>
      tpu.enqueue_dma source(%dma_start3A_421 : memref<632xf32, #tpu.memory_space<vmem>>) target(%dma_start3A_419 : memref<632xf32, #tpu.memory_space<vmem_shared>>) target_semaphore(%run_scoped3A_415 : memref<!tpu.dma_semaphore, #tpu.memory_space<semaphore_mem>>)
      %dma_wait3A_422 = arith.constant 0 : i32
      %dma_wait3A_423 = tpu.memref_slice %arg12[%dma_wait3A_422] : memref<640xf32, #tpu.memory_space<vmem>> -> memref<632xf32, #tpu.memory_space<vmem>>
      %dma_wait3A_424 = tpu.memref_slice %arg14[%mul3A_2] : memref<10112xf32, #tpu.memory_space<vmem_shared>> -> memref<632xf32, #tpu.memory_space<vmem_shared>>
      %dma_wait3A_425 = tpu.memref_slice %arg14[%mul3A_2] : memref<10112xf32, #tpu.memory_space<vmem_shared>> -> memref<632xf32, #tpu.memory_space<vmem_shared>>
      %dma_wait3A_426 = arith.constant 0 : i32
      %dma_wait3A_427 = tpu.memref_slice %arg12[%dma_wait3A_426] : memref<640xf32, #tpu.memory_space<vmem>> -> memref<632xf32, #tpu.memory_space<vmem>>
      tpu.wait_dma2 semaphore(%run_scoped3A_415 : memref<!tpu.dma_semaphore, #tpu.memory_space<semaphore_mem>>) src(%dma_wait3A_427 : memref<632xf32, #tpu.memory_space<vmem>>) dst(%dma_wait3A_425 : memref<632xf32, #tpu.memory_space<vmem_shared>>)
      tpu.yield
    }) : () -> ()
    %broadcast_in_dim3A_241 = arith.constant 1.000000e+00 : f32
    %broadcast_in_dim3A_242 = vector.broadcast %broadcast_in_dim3A_241 : f32 to vector<16xf32>
    %swap3A_243 = arith.constant 0 : index
    %swap3A_244 = tpu.vector_load %arg11[%swap3A_243] {strides = array<i32>} : memref<128xf32, #tpu.memory_space<vmem>>, vector<16xf32>,
    %swap3A_245 = vector.shape_cast %swap3A_244 : vector<16xf32> to vector<16xf32>
    %swap3A_246 = vector.shape_cast %broadcast_in_dim3A_242 : vector<16xf32> to vector<16xf32>
    tpu.vector_store %arg11[%swap3A_243], %swap3A_246 {strides = array<i32>} : memref<128xf32, #tpu.memory_space<vmem>>, vector<16xf32>,
    %broadcast_in_dim3A_247 = arith.constant 1.000000e+00 : f32
    %broadcast_in_dim3A_248 = vector.broadcast %broadcast_in_dim3A_247 : f32 to vector<16xf32>
    %swap3A_249 = arith.constant 16 : index
    %swap3A_250 = tpu.vector_load %arg11[%swap3A_249] {strides = array<i32>} : memref<128xf32, #tpu.memory_space<vmem>>, vector<16xf32>,
    %swap3A_251 = vector.shape_cast %swap3A_250 : vector<16xf32> to vector<16xf32>
    %swap3A_252 = vector.shape_cast %broadcast_in_dim3A_248 : vector<16xf32> to vector<16xf32>
    tpu.vector_store %arg11[%swap3A_249], %swap3A_252 {strides = array<i32>} : memref<128xf32, #tpu.memory_space<vmem>>, vector<16xf32>,
    %broadcast_in_dim3A_253 = arith.constant 1.000000e+00 : f32
    %broadcast_in_dim3A_254 = vector.broadcast %broadcast_in_dim3A_253 : f32 to vector<16xf32>
    %swap3A_255 = arith.constant 32 : index
    %swap3A_256 = tpu.vector_load %arg11[%swap3A_255] {strides = array<i32>} : memref<128xf32, #tpu.memory_space<vmem>>, vector<16xf32>,
    %swap3A_257 = vector.shape_cast %swap3A_256 : vector<16xf32> to vector<16xf32>
    %swap3A_258 = vector.shape_cast %broadcast_in_dim3A_254 : vector<16xf32> to vector<16xf32>
    tpu.vector_store %arg11[%swap3A_255], %swap3A_258 {strides = array<i32>} : memref<128xf32, #tpu.memory_space<vmem>>, vector<16xf32>,
    %broadcast_in_dim3A_259 = arith.constant 1.000000e+00 : f32
    %broadcast_in_dim3A_260 = vector.broadcast %broadcast_in_dim3A_259 : f32 to vector<16xf32>
    %swap3A_261 = arith.constant 48 : index
    %swap3A_262 = tpu.vector_load %arg11[%swap3A_261] {strides = array<i32>} : memref<128xf32, #tpu.memory_space<vmem>>, vector<16xf32>,
    %swap3A_263 = vector.shape_cast %swap3A_262 : vector<16xf32> to vector<16xf32>
    %swap3A_264 = vector.shape_cast %broadcast_in_dim3A_260 : vector<16xf32> to vector<16xf32>
    tpu.vector_store %arg11[%swap3A_261], %swap3A_264 {strides = array<i32>} : memref<128xf32, #tpu.memory_space<vmem>>, vector<16xf32>,
    %broadcast_in_dim3A_265 = arith.constant 1.000000e+00 : f32
    %broadcast_in_dim3A_266 = vector.broadcast %broadcast_in_dim3A_265 : f32 to vector<16xf32>
    %swap3A_267 = arith.constant 64 : index
    %swap3A_268 = tpu.vector_load %arg11[%swap3A_267] {strides = array<i32>} : memref<128xf32, #tpu.memory_space<vmem>>, vector<16xf32>,
    %swap3A_269 = vector.shape_cast %swap3A_268 : vector<16xf32> to vector<16xf32>
    %swap3A_270 = vector.shape_cast %broadcast_in_dim3A_266 : vector<16xf32> to vector<16xf32>
    tpu.vector_store %arg11[%swap3A_267], %swap3A_270 {strides = array<i32>} : memref<128xf32, #tpu.memory_space<vmem>>, vector<16xf32>,
    %broadcast_in_dim3A_271 = arith.constant 1.000000e+00 : f32
    %broadcast_in_dim3A_272 = vector.broadcast %broadcast_in_dim3A_271 : f32 to vector<16xf32>
    %swap3A_273 = arith.constant 80 : index
    %swap3A_274 = tpu.vector_load %arg11[%swap3A_273] {strides = array<i32>} : memref<128xf32, #tpu.memory_space<vmem>>, vector<16xf32>,
    %swap3A_275 = vector.shape_cast %swap3A_274 : vector<16xf32> to vector<16xf32>
    %swap3A_276 = vector.shape_cast %broadcast_in_dim3A_272 : vector<16xf32> to vector<16xf32>
    tpu.vector_store %arg11[%swap3A_273], %swap3A_276 {strides = array<i32>} : memref<128xf32, #tpu.memory_space<vmem>>, vector<16xf32>,
    %broadcast_in_dim3A_277 = arith.constant 1.000000e+00 : f32
    %broadcast_in_dim3A_278 = vector.broadcast %broadcast_in_dim3A_277 : f32 to vector<16xf32>
    %swap3A_279 = arith.constant 96 : index
    %swap3A_280 = tpu.vector_load %arg11[%swap3A_279] {strides = array<i32>} : memref<128xf32, #tpu.memory_space<vmem>>, vector<16xf32>,
    %swap3A_281 = vector.shape_cast %swap3A_280 : vector<16xf32> to vector<16xf32>
    %swap3A_282 = vector.shape_cast %broadcast_in_dim3A_278 : vector<16xf32> to vector<16xf32>
    tpu.vector_store %arg11[%swap3A_279], %swap3A_282 {strides = array<i32>} : memref<128xf32, #tpu.memory_space<vmem>>, vector<16xf32>,
    %broadcast_in_dim3A_283 = arith.constant 1.000000e+00 : f32
    %broadcast_in_dim3A_284 = vector.broadcast %broadcast_in_dim3A_283 : f32 to vector<16xf32>
    %swap3A_285 = arith.constant 112 : index
    %swap3A_286 = tpu.vector_load %arg11[%swap3A_285] {strides = array<i32>} : memref<128xf32, #tpu.memory_space<vmem>>, vector<16xf32>,
    %swap3A_287 = vector.shape_cast %swap3A_286 : vector<16xf32> to vector<16xf32>
    %swap3A_288 = vector.shape_cast %broadcast_in_dim3A_284 : vector<16xf32> to vector<16xf32>
    tpu.vector_store %arg11[%swap3A_285], %swap3A_288 {strides = array<i32>} : memref<128xf32, #tpu.memory_space<vmem>>, vector<16xf32>,
    %barrier3A = arith.constant 0 : index
    tpu.barrier barrier_id(%barrier3A)
    %mul3A_289 = arith.constant 80 : i32
    %mul3A_290 = arith.muli %add3A, %mul3A_289 : i32
    %add3A_291 = arith.constant 0 : i32
    %add3A_292 = arith.addi %mul3A_290, %add3A_291 : i32
    "tpu.region"() ({
      %run_scoped3A_415 = tpu.sem_alloc : memref<!tpu.dma_semaphore, #tpu.memory_space<semaphore_mem>>
      %dma_start3A_416 = arith.constant 0 : i32
      %dma_start3A_417 = tpu.memref_slice %arg3[%add3A_292, %dma_start3A_416] : memref<2560x128xi32, #tpu.memory_space<hbm>> -> memref<40x128xi32, #tpu.memory_space<hbm>>
      %dma_start3A_418 = arith.constant 0 : i32
      %dma_start3A_419 = tpu.memref_slice %arg3[%add3A_292, %dma_start3A_418] : memref<2560x128xi32, #tpu.memory_space<hbm>> -> memref<40x128xi32, #tpu.memory_space<hbm>>
      tpu.enqueue_dma source(%dma_start3A_419 : memref<40x128xi32, #tpu.memory_space<hbm>>) target(%arg8 : memref<40x128xi32, #tpu.memory_space<vmem>>) target_semaphore(%run_scoped3A_415 : memref<!tpu.dma_semaphore, #tpu.memory_space<semaphore_mem>>)
      %dma_wait3A_420 = arith.constant 0 : i32
      %dma_wait3A_421 = tpu.memref_slice %arg3[%add3A_292, %dma_wait3A_420] : memref<2560x128xi32, #tpu.memory_space<hbm>> -> memref<40x128xi32, #tpu.memory_space<hbm>>
      %dma_wait3A_422 = arith.constant 0 : i32
      %dma_wait3A_423 = tpu.memref_slice %arg3[%add3A_292, %dma_wait3A_422] : memref<2560x128xi32, #tpu.memory_space<hbm>> -> memref<40x128xi32, #tpu.memory_space<hbm>>
      tpu.wait_dma2 semaphore(%run_scoped3A_415 : memref<!tpu.dma_semaphore, #tpu.memory_space<semaphore_mem>>) src(%dma_wait3A_423 : memref<40x128xi32, #tpu.memory_space<hbm>>) dst(%arg8 : memref<40x128xi32, #tpu.memory_space<vmem>>)
      tpu.yield
    }) : () -> ()
    "tpu.region"() ({
      %run_scoped3A_415 = tpu.sem_alloc : memref<!tpu.dma_semaphore, #tpu.memory_space<semaphore_mem>>
      %dma_start3A_416 = arith.constant 0 : i32
      %dma_start3A_417 = tpu.memref_slice %arg4[%add3A_292, %dma_start3A_416] : memref<2560x128xi32, #tpu.memory_space<hbm>> -> memref<40x128xi32, #tpu.memory_space<hbm>>
      %dma_start3A_418 = arith.constant 0 : i32
      %dma_start3A_419 = tpu.memref_slice %arg4[%add3A_292, %dma_start3A_418] : memref<2560x128xi32, #tpu.memory_space<hbm>> -> memref<40x128xi32, #tpu.memory_space<hbm>>
      tpu.enqueue_dma source(%dma_start3A_419 : memref<40x128xi32, #tpu.memory_space<hbm>>) target(%arg9 : memref<40x128xi32, #tpu.memory_space<vmem>>) target_semaphore(%run_scoped3A_415 : memref<!tpu.dma_semaphore, #tpu.memory_space<semaphore_mem>>)
      %dma_wait3A_420 = arith.constant 0 : i32
      %dma_wait3A_421 = tpu.memref_slice %arg4[%add3A_292, %dma_wait3A_420] : memref<2560x128xi32, #tpu.memory_space<hbm>> -> memref<40x128xi32, #tpu.memory_space<hbm>>
      %dma_wait3A_422 = arith.constant 0 : i32
      %dma_wait3A_423 = tpu.memref_slice %arg4[%add3A_292, %dma_wait3A_422] : memref<2560x128xi32, #tpu.memory_space<hbm>> -> memref<40x128xi32, #tpu.memory_space<hbm>>
      tpu.wait_dma2 semaphore(%run_scoped3A_415 : memref<!tpu.dma_semaphore, #tpu.memory_space<semaphore_mem>>) src(%dma_wait3A_423 : memref<40x128xi32, #tpu.memory_space<hbm>>) dst(%arg9 : memref<40x128xi32, #tpu.memory_space<vmem>>)
      tpu.yield
    }) : () -> ()
    %dma_start3A = arith.constant 0 : i32
    %dma_start3A_293 = arith.constant 0 : i32
    %dma_start3A_294 = arith.constant 0 : i32
    %dma_start3A_295 = arith.constant 0 : i32
    %dma_start3A_296 = tpu.memref_slice %arg10[%dma_start3A_293, %dma_start3A_294, %dma_start3A_295] : memref<2x128x128xf32, #tpu.memory_space<vmem>> -> memref<1x128x128xf32, #tpu.memory_space<vmem>>
    %dma_start3A_297 = tpu.memref_squeeze %dma_start3A_296 : memref<1x128x128xf32, #tpu.memory_space<vmem>> -> memref<128x128xf32, #tpu.memory_space<vmem>>
    %dma_start3A_298 = arith.constant 0 : i32
    %dma_start3A_299 = tpu.memref_slice %arg8[%dma_start3A, %dma_start3A_298] : memref<40x128xi32, #tpu.memory_space<vmem>> -> memref<1x128xi32, #tpu.memory_space<vmem>>
    %dma_start3A_300 = tpu.memref_squeeze %dma_start3A_299 : memref<1x128xi32, #tpu.memory_space<vmem>> -> memref<128xi32, #tpu.memory_space<vmem>>
    %dma_start3A_301 = arith.constant 0 : i32
    %dma_start3A_302 = arith.constant 0 : i32
    %dma_start3A_303 = tpu.memref_slice %arg2[%dma_start3A_301, %dma_start3A_302] : memref<10000x128xf32, #tpu.memory_space<hbm>> -> memref<10000x128xf32, #tpu.memory_space<hbm>>
    tpu.enqueue_indirect_dma source(%dma_start3A_303 : memref<10000x128xf32, #tpu.memory_space<hbm>>) target(%dma_start3A_297 : memref<128x128xf32, #tpu.memory_space<vmem>>) offsets(%dma_start3A_300 : memref<128xi32, #tpu.memory_space<vmem>>) semaphore(%arg15 : memref<!tpu.dma_semaphore, #tpu.memory_space<semaphore_mem>>)
    %dma_start3A_304 = arith.constant 1 : i32
    %dma_start3A_305 = arith.constant 1 : i32
    %dma_start3A_306 = arith.constant 0 : i32
    %dma_start3A_307 = arith.constant 0 : i32
    %dma_start3A_308 = tpu.memref_slice %arg10[%dma_start3A_305, %dma_start3A_306, %dma_start3A_307] : memref<2x128x128xf32, #tpu.memory_space<vmem>> -> memref<1x128x128xf32, #tpu.memory_space<vmem>>
    %dma_start3A_309 = tpu.memref_squeeze %dma_start3A_308 : memref<1x128x128xf32, #tpu.memory_space<vmem>> -> memref<128x128xf32, #tpu.memory_space<vmem>>
    %dma_start3A_310 = arith.constant 0 : i32
    %dma_start3A_311 = tpu.memref_slice %arg8[%dma_start3A_304, %dma_start3A_310] : memref<40x128xi32, #tpu.memory_space<vmem>> -> memref<1x128xi32, #tpu.memory_space<vmem>>
    %dma_start3A_312 = tpu.memref_squeeze %dma_start3A_311 : memref<1x128xi32, #tpu.memory_space<vmem>> -> memref<128xi32, #tpu.memory_space<vmem>>
    %dma_start3A_313 = arith.constant 0 : i32
    %dma_start3A_314 = arith.constant 0 : i32
    %dma_start3A_315 = tpu.memref_slice %arg2[%dma_start3A_313, %dma_start3A_314] : memref<10000x128xf32, #tpu.memory_space<hbm>> -> memref<10000x128xf32, #tpu.memory_space<hbm>>
    tpu.enqueue_indirect_dma source(%dma_start3A_315 : memref<10000x128xf32, #tpu.memory_space<hbm>>) target(%dma_start3A_309 : memref<128x128xf32, #tpu.memory_space<vmem>>) offsets(%dma_start3A_312 : memref<128xi32, #tpu.memory_space<vmem>>) semaphore(%arg16 : memref<!tpu.dma_semaphore, #tpu.memory_space<semaphore_mem>>)
    %scan3A = arith.constant 0 : i32
    %scan3A_316 = arith.constant 19 : i32
    %scan3A_317 = arith.addi %scan3A, %scan3A_316 : i32
    %scan3A_318 = arith.constant 1 : i32
    scf.for %scan3A_415 = %scan3A to %scan3A_317 step %scan3A_318  : i32 {
      %mul3A_416 = arith.constant 1 : i32
      %mul3A_417 = arith.muli %scan3A_415, %mul3A_416 : i32
      %add3A_418 = arith.constant 0 : i32
      %add3A_419 = arith.addi %add3A_418, %mul3A_417 : i32
      %mul3A_420 = arith.constant 2 : i32
      %mul3A_421 = arith.muli %add3A_419, %mul3A_420 : i32
      %add3A_422 = arith.constant 0 : i32
      %add3A_423 = arith.addi %mul3A_421, %add3A_422 : i32
      %dma_wait3A_424 = arith.constant 0 : i32
      %dma_wait3A_425 = arith.constant 0 : i32
      %dma_wait3A_426 = arith.constant 0 : i32
      %dma_wait3A_427 = arith.constant 0 : i32
      %dma_wait3A_428 = tpu.memref_slice %arg10[%dma_wait3A_425, %dma_wait3A_426, %dma_wait3A_427] : memref<2x128x128xf32, #tpu.memory_space<vmem>> -> memref<1x128x128xf32, #tpu.memory_space<vmem>>
      %dma_wait3A_429 = tpu.memref_squeeze %dma_wait3A_428 : memref<1x128x128xf32, #tpu.memory_space<vmem>> -> memref<128x128xf32, #tpu.memory_space<vmem>>
      %dma_wait3A_430 = arith.constant 0 : i32
      %dma_wait3A_431 = tpu.memref_slice %arg8[%dma_wait3A_424, %dma_wait3A_430] : memref<40x128xi32, #tpu.memory_space<vmem>> -> memref<1x128xi32, #tpu.memory_space<vmem>>
      %dma_wait3A_432 = tpu.memref_squeeze %dma_wait3A_431 : memref<1x128xi32, #tpu.memory_space<vmem>> -> memref<128xi32, #tpu.memory_space<vmem>>
      %dma_wait3A_433 = arith.constant 0 : i32
      %dma_wait3A_434 = arith.constant 0 : i32
      %dma_wait3A_435 = tpu.memref_slice %arg2[%dma_wait3A_433, %dma_wait3A_434] : memref<10000x128xf32, #tpu.memory_space<hbm>> -> memref<10000x128xf32, #tpu.memory_space<hbm>>
      tpu.wait_indirect_dma semaphore(%arg15 : memref<!tpu.dma_semaphore, #tpu.memory_space<semaphore_mem>>) src(%dma_wait3A_435 : memref<10000x128xf32, #tpu.memory_space<hbm>>) dst(%dma_wait3A_429 : memref<128x128xf32, #tpu.memory_space<vmem>>)
      %run_scoped3A_436 = arith.constant 0 : i32
      "tpu.region"() ({
        %run_scoped3A_480 = tpu.sem_alloc : memref<!tpu.dma_semaphore, #tpu.memory_space<semaphore_mem>>
        %dma_start3A_481 = arith.constant 0 : i32
        %dma_start3A_482 = arith.constant 0 : i32
        %dma_start3A_483 = tpu.memref_slice %arg10[%run_scoped3A_436, %dma_start3A_481, %dma_start3A_482] : memref<2x128x128xf32, #tpu.memory_space<vmem>> -> memref<1x128x128xf32, #tpu.memory_space<vmem>>
        %dma_start3A_484 = tpu.memref_squeeze %dma_start3A_483 : memref<1x128x128xf32, #tpu.memory_space<vmem>> -> memref<128x128xf32, #tpu.memory_space<vmem>>
        %dma_start3A_485 = arith.constant 0 : i32
        %dma_start3A_486 = tpu.memref_slice %arg9[%add3A_423, %dma_start3A_485] : memref<40x128xi32, #tpu.memory_space<vmem>> -> memref<1x128xi32, #tpu.memory_space<vmem>>
        %dma_start3A_487 = tpu.memref_squeeze %dma_start3A_486 : memref<1x128xi32, #tpu.memory_space<vmem>> -> memref<128xi32, #tpu.memory_space<vmem>>
        %dma_start3A_488 = arith.constant 0 : i32
        %dma_start3A_489 = arith.constant 0 : i32
        %dma_start3A_490 = tpu.memref_slice %arg13[%dma_start3A_488, %dma_start3A_489] : memref<10112x128xf32, #tpu.memory_space<vmem_shared>> -> memref<10112x128xf32, #tpu.memory_space<vmem_shared>>
        tpu.enqueue_indirect_dma source(%dma_start3A_484 : memref<128x128xf32, #tpu.memory_space<vmem>>) target(%dma_start3A_490 : memref<10112x128xf32, #tpu.memory_space<vmem_shared>>) offsets(%dma_start3A_487 : memref<128xi32, #tpu.memory_space<vmem>>) semaphore(%run_scoped3A_480 : memref<!tpu.dma_semaphore, #tpu.memory_space<semaphore_mem>>) {add = true}
        %dma_wait3A_491 = arith.constant 0 : i32
        %dma_wait3A_492 = arith.constant 0 : i32
        %dma_wait3A_493 = tpu.memref_slice %arg10[%run_scoped3A_436, %dma_wait3A_491, %dma_wait3A_492] : memref<2x128x128xf32, #tpu.memory_space<vmem>> -> memref<1x128x128xf32, #tpu.memory_space<vmem>>
        %dma_wait3A_494 = tpu.memref_squeeze %dma_wait3A_493 : memref<1x128x128xf32, #tpu.memory_space<vmem>> -> memref<128x128xf32, #tpu.memory_space<vmem>>
        %dma_wait3A_495 = arith.constant 0 : i32
        %dma_wait3A_496 = tpu.memref_slice %arg9[%add3A_423, %dma_wait3A_495] : memref<40x128xi32, #tpu.memory_space<vmem>> -> memref<1x128xi32, #tpu.memory_space<vmem>>
        %dma_wait3A_497 = tpu.memref_squeeze %dma_wait3A_496 : memref<1x128xi32, #tpu.memory_space<vmem>> -> memref<128xi32, #tpu.memory_space<vmem>>
        %dma_wait3A_498 = arith.constant 0 : i32
        %dma_wait3A_499 = arith.constant 0 : i32
        %dma_wait3A_500 = tpu.memref_slice %arg13[%dma_wait3A_498, %dma_wait3A_499] : memref<10112x128xf32, #tpu.memory_space<vmem_shared>> -> memref<10112x128xf32, #tpu.memory_space<vmem_shared>>
        tpu.wait_indirect_dma semaphore(%run_scoped3A_480 : memref<!tpu.dma_semaphore, #tpu.memory_space<semaphore_mem>>) src(%dma_wait3A_494 : memref<128x128xf32, #tpu.memory_space<vmem>>) dst(%dma_wait3A_500 : memref<10112x128xf32, #tpu.memory_space<vmem_shared>>)
        tpu.yield
      }) : () -> ()
      "tpu.region"() ({
        %run_scoped3A_480 = tpu.sem_alloc : memref<!tpu.dma_semaphore, #tpu.memory_space<semaphore_mem>>
        %dma_start3A_481 = arith.constant 0 : i32
        %dma_start3A_482 = tpu.memref_slice %arg9[%add3A_423, %dma_start3A_481] : memref<40x128xi32, #tpu.memory_space<vmem>> -> memref<1x128xi32, #tpu.memory_space<vmem>>
        %dma_start3A_483 = tpu.memref_squeeze %dma_start3A_482 : memref<1x128xi32, #tpu.memory_space<vmem>> -> memref<128xi32, #tpu.memory_space<vmem>>
        %dma_start3A_484 = arith.constant 0 : i32
        %dma_start3A_485 = tpu.memref_slice %arg14[%dma_start3A_484] : memref<10112xf32, #tpu.memory_space<vmem_shared>> -> memref<10112xf32, #tpu.memory_space<vmem_shared>>
        tpu.enqueue_indirect_dma source(%arg11 : memref<128xf32, #tpu.memory_space<vmem>>) target(%dma_start3A_485 : memref<10112xf32, #tpu.memory_space<vmem_shared>>) offsets(%dma_start3A_483 : memref<128xi32, #tpu.memory_space<vmem>>) semaphore(%run_scoped3A_480 : memref<!tpu.dma_semaphore, #tpu.memory_space<semaphore_mem>>) {add = true}
        %dma_wait3A_486 = arith.constant 0 : i32
        %dma_wait3A_487 = tpu.memref_slice %arg9[%add3A_423, %dma_wait3A_486] : memref<40x128xi32, #tpu.memory_space<vmem>> -> memref<1x128xi32, #tpu.memory_space<vmem>>
        %dma_wait3A_488 = tpu.memref_squeeze %dma_wait3A_487 : memref<1x128xi32, #tpu.memory_space<vmem>> -> memref<128xi32, #tpu.memory_space<vmem>>
        %dma_wait3A_489 = arith.constant 0 : i32
        %dma_wait3A_490 = tpu.memref_slice %arg14[%dma_wait3A_489] : memref<10112xf32, #tpu.memory_space<vmem_shared>> -> memref<10112xf32, #tpu.memory_space<vmem_shared>>
        tpu.wait_indirect_dma semaphore(%run_scoped3A_480 : memref<!tpu.dma_semaphore, #tpu.memory_space<semaphore_mem>>) src(%arg11 : memref<128xf32, #tpu.memory_space<vmem>>) dst(%dma_wait3A_490 : memref<10112xf32, #tpu.memory_space<vmem_shared>>)
        tpu.yield
      }) : () -> ()
      %add3A_437 = arith.constant 2 : i32
      %add3A_438 = arith.addi %add3A_423, %add3A_437 : i32
      %dma_start3A_439 = arith.constant 0 : i32
      %dma_start3A_440 = arith.constant 0 : i32
      %dma_start3A_441 = arith.constant 0 : i32
      %dma_start3A_442 = tpu.memref_slice %arg10[%dma_start3A_439, %dma_start3A_440, %dma_start3A_441] : memref<2x128x128xf32, #tpu.memory_space<vmem>> -> memref<1x128x128xf32, #tpu.memory_space<vmem>>
      %dma_start3A_443 = tpu.memref_squeeze %dma_start3A_442 : memref<1x128x128xf32, #tpu.memory_space<vmem>> -> memref<128x128xf32, #tpu.memory_space<vmem>>
      %dma_start3A_444 = arith.constant 0 : i32
      %dma_start3A_445 = tpu.memref_slice %arg8[%add3A_438, %dma_start3A_444] : memref<40x128xi32, #tpu.memory_space<vmem>> -> memref<1x128xi32, #tpu.memory_space<vmem>>
      %dma_start3A_446 = tpu.memref_squeeze %dma_start3A_445 : memref<1x128xi32, #tpu.memory_space<vmem>> -> memref<128xi32, #tpu.memory_space<vmem>>
      %dma_start3A_447 = arith.constant 0 : i32
      %dma_start3A_448 = arith.constant 0 : i32
      %dma_start3A_449 = tpu.memref_slice %arg2[%dma_start3A_447, %dma_start3A_448] : memref<10000x128xf32, #tpu.memory_space<hbm>> -> memref<10000x128xf32, #tpu.memory_space<hbm>>
      tpu.enqueue_indirect_dma source(%dma_start3A_449 : memref<10000x128xf32, #tpu.memory_space<hbm>>) target(%dma_start3A_443 : memref<128x128xf32, #tpu.memory_space<vmem>>) offsets(%dma_start3A_446 : memref<128xi32, #tpu.memory_space<vmem>>) semaphore(%arg15 : memref<!tpu.dma_semaphore, #tpu.memory_space<semaphore_mem>>)
      %mul3A_450 = arith.constant 2 : i32
      %mul3A_451 = arith.muli %add3A_419, %mul3A_450 : i32
      %add3A_452 = arith.constant 1 : i32
      %add3A_453 = arith.addi %mul3A_451, %add3A_452 : i32
      %dma_wait3A_454 = arith.constant 1 : i32
      %dma_wait3A_455 = arith.constant 1 : i32
      %dma_wait3A_456 = arith.constant 0 : i32
      %dma_wait3A_457 = arith.constant 0 : i32
      %dma_wait3A_458 = tpu.memref_slice %arg10[%dma_wait3A_455, %dma_wait3A_456, %dma_wait3A_457] : memref<2x128x128xf32, #tpu.memory_space<vmem>> -> memref<1x128x128xf32, #tpu.memory_space<vmem>>
      %dma_wait3A_459 = tpu.memref_squeeze %dma_wait3A_458 : memref<1x128x128xf32, #tpu.memory_space<vmem>> -> memref<128x128xf32, #tpu.memory_space<vmem>>
      %dma_wait3A_460 = arith.constant 0 : i32
      %dma_wait3A_461 = tpu.memref_slice %arg8[%dma_wait3A_454, %dma_wait3A_460] : memref<40x128xi32, #tpu.memory_space<vmem>> -> memref<1x128xi32, #tpu.memory_space<vmem>>
      %dma_wait3A_462 = tpu.memref_squeeze %dma_wait3A_461 : memref<1x128xi32, #tpu.memory_space<vmem>> -> memref<128xi32, #tpu.memory_space<vmem>>
      %dma_wait3A_463 = arith.constant 0 : i32
      %dma_wait3A_464 = arith.constant 0 : i32
      %dma_wait3A_465 = tpu.memref_slice %arg2[%dma_wait3A_463, %dma_wait3A_464] : memref<10000x128xf32, #tpu.memory_space<hbm>> -> memref<10000x128xf32, #tpu.memory_space<hbm>>
      tpu.wait_indirect_dma semaphore(%arg16 : memref<!tpu.dma_semaphore, #tpu.memory_space<semaphore_mem>>) src(%dma_wait3A_465 : memref<10000x128xf32, #tpu.memory_space<hbm>>) dst(%dma_wait3A_459 : memref<128x128xf32, #tpu.memory_space<vmem>>)
      %run_scoped3A_466 = arith.constant 1 : i32
      "tpu.region"() ({
        %run_scoped3A_480 = tpu.sem_alloc : memref<!tpu.dma_semaphore, #tpu.memory_space<semaphore_mem>>
        %dma_start3A_481 = arith.constant 0 : i32
        %dma_start3A_482 = arith.constant 0 : i32
        %dma_start3A_483 = tpu.memref_slice %arg10[%run_scoped3A_466, %dma_start3A_481, %dma_start3A_482] : memref<2x128x128xf32, #tpu.memory_space<vmem>> -> memref<1x128x128xf32, #tpu.memory_space<vmem>>
        %dma_start3A_484 = tpu.memref_squeeze %dma_start3A_483 : memref<1x128x128xf32, #tpu.memory_space<vmem>> -> memref<128x128xf32, #tpu.memory_space<vmem>>
        %dma_start3A_485 = arith.constant 0 : i32
        %dma_start3A_486 = tpu.memref_slice %arg9[%add3A_453, %dma_start3A_485] : memref<40x128xi32, #tpu.memory_space<vmem>> -> memref<1x128xi32, #tpu.memory_space<vmem>>
        %dma_start3A_487 = tpu.memref_squeeze %dma_start3A_486 : memref<1x128xi32, #tpu.memory_space<vmem>> -> memref<128xi32, #tpu.memory_space<vmem>>
        %dma_start3A_488 = arith.constant 0 : i32
        %dma_start3A_489 = arith.constant 0 : i32
        %dma_start3A_490 = tpu.memref_slice %arg13[%dma_start3A_488, %dma_start3A_489] : memref<10112x128xf32, #tpu.memory_space<vmem_shared>> -> memref<10112x128xf32, #tpu.memory_space<vmem_shared>>
        tpu.enqueue_indirect_dma source(%dma_start3A_484 : memref<128x128xf32, #tpu.memory_space<vmem>>) target(%dma_start3A_490 : memref<10112x128xf32, #tpu.memory_space<vmem_shared>>) offsets(%dma_start3A_487 : memref<128xi32, #tpu.memory_space<vmem>>) semaphore(%run_scoped3A_480 : memref<!tpu.dma_semaphore, #tpu.memory_space<semaphore_mem>>) {add = true}
        %dma_wait3A_491 = arith.constant 0 : i32
        %dma_wait3A_492 = arith.constant 0 : i32
        %dma_wait3A_493 = tpu.memref_slice %arg10[%run_scoped3A_466, %dma_wait3A_491, %dma_wait3A_492] : memref<2x128x128xf32, #tpu.memory_space<vmem>> -> memref<1x128x128xf32, #tpu.memory_space<vmem>>
        %dma_wait3A_494 = tpu.memref_squeeze %dma_wait3A_493 : memref<1x128x128xf32, #tpu.memory_space<vmem>> -> memref<128x128xf32, #tpu.memory_space<vmem>>
        %dma_wait3A_495 = arith.constant 0 : i32
        %dma_wait3A_496 = tpu.memref_slice %arg9[%add3A_453, %dma_wait3A_495] : memref<40x128xi32, #tpu.memory_space<vmem>> -> memref<1x128xi32, #tpu.memory_space<vmem>>
        %dma_wait3A_497 = tpu.memref_squeeze %dma_wait3A_496 : memref<1x128xi32, #tpu.memory_space<vmem>> -> memref<128xi32, #tpu.memory_space<vmem>>
        %dma_wait3A_498 = arith.constant 0 : i32
        %dma_wait3A_499 = arith.constant 0 : i32
        %dma_wait3A_500 = tpu.memref_slice %arg13[%dma_wait3A_498, %dma_wait3A_499] : memref<10112x128xf32, #tpu.memory_space<vmem_shared>> -> memref<10112x128xf32, #tpu.memory_space<vmem_shared>>
        tpu.wait_indirect_dma semaphore(%run_scoped3A_480 : memref<!tpu.dma_semaphore, #tpu.memory_space<semaphore_mem>>) src(%dma_wait3A_494 : memref<128x128xf32, #tpu.memory_space<vmem>>) dst(%dma_wait3A_500 : memref<10112x128xf32, #tpu.memory_space<vmem_shared>>)
        tpu.yield
      }) : () -> ()
      "tpu.region"() ({
        %run_scoped3A_480 = tpu.sem_alloc : memref<!tpu.dma_semaphore, #tpu.memory_space<semaphore_mem>>
        %dma_start3A_481 = arith.constant 0 : i32
        %dma_start3A_482 = tpu.memref_slice %arg9[%add3A_453, %dma_start3A_481] : memref<40x128xi32, #tpu.memory_space<vmem>> -> memref<1x128xi32, #tpu.memory_space<vmem>>
        %dma_start3A_483 = tpu.memref_squeeze %dma_start3A_482 : memref<1x128xi32, #tpu.memory_space<vmem>> -> memref<128xi32, #tpu.memory_space<vmem>>
        %dma_start3A_484 = arith.constant 0 : i32
        %dma_start3A_485 = tpu.memref_slice %arg14[%dma_start3A_484] : memref<10112xf32, #tpu.memory_space<vmem_shared>> -> memref<10112xf32, #tpu.memory_space<vmem_shared>>
        tpu.enqueue_indirect_dma source(%arg11 : memref<128xf32, #tpu.memory_space<vmem>>) target(%dma_start3A_485 : memref<10112xf32, #tpu.memory_space<vmem_shared>>) offsets(%dma_start3A_483 : memref<128xi32, #tpu.memory_space<vmem>>) semaphore(%run_scoped3A_480 : memref<!tpu.dma_semaphore, #tpu.memory_space<semaphore_mem>>) {add = true}
        %dma_wait3A_486 = arith.constant 0 : i32
        %dma_wait3A_487 = tpu.memref_slice %arg9[%add3A_453, %dma_wait3A_486] : memref<40x128xi32, #tpu.memory_space<vmem>> -> memref<1x128xi32, #tpu.memory_space<vmem>>
        %dma_wait3A_488 = tpu.memref_squeeze %dma_wait3A_487 : memref<1x128xi32, #tpu.memory_space<vmem>> -> memref<128xi32, #tpu.memory_space<vmem>>
        %dma_wait3A_489 = arith.constant 0 : i32
        %dma_wait3A_490 = tpu.memref_slice %arg14[%dma_wait3A_489] : memref<10112xf32, #tpu.memory_space<vmem_shared>> -> memref<10112xf32, #tpu.memory_space<vmem_shared>>
        tpu.wait_indirect_dma semaphore(%run_scoped3A_480 : memref<!tpu.dma_semaphore, #tpu.memory_space<semaphore_mem>>) src(%arg11 : memref<128xf32, #tpu.memory_space<vmem>>) dst(%dma_wait3A_490 : memref<10112xf32, #tpu.memory_space<vmem_shared>>)
        tpu.yield
      }) : () -> ()
      %add3A_467 = arith.constant 2 : i32
      %add3A_468 = arith.addi %add3A_453, %add3A_467 : i32
      %dma_start3A_469 = arith.constant 1 : i32
      %dma_start3A_470 = arith.constant 0 : i32
      %dma_start3A_471 = arith.constant 0 : i32
      %dma_start3A_472 = tpu.memref_slice %arg10[%dma_start3A_469, %dma_start3A_470, %dma_start3A_471] : memref<2x128x128xf32, #tpu.memory_space<vmem>> -> memref<1x128x128xf32, #tpu.memory_space<vmem>>
      %dma_start3A_473 = tpu.memref_squeeze %dma_start3A_472 : memref<1x128x128xf32, #tpu.memory_space<vmem>> -> memref<128x128xf32, #tpu.memory_space<vmem>>
      %dma_start3A_474 = arith.constant 0 : i32
      %dma_start3A_475 = tpu.memref_slice %arg8[%add3A_468, %dma_start3A_474] : memref<40x128xi32, #tpu.memory_space<vmem>> -> memref<1x128xi32, #tpu.memory_space<vmem>>
      %dma_start3A_476 = tpu.memref_squeeze %dma_start3A_475 : memref<1x128xi32, #tpu.memory_space<vmem>> -> memref<128xi32, #tpu.memory_space<vmem>>
      %dma_start3A_477 = arith.constant 0 : i32
      %dma_start3A_478 = arith.constant 0 : i32
      %dma_start3A_479 = tpu.memref_slice %arg2[%dma_start3A_477, %dma_start3A_478] : memref<10000x128xf32, #tpu.memory_space<hbm>> -> memref<10000x128xf32, #tpu.memory_space<hbm>>
      tpu.enqueue_indirect_dma source(%dma_start3A_479 : memref<10000x128xf32, #tpu.memory_space<hbm>>) target(%dma_start3A_473 : memref<128x128xf32, #tpu.memory_space<vmem>>) offsets(%dma_start3A_476 : memref<128xi32, #tpu.memory_space<vmem>>) semaphore(%arg16 : memref<!tpu.dma_semaphore, #tpu.memory_space<semaphore_mem>>)
    }
    %scan3A_319 = arith.constant 19 : i32
    %dma_wait3A = arith.constant 0 : i32
    %dma_wait3A_320 = arith.constant 0 : i32
    %dma_wait3A_321 = arith.constant 0 : i32
    %dma_wait3A_322 = arith.constant 0 : i32
    %dma_wait3A_323 = tpu.memref_slice %arg10[%dma_wait3A_320, %dma_wait3A_321, %dma_wait3A_322] : memref<2x128x128xf32, #tpu.memory_space<vmem>> -> memref<1x128x128xf32, #tpu.memory_space<vmem>>
    %dma_wait3A_324 = tpu.memref_squeeze %dma_wait3A_323 : memref<1x128x128xf32, #tpu.memory_space<vmem>> -> memref<128x128xf32, #tpu.memory_space<vmem>>
    %dma_wait3A_325 = arith.constant 0 : i32
    %dma_wait3A_326 = tpu.memref_slice %arg8[%dma_wait3A, %dma_wait3A_325] : memref<40x128xi32, #tpu.memory_space<vmem>> -> memref<1x128xi32, #tpu.memory_space<vmem>>
    %dma_wait3A_327 = tpu.memref_squeeze %dma_wait3A_326 : memref<1x128xi32, #tpu.memory_space<vmem>> -> memref<128xi32, #tpu.memory_space<vmem>>
    %dma_wait3A_328 = arith.constant 0 : i32
    %dma_wait3A_329 = arith.constant 0 : i32
    %dma_wait3A_330 = tpu.memref_slice %arg2[%dma_wait3A_328, %dma_wait3A_329] : memref<10000x128xf32, #tpu.memory_space<hbm>> -> memref<10000x128xf32, #tpu.memory_space<hbm>>
    tpu.wait_indirect_dma semaphore(%arg15 : memref<!tpu.dma_semaphore, #tpu.memory_space<semaphore_mem>>) src(%dma_wait3A_330 : memref<10000x128xf32, #tpu.memory_space<hbm>>) dst(%dma_wait3A_324 : memref<128x128xf32, #tpu.memory_space<vmem>>)
    %run_scoped3A = arith.constant 0 : i32
    %run_scoped3A_331 = arith.constant 38 : i32
    "tpu.region"() ({
      %run_scoped3A_415 = tpu.sem_alloc : memref<!tpu.dma_semaphore, #tpu.memory_space<semaphore_mem>>
      %dma_start3A_416 = arith.constant 0 : i32
      %dma_start3A_417 = arith.constant 0 : i32
      %dma_start3A_418 = tpu.memref_slice %arg10[%run_scoped3A, %dma_start3A_416, %dma_start3A_417] : memref<2x128x128xf32, #tpu.memory_space<vmem>> -> memref<1x128x128xf32, #tpu.memory_space<vmem>>
      %dma_start3A_419 = tpu.memref_squeeze %dma_start3A_418 : memref<1x128x128xf32, #tpu.memory_space<vmem>> -> memref<128x128xf32, #tpu.memory_space<vmem>>
      %dma_start3A_420 = arith.constant 0 : i32
      %dma_start3A_421 = tpu.memref_slice %arg9[%run_scoped3A_331, %dma_start3A_420] : memref<40x128xi32, #tpu.memory_space<vmem>> -> memref<1x128xi32, #tpu.memory_space<vmem>>
      %dma_start3A_422 = tpu.memref_squeeze %dma_start3A_421 : memref<1x128xi32, #tpu.memory_space<vmem>> -> memref<128xi32, #tpu.memory_space<vmem>>
      %dma_start3A_423 = arith.constant 0 : i32
      %dma_start3A_424 = arith.constant 0 : i32
      %dma_start3A_425 = tpu.memref_slice %arg13[%dma_start3A_423, %dma_start3A_424] : memref<10112x128xf32, #tpu.memory_space<vmem_shared>> -> memref<10112x128xf32, #tpu.memory_space<vmem_shared>>
      tpu.enqueue_indirect_dma source(%dma_start3A_419 : memref<128x128xf32, #tpu.memory_space<vmem>>) target(%dma_start3A_425 : memref<10112x128xf32, #tpu.memory_space<vmem_shared>>) offsets(%dma_start3A_422 : memref<128xi32, #tpu.memory_space<vmem>>) semaphore(%run_scoped3A_415 : memref<!tpu.dma_semaphore, #tpu.memory_space<semaphore_mem>>) {add = true}
      %dma_wait3A_426 = arith.constant 0 : i32
      %dma_wait3A_427 = arith.constant 0 : i32
      %dma_wait3A_428 = tpu.memref_slice %arg10[%run_scoped3A, %dma_wait3A_426, %dma_wait3A_427] : memref<2x128x128xf32, #tpu.memory_space<vmem>> -> memref<1x128x128xf32, #tpu.memory_space<vmem>>
      %dma_wait3A_429 = tpu.memref_squeeze %dma_wait3A_428 : memref<1x128x128xf32, #tpu.memory_space<vmem>> -> memref<128x128xf32, #tpu.memory_space<vmem>>
      %dma_wait3A_430 = arith.constant 0 : i32
      %dma_wait3A_431 = tpu.memref_slice %arg9[%run_scoped3A_331, %dma_wait3A_430] : memref<40x128xi32, #tpu.memory_space<vmem>> -> memref<1x128xi32, #tpu.memory_space<vmem>>
      %dma_wait3A_432 = tpu.memref_squeeze %dma_wait3A_431 : memref<1x128xi32, #tpu.memory_space<vmem>> -> memref<128xi32, #tpu.memory_space<vmem>>
      %dma_wait3A_433 = arith.constant 0 : i32
      %dma_wait3A_434 = arith.constant 0 : i32
      %dma_wait3A_435 = tpu.memref_slice %arg13[%dma_wait3A_433, %dma_wait3A_434] : memref<10112x128xf32, #tpu.memory_space<vmem_shared>> -> memref<10112x128xf32, #tpu.memory_space<vmem_shared>>
      tpu.wait_indirect_dma semaphore(%run_scoped3A_415 : memref<!tpu.dma_semaphore, #tpu.memory_space<semaphore_mem>>) src(%dma_wait3A_429 : memref<128x128xf32, #tpu.memory_space<vmem>>) dst(%dma_wait3A_435 : memref<10112x128xf32, #tpu.memory_space<vmem_shared>>)
      tpu.yield
    }) : () -> ()
    %run_scoped3A_332 = arith.constant 38 : i32
    "tpu.region"() ({
      %run_scoped3A_415 = tpu.sem_alloc : memref<!tpu.dma_semaphore, #tpu.memory_space<semaphore_mem>>
      %dma_start3A_416 = arith.constant 0 : i32
      %dma_start3A_417 = tpu.memref_slice %arg9[%run_scoped3A_332, %dma_start3A_416] : memref<40x128xi32, #tpu.memory_space<vmem>> -> memref<1x128xi32, #tpu.memory_space<vmem>>
      %dma_start3A_418 = tpu.memref_squeeze %dma_start3A_417 : memref<1x128xi32, #tpu.memory_space<vmem>> -> memref<128xi32, #tpu.memory_space<vmem>>
      %dma_start3A_419 = arith.constant 0 : i32
      %dma_start3A_420 = tpu.memref_slice %arg14[%dma_start3A_419] : memref<10112xf32, #tpu.memory_space<vmem_shared>> -> memref<10112xf32, #tpu.memory_space<vmem_shared>>
      tpu.enqueue_indirect_dma source(%arg11 : memref<128xf32, #tpu.memory_space<vmem>>) target(%dma_start3A_420 : memref<10112xf32, #tpu.memory_space<vmem_shared>>) offsets(%dma_start3A_418 : memref<128xi32, #tpu.memory_space<vmem>>) semaphore(%run_scoped3A_415 : memref<!tpu.dma_semaphore, #tpu.memory_space<semaphore_mem>>) {add = true}
      %dma_wait3A_421 = arith.constant 0 : i32
      %dma_wait3A_422 = tpu.memref_slice %arg9[%run_scoped3A_332, %dma_wait3A_421] : memref<40x128xi32, #tpu.memory_space<vmem>> -> memref<1x128xi32, #tpu.memory_space<vmem>>
      %dma_wait3A_423 = tpu.memref_squeeze %dma_wait3A_422 : memref<1x128xi32, #tpu.memory_space<vmem>> -> memref<128xi32, #tpu.memory_space<vmem>>
      %dma_wait3A_424 = arith.constant 0 : i32
      %dma_wait3A_425 = tpu.memref_slice %arg14[%dma_wait3A_424] : memref<10112xf32, #tpu.memory_space<vmem_shared>> -> memref<10112xf32, #tpu.memory_space<vmem_shared>>
      tpu.wait_indirect_dma semaphore(%run_scoped3A_415 : memref<!tpu.dma_semaphore, #tpu.memory_space<semaphore_mem>>) src(%arg11 : memref<128xf32, #tpu.memory_space<vmem>>) dst(%dma_wait3A_425 : memref<10112xf32, #tpu.memory_space<vmem_shared>>)
      tpu.yield
    }) : () -> ()
    %dma_wait3A_333 = arith.constant 1 : i32
    %dma_wait3A_334 = arith.constant 1 : i32
    %dma_wait3A_335 = arith.constant 0 : i32
    %dma_wait3A_336 = arith.constant 0 : i32
    %dma_wait3A_337 = tpu.memref_slice %arg10[%dma_wait3A_334, %dma_wait3A_335, %dma_wait3A_336] : memref<2x128x128xf32, #tpu.memory_space<vmem>> -> memref<1x128x128xf32, #tpu.memory_space<vmem>>
    %dma_wait3A_338 = tpu.memref_squeeze %dma_wait3A_337 : memref<1x128x128xf32, #tpu.memory_space<vmem>> -> memref<128x128xf32, #tpu.memory_space<vmem>>
    %dma_wait3A_339 = arith.constant 0 : i32
    %dma_wait3A_340 = tpu.memref_slice %arg8[%dma_wait3A_333, %dma_wait3A_339] : memref<40x128xi32, #tpu.memory_space<vmem>> -> memref<1x128xi32, #tpu.memory_space<vmem>>
    %dma_wait3A_341 = tpu.memref_squeeze %dma_wait3A_340 : memref<1x128xi32, #tpu.memory_space<vmem>> -> memref<128xi32, #tpu.memory_space<vmem>>
    %dma_wait3A_342 = arith.constant 0 : i32
    %dma_wait3A_343 = arith.constant 0 : i32
    %dma_wait3A_344 = tpu.memref_slice %arg2[%dma_wait3A_342, %dma_wait3A_343] : memref<10000x128xf32, #tpu.memory_space<hbm>> -> memref<10000x128xf32, #tpu.memory_space<hbm>>
    tpu.wait_indirect_dma semaphore(%arg16 : memref<!tpu.dma_semaphore, #tpu.memory_space<semaphore_mem>>) src(%dma_wait3A_344 : memref<10000x128xf32, #tpu.memory_space<hbm>>) dst(%dma_wait3A_338 : memref<128x128xf32, #tpu.memory_space<vmem>>)
    %run_scoped3A_345 = arith.constant 1 : i32
    %run_scoped3A_346 = arith.constant 39 : i32
    "tpu.region"() ({
      %run_scoped3A_415 = tpu.sem_alloc : memref<!tpu.dma_semaphore, #tpu.memory_space<semaphore_mem>>
      %dma_start3A_416 = arith.constant 0 : i32
      %dma_start3A_417 = arith.constant 0 : i32
      %dma_start3A_418 = tpu.memref_slice %arg10[%run_scoped3A_345, %dma_start3A_416, %dma_start3A_417] : memref<2x128x128xf32, #tpu.memory_space<vmem>> -> memref<1x128x128xf32, #tpu.memory_space<vmem>>
      %dma_start3A_419 = tpu.memref_squeeze %dma_start3A_418 : memref<1x128x128xf32, #tpu.memory_space<vmem>> -> memref<128x128xf32, #tpu.memory_space<vmem>>
      %dma_start3A_420 = arith.constant 0 : i32
      %dma_start3A_421 = tpu.memref_slice %arg9[%run_scoped3A_346, %dma_start3A_420] : memref<40x128xi32, #tpu.memory_space<vmem>> -> memref<1x128xi32, #tpu.memory_space<vmem>>
      %dma_start3A_422 = tpu.memref_squeeze %dma_start3A_421 : memref<1x128xi32, #tpu.memory_space<vmem>> -> memref<128xi32, #tpu.memory_space<vmem>>
      %dma_start3A_423 = arith.constant 0 : i32
      %dma_start3A_424 = arith.constant 0 : i32
      %dma_start3A_425 = tpu.memref_slice %arg13[%dma_start3A_423, %dma_start3A_424] : memref<10112x128xf32, #tpu.memory_space<vmem_shared>> -> memref<10112x128xf32, #tpu.memory_space<vmem_shared>>
      tpu.enqueue_indirect_dma source(%dma_start3A_419 : memref<128x128xf32, #tpu.memory_space<vmem>>) target(%dma_start3A_425 : memref<10112x128xf32, #tpu.memory_space<vmem_shared>>) offsets(%dma_start3A_422 : memref<128xi32, #tpu.memory_space<vmem>>) semaphore(%run_scoped3A_415 : memref<!tpu.dma_semaphore, #tpu.memory_space<semaphore_mem>>) {add = true}
      %dma_wait3A_426 = arith.constant 0 : i32
      %dma_wait3A_427 = arith.constant 0 : i32
      %dma_wait3A_428 = tpu.memref_slice %arg10[%run_scoped3A_345, %dma_wait3A_426, %dma_wait3A_427] : memref<2x128x128xf32, #tpu.memory_space<vmem>> -> memref<1x128x128xf32, #tpu.memory_space<vmem>>
      %dma_wait3A_429 = tpu.memref_squeeze %dma_wait3A_428 : memref<1x128x128xf32, #tpu.memory_space<vmem>> -> memref<128x128xf32, #tpu.memory_space<vmem>>
      %dma_wait3A_430 = arith.constant 0 : i32
      %dma_wait3A_431 = tpu.memref_slice %arg9[%run_scoped3A_346, %dma_wait3A_430] : memref<40x128xi32, #tpu.memory_space<vmem>> -> memref<1x128xi32, #tpu.memory_space<vmem>>
      %dma_wait3A_432 = tpu.memref_squeeze %dma_wait3A_431 : memref<1x128xi32, #tpu.memory_space<vmem>> -> memref<128xi32, #tpu.memory_space<vmem>>
      %dma_wait3A_433 = arith.constant 0 : i32
      %dma_wait3A_434 = arith.constant 0 : i32
      %dma_wait3A_435 = tpu.memref_slice %arg13[%dma_wait3A_433, %dma_wait3A_434] : memref<10112x128xf32, #tpu.memory_space<vmem_shared>> -> memref<10112x128xf32, #tpu.memory_space<vmem_shared>>
      tpu.wait_indirect_dma semaphore(%run_scoped3A_415 : memref<!tpu.dma_semaphore, #tpu.memory_space<semaphore_mem>>) src(%dma_wait3A_429 : memref<128x128xf32, #tpu.memory_space<vmem>>) dst(%dma_wait3A_435 : memref<10112x128xf32, #tpu.memory_space<vmem_shared>>)
      tpu.yield
    }) : () -> ()
    %run_scoped3A_347 = arith.constant 39 : i32
    "tpu.region"() ({
      %run_scoped3A_415 = tpu.sem_alloc : memref<!tpu.dma_semaphore, #tpu.memory_space<semaphore_mem>>
      %dma_start3A_416 = arith.constant 0 : i32
      %dma_start3A_417 = tpu.memref_slice %arg9[%run_scoped3A_347, %dma_start3A_416] : memref<40x128xi32, #tpu.memory_space<vmem>> -> memref<1x128xi32, #tpu.memory_space<vmem>>
      %dma_start3A_418 = tpu.memref_squeeze %dma_start3A_417 : memref<1x128xi32, #tpu.memory_space<vmem>> -> memref<128xi32, #tpu.memory_space<vmem>>
      %dma_start3A_419 = arith.constant 0 : i32
      %dma_start3A_420 = tpu.memref_slice %arg14[%dma_start3A_419] : memref<10112xf32, #tpu.memory_space<vmem_shared>> -> memref<10112xf32, #tpu.memory_space<vmem_shared>>
      tpu.enqueue_indirect_dma source(%arg11 : memref<128xf32, #tpu.memory_space<vmem>>) target(%dma_start3A_420 : memref<10112xf32, #tpu.memory_space<vmem_shared>>) offsets(%dma_start3A_418 : memref<128xi32, #tpu.memory_space<vmem>>) semaphore(%run_scoped3A_415 : memref<!tpu.dma_semaphore, #tpu.memory_space<semaphore_mem>>) {add = true}
      %dma_wait3A_421 = arith.constant 0 : i32
      %dma_wait3A_422 = tpu.memref_slice %arg9[%run_scoped3A_347, %dma_wait3A_421] : memref<40x128xi32, #tpu.memory_space<vmem>> -> memref<1x128xi32, #tpu.memory_space<vmem>>
      %dma_wait3A_423 = tpu.memref_squeeze %dma_wait3A_422 : memref<1x128xi32, #tpu.memory_space<vmem>> -> memref<128xi32, #tpu.memory_space<vmem>>
      %dma_wait3A_424 = arith.constant 0 : i32
      %dma_wait3A_425 = tpu.memref_slice %arg14[%dma_wait3A_424] : memref<10112xf32, #tpu.memory_space<vmem_shared>> -> memref<10112xf32, #tpu.memory_space<vmem_shared>>
      tpu.wait_indirect_dma semaphore(%run_scoped3A_415 : memref<!tpu.dma_semaphore, #tpu.memory_space<semaphore_mem>>) src(%arg11 : memref<128xf32, #tpu.memory_space<vmem>>) dst(%dma_wait3A_425 : memref<10112xf32, #tpu.memory_space<vmem_shared>>)
      tpu.yield
    }) : () -> ()
    %mul3A_348 = arith.constant 80 : i32
    %mul3A_349 = arith.muli %add3A, %mul3A_348 : i32
    %add3A_350 = arith.constant 40 : i32
    %add3A_351 = arith.addi %mul3A_349, %add3A_350 : i32
    "tpu.region"() ({
      %run_scoped3A_415 = tpu.sem_alloc : memref<!tpu.dma_semaphore, #tpu.memory_space<semaphore_mem>>
      %dma_start3A_416 = arith.constant 0 : i32
      %dma_start3A_417 = tpu.memref_slice %arg3[%add3A_351, %dma_start3A_416] : memref<2560x128xi32, #tpu.memory_space<hbm>> -> memref<40x128xi32, #tpu.memory_space<hbm>>
      %dma_start3A_418 = arith.constant 0 : i32
      %dma_start3A_419 = tpu.memref_slice %arg3[%add3A_351, %dma_start3A_418] : memref<2560x128xi32, #tpu.memory_space<hbm>> -> memref<40x128xi32, #tpu.memory_space<hbm>>
      tpu.enqueue_dma source(%dma_start3A_419 : memref<40x128xi32, #tpu.memory_space<hbm>>) target(%arg8 : memref<40x128xi32, #tpu.memory_space<vmem>>) target_semaphore(%run_scoped3A_415 : memref<!tpu.dma_semaphore, #tpu.memory_space<semaphore_mem>>)
      %dma_wait3A_420 = arith.constant 0 : i32
      %dma_wait3A_421 = tpu.memref_slice %arg3[%add3A_351, %dma_wait3A_420] : memref<2560x128xi32, #tpu.memory_space<hbm>> -> memref<40x128xi32, #tpu.memory_space<hbm>>
      %dma_wait3A_422 = arith.constant 0 : i32
      %dma_wait3A_423 = tpu.memref_slice %arg3[%add3A_351, %dma_wait3A_422] : memref<2560x128xi32, #tpu.memory_space<hbm>> -> memref<40x128xi32, #tpu.memory_space<hbm>>
      tpu.wait_dma2 semaphore(%run_scoped3A_415 : memref<!tpu.dma_semaphore, #tpu.memory_space<semaphore_mem>>) src(%dma_wait3A_423 : memref<40x128xi32, #tpu.memory_space<hbm>>) dst(%arg8 : memref<40x128xi32, #tpu.memory_space<vmem>>)
      tpu.yield
    }) : () -> ()
    "tpu.region"() ({
      %run_scoped3A_415 = tpu.sem_alloc : memref<!tpu.dma_semaphore, #tpu.memory_space<semaphore_mem>>
      %dma_start3A_416 = arith.constant 0 : i32
      %dma_start3A_417 = tpu.memref_slice %arg4[%add3A_351, %dma_start3A_416] : memref<2560x128xi32, #tpu.memory_space<hbm>> -> memref<40x128xi32, #tpu.memory_space<hbm>>
      %dma_start3A_418 = arith.constant 0 : i32
      %dma_start3A_419 = tpu.memref_slice %arg4[%add3A_351, %dma_start3A_418] : memref<2560x128xi32, #tpu.memory_space<hbm>> -> memref<40x128xi32, #tpu.memory_space<hbm>>
      tpu.enqueue_dma source(%dma_start3A_419 : memref<40x128xi32, #tpu.memory_space<hbm>>) target(%arg9 : memref<40x128xi32, #tpu.memory_space<vmem>>) target_semaphore(%run_scoped3A_415 : memref<!tpu.dma_semaphore, #tpu.memory_space<semaphore_mem>>)
      %dma_wait3A_420 = arith.constant 0 : i32
      %dma_wait3A_421 = tpu.memref_slice %arg4[%add3A_351, %dma_wait3A_420] : memref<2560x128xi32, #tpu.memory_space<hbm>> -> memref<40x128xi32, #tpu.memory_space<hbm>>
      %dma_wait3A_422 = arith.constant 0 : i32
      %dma_wait3A_423 = tpu.memref_slice %arg4[%add3A_351, %dma_wait3A_422] : memref<2560x128xi32, #tpu.memory_space<hbm>> -> memref<40x128xi32, #tpu.memory_space<hbm>>
      tpu.wait_dma2 semaphore(%run_scoped3A_415 : memref<!tpu.dma_semaphore, #tpu.memory_space<semaphore_mem>>) src(%dma_wait3A_423 : memref<40x128xi32, #tpu.memory_space<hbm>>) dst(%arg9 : memref<40x128xi32, #tpu.memory_space<vmem>>)
      tpu.yield
    }) : () -> ()
    %dma_start3A_352 = arith.constant 0 : i32
    %dma_start3A_353 = arith.constant 0 : i32
    %dma_start3A_354 = arith.constant 0 : i32
    %dma_start3A_355 = arith.constant 0 : i32
    %dma_start3A_356 = tpu.memref_slice %arg10[%dma_start3A_353, %dma_start3A_354, %dma_start3A_355] : memref<2x128x128xf32, #tpu.memory_space<vmem>> -> memref<1x128x128xf32, #tpu.memory_space<vmem>>
    %dma_start3A_357 = tpu.memref_squeeze %dma_start3A_356 : memref<1x128x128xf32, #tpu.memory_space<vmem>> -> memref<128x128xf32, #tpu.memory_space<vmem>>
    %dma_start3A_358 = arith.constant 0 : i32
    %dma_start3A_359 = tpu.memref_slice %arg8[%dma_start3A_352, %dma_start3A_358] : memref<40x128xi32, #tpu.memory_space<vmem>> -> memref<1x128xi32, #tpu.memory_space<vmem>>
    %dma_start3A_360 = tpu.memref_squeeze %dma_start3A_359 : memref<1x128xi32, #tpu.memory_space<vmem>> -> memref<128xi32, #tpu.memory_space<vmem>>
    %dma_start3A_361 = arith.constant 0 : i32
    %dma_start3A_362 = arith.constant 0 : i32
    %dma_start3A_363 = tpu.memref_slice %arg2[%dma_start3A_361, %dma_start3A_362] : memref<10000x128xf32, #tpu.memory_space<hbm>> -> memref<10000x128xf32, #tpu.memory_space<hbm>>
    tpu.enqueue_indirect_dma source(%dma_start3A_363 : memref<10000x128xf32, #tpu.memory_space<hbm>>) target(%dma_start3A_357 : memref<128x128xf32, #tpu.memory_space<vmem>>) offsets(%dma_start3A_360 : memref<128xi32, #tpu.memory_space<vmem>>) semaphore(%arg15 : memref<!tpu.dma_semaphore, #tpu.memory_space<semaphore_mem>>)
    %dma_start3A_364 = arith.constant 1 : i32
    %dma_start3A_365 = arith.constant 1 : i32
    %dma_start3A_366 = arith.constant 0 : i32
    %dma_start3A_367 = arith.constant 0 : i32
    %dma_start3A_368 = tpu.memref_slice %arg10[%dma_start3A_365, %dma_start3A_366, %dma_start3A_367] : memref<2x128x128xf32, #tpu.memory_space<vmem>> -> memref<1x128x128xf32, #tpu.memory_space<vmem>>
    %dma_start3A_369 = tpu.memref_squeeze %dma_start3A_368 : memref<1x128x128xf32, #tpu.memory_space<vmem>> -> memref<128x128xf32, #tpu.memory_space<vmem>>
    %dma_start3A_370 = arith.constant 0 : i32
    %dma_start3A_371 = tpu.memref_slice %arg8[%dma_start3A_364, %dma_start3A_370] : memref<40x128xi32, #tpu.memory_space<vmem>> -> memref<1x128xi32, #tpu.memory_space<vmem>>
    %dma_start3A_372 = tpu.memref_squeeze %dma_start3A_371 : memref<1x128xi32, #tpu.memory_space<vmem>> -> memref<128xi32, #tpu.memory_space<vmem>>
    %dma_start3A_373 = arith.constant 0 : i32
    %dma_start3A_374 = arith.constant 0 : i32
    %dma_start3A_375 = tpu.memref_slice %arg2[%dma_start3A_373, %dma_start3A_374] : memref<10000x128xf32, #tpu.memory_space<hbm>> -> memref<10000x128xf32, #tpu.memory_space<hbm>>
    tpu.enqueue_indirect_dma source(%dma_start3A_375 : memref<10000x128xf32, #tpu.memory_space<hbm>>) target(%dma_start3A_369 : memref<128x128xf32, #tpu.memory_space<vmem>>) offsets(%dma_start3A_372 : memref<128xi32, #tpu.memory_space<vmem>>) semaphore(%arg16 : memref<!tpu.dma_semaphore, #tpu.memory_space<semaphore_mem>>)
    %scan3A_376 = arith.constant 0 : i32
    %scan3A_377 = arith.constant 19 : i32
    %scan3A_378 = arith.addi %scan3A_376, %scan3A_377 : i32
    %scan3A_379 = arith.constant 1 : i32
    scf.for %scan3A_415 = %scan3A_376 to %scan3A_378 step %scan3A_379  : i32 {
      %mul3A_416 = arith.constant 1 : i32
      %mul3A_417 = arith.muli %scan3A_415, %mul3A_416 : i32
      %add3A_418 = arith.constant 0 : i32
      %add3A_419 = arith.addi %add3A_418, %mul3A_417 : i32
      %mul3A_420 = arith.constant 2 : i32
      %mul3A_421 = arith.muli %add3A_419, %mul3A_420 : i32
      %add3A_422 = arith.constant 0 : i32
      %add3A_423 = arith.addi %mul3A_421, %add3A_422 : i32
      %dma_wait3A_424 = arith.constant 0 : i32
      %dma_wait3A_425 = arith.constant 0 : i32
      %dma_wait3A_426 = arith.constant 0 : i32
      %dma_wait3A_427 = arith.constant 0 : i32
      %dma_wait3A_428 = tpu.memref_slice %arg10[%dma_wait3A_425, %dma_wait3A_426, %dma_wait3A_427] : memref<2x128x128xf32, #tpu.memory_space<vmem>> -> memref<1x128x128xf32, #tpu.memory_space<vmem>>
      %dma_wait3A_429 = tpu.memref_squeeze %dma_wait3A_428 : memref<1x128x128xf32, #tpu.memory_space<vmem>> -> memref<128x128xf32, #tpu.memory_space<vmem>>
      %dma_wait3A_430 = arith.constant 0 : i32
      %dma_wait3A_431 = tpu.memref_slice %arg8[%dma_wait3A_424, %dma_wait3A_430] : memref<40x128xi32, #tpu.memory_space<vmem>> -> memref<1x128xi32, #tpu.memory_space<vmem>>
      %dma_wait3A_432 = tpu.memref_squeeze %dma_wait3A_431 : memref<1x128xi32, #tpu.memory_space<vmem>> -> memref<128xi32, #tpu.memory_space<vmem>>
      %dma_wait3A_433 = arith.constant 0 : i32
      %dma_wait3A_434 = arith.constant 0 : i32
      %dma_wait3A_435 = tpu.memref_slice %arg2[%dma_wait3A_433, %dma_wait3A_434] : memref<10000x128xf32, #tpu.memory_space<hbm>> -> memref<10000x128xf32, #tpu.memory_space<hbm>>
      tpu.wait_indirect_dma semaphore(%arg15 : memref<!tpu.dma_semaphore, #tpu.memory_space<semaphore_mem>>) src(%dma_wait3A_435 : memref<10000x128xf32, #tpu.memory_space<hbm>>) dst(%dma_wait3A_429 : memref<128x128xf32, #tpu.memory_space<vmem>>)
      %run_scoped3A_436 = arith.constant 0 : i32
      "tpu.region"() ({
        %run_scoped3A_480 = tpu.sem_alloc : memref<!tpu.dma_semaphore, #tpu.memory_space<semaphore_mem>>
        %dma_start3A_481 = arith.constant 0 : i32
        %dma_start3A_482 = arith.constant 0 : i32
        %dma_start3A_483 = tpu.memref_slice %arg10[%run_scoped3A_436, %dma_start3A_481, %dma_start3A_482] : memref<2x128x128xf32, #tpu.memory_space<vmem>> -> memref<1x128x128xf32, #tpu.memory_space<vmem>>
        %dma_start3A_484 = tpu.memref_squeeze %dma_start3A_483 : memref<1x128x128xf32, #tpu.memory_space<vmem>> -> memref<128x128xf32, #tpu.memory_space<vmem>>
        %dma_start3A_485 = arith.constant 0 : i32
        %dma_start3A_486 = tpu.memref_slice %arg9[%add3A_423, %dma_start3A_485] : memref<40x128xi32, #tpu.memory_space<vmem>> -> memref<1x128xi32, #tpu.memory_space<vmem>>
        %dma_start3A_487 = tpu.memref_squeeze %dma_start3A_486 : memref<1x128xi32, #tpu.memory_space<vmem>> -> memref<128xi32, #tpu.memory_space<vmem>>
        %dma_start3A_488 = arith.constant 0 : i32
        %dma_start3A_489 = arith.constant 0 : i32
        %dma_start3A_490 = tpu.memref_slice %arg13[%dma_start3A_488, %dma_start3A_489] : memref<10112x128xf32, #tpu.memory_space<vmem_shared>> -> memref<10112x128xf32, #tpu.memory_space<vmem_shared>>
        tpu.enqueue_indirect_dma source(%dma_start3A_484 : memref<128x128xf32, #tpu.memory_space<vmem>>) target(%dma_start3A_490 : memref<10112x128xf32, #tpu.memory_space<vmem_shared>>) offsets(%dma_start3A_487 : memref<128xi32, #tpu.memory_space<vmem>>) semaphore(%run_scoped3A_480 : memref<!tpu.dma_semaphore, #tpu.memory_space<semaphore_mem>>) {add = true}
        %dma_wait3A_491 = arith.constant 0 : i32
        %dma_wait3A_492 = arith.constant 0 : i32
        %dma_wait3A_493 = tpu.memref_slice %arg10[%run_scoped3A_436, %dma_wait3A_491, %dma_wait3A_492] : memref<2x128x128xf32, #tpu.memory_space<vmem>> -> memref<1x128x128xf32, #tpu.memory_space<vmem>>
        %dma_wait3A_494 = tpu.memref_squeeze %dma_wait3A_493 : memref<1x128x128xf32, #tpu.memory_space<vmem>> -> memref<128x128xf32, #tpu.memory_space<vmem>>
        %dma_wait3A_495 = arith.constant 0 : i32
        %dma_wait3A_496 = tpu.memref_slice %arg9[%add3A_423, %dma_wait3A_495] : memref<40x128xi32, #tpu.memory_space<vmem>> -> memref<1x128xi32, #tpu.memory_space<vmem>>
        %dma_wait3A_497 = tpu.memref_squeeze %dma_wait3A_496 : memref<1x128xi32, #tpu.memory_space<vmem>> -> memref<128xi32, #tpu.memory_space<vmem>>
        %dma_wait3A_498 = arith.constant 0 : i32
        %dma_wait3A_499 = arith.constant 0 : i32
        %dma_wait3A_500 = tpu.memref_slice %arg13[%dma_wait3A_498, %dma_wait3A_499] : memref<10112x128xf32, #tpu.memory_space<vmem_shared>> -> memref<10112x128xf32, #tpu.memory_space<vmem_shared>>
        tpu.wait_indirect_dma semaphore(%run_scoped3A_480 : memref<!tpu.dma_semaphore, #tpu.memory_space<semaphore_mem>>) src(%dma_wait3A_494 : memref<128x128xf32, #tpu.memory_space<vmem>>) dst(%dma_wait3A_500 : memref<10112x128xf32, #tpu.memory_space<vmem_shared>>)
        tpu.yield
      }) : () -> ()
      "tpu.region"() ({
        %run_scoped3A_480 = tpu.sem_alloc : memref<!tpu.dma_semaphore, #tpu.memory_space<semaphore_mem>>
        %dma_start3A_481 = arith.constant 0 : i32
        %dma_start3A_482 = tpu.memref_slice %arg9[%add3A_423, %dma_start3A_481] : memref<40x128xi32, #tpu.memory_space<vmem>> -> memref<1x128xi32, #tpu.memory_space<vmem>>
        %dma_start3A_483 = tpu.memref_squeeze %dma_start3A_482 : memref<1x128xi32, #tpu.memory_space<vmem>> -> memref<128xi32, #tpu.memory_space<vmem>>
        %dma_start3A_484 = arith.constant 0 : i32
        %dma_start3A_485 = tpu.memref_slice %arg14[%dma_start3A_484] : memref<10112xf32, #tpu.memory_space<vmem_shared>> -> memref<10112xf32, #tpu.memory_space<vmem_shared>>
        tpu.enqueue_indirect_dma source(%arg11 : memref<128xf32, #tpu.memory_space<vmem>>) target(%dma_start3A_485 : memref<10112xf32, #tpu.memory_space<vmem_shared>>) offsets(%dma_start3A_483 : memref<128xi32, #tpu.memory_space<vmem>>) semaphore(%run_scoped3A_480 : memref<!tpu.dma_semaphore, #tpu.memory_space<semaphore_mem>>) {add = true}
        %dma_wait3A_486 = arith.constant 0 : i32
        %dma_wait3A_487 = tpu.memref_slice %arg9[%add3A_423, %dma_wait3A_486] : memref<40x128xi32, #tpu.memory_space<vmem>> -> memref<1x128xi32, #tpu.memory_space<vmem>>
        %dma_wait3A_488 = tpu.memref_squeeze %dma_wait3A_487 : memref<1x128xi32, #tpu.memory_space<vmem>> -> memref<128xi32, #tpu.memory_space<vmem>>
        %dma_wait3A_489 = arith.constant 0 : i32
        %dma_wait3A_490 = tpu.memref_slice %arg14[%dma_wait3A_489] : memref<10112xf32, #tpu.memory_space<vmem_shared>> -> memref<10112xf32, #tpu.memory_space<vmem_shared>>
        tpu.wait_indirect_dma semaphore(%run_scoped3A_480 : memref<!tpu.dma_semaphore, #tpu.memory_space<semaphore_mem>>) src(%arg11 : memref<128xf32, #tpu.memory_space<vmem>>) dst(%dma_wait3A_490 : memref<10112xf32, #tpu.memory_space<vmem_shared>>)
        tpu.yield
      }) : () -> ()
      %add3A_437 = arith.constant 2 : i32
      %add3A_438 = arith.addi %add3A_423, %add3A_437 : i32
      %dma_start3A_439 = arith.constant 0 : i32
      %dma_start3A_440 = arith.constant 0 : i32
      %dma_start3A_441 = arith.constant 0 : i32
      %dma_start3A_442 = tpu.memref_slice %arg10[%dma_start3A_439, %dma_start3A_440, %dma_start3A_441] : memref<2x128x128xf32, #tpu.memory_space<vmem>> -> memref<1x128x128xf32, #tpu.memory_space<vmem>>
      %dma_start3A_443 = tpu.memref_squeeze %dma_start3A_442 : memref<1x128x128xf32, #tpu.memory_space<vmem>> -> memref<128x128xf32, #tpu.memory_space<vmem>>
      %dma_start3A_444 = arith.constant 0 : i32
      %dma_start3A_445 = tpu.memref_slice %arg8[%add3A_438, %dma_start3A_444] : memref<40x128xi32, #tpu.memory_space<vmem>> -> memref<1x128xi32, #tpu.memory_space<vmem>>
      %dma_start3A_446 = tpu.memref_squeeze %dma_start3A_445 : memref<1x128xi32, #tpu.memory_space<vmem>> -> memref<128xi32, #tpu.memory_space<vmem>>
      %dma_start3A_447 = arith.constant 0 : i32
      %dma_start3A_448 = arith.constant 0 : i32
      %dma_start3A_449 = tpu.memref_slice %arg2[%dma_start3A_447, %dma_start3A_448] : memref<10000x128xf32, #tpu.memory_space<hbm>> -> memref<10000x128xf32, #tpu.memory_space<hbm>>
      tpu.enqueue_indirect_dma source(%dma_start3A_449 : memref<10000x128xf32, #tpu.memory_space<hbm>>) target(%dma_start3A_443 : memref<128x128xf32, #tpu.memory_space<vmem>>) offsets(%dma_start3A_446 : memref<128xi32, #tpu.memory_space<vmem>>) semaphore(%arg15 : memref<!tpu.dma_semaphore, #tpu.memory_space<semaphore_mem>>)
      %mul3A_450 = arith.constant 2 : i32
      %mul3A_451 = arith.muli %add3A_419, %mul3A_450 : i32
      %add3A_452 = arith.constant 1 : i32
      %add3A_453 = arith.addi %mul3A_451, %add3A_452 : i32
      %dma_wait3A_454 = arith.constant 1 : i32
      %dma_wait3A_455 = arith.constant 1 : i32
      %dma_wait3A_456 = arith.constant 0 : i32
      %dma_wait3A_457 = arith.constant 0 : i32
      %dma_wait3A_458 = tpu.memref_slice %arg10[%dma_wait3A_455, %dma_wait3A_456, %dma_wait3A_457] : memref<2x128x128xf32, #tpu.memory_space<vmem>> -> memref<1x128x128xf32, #tpu.memory_space<vmem>>
      %dma_wait3A_459 = tpu.memref_squeeze %dma_wait3A_458 : memref<1x128x128xf32, #tpu.memory_space<vmem>> -> memref<128x128xf32, #tpu.memory_space<vmem>>
      %dma_wait3A_460 = arith.constant 0 : i32
      %dma_wait3A_461 = tpu.memref_slice %arg8[%dma_wait3A_454, %dma_wait3A_460] : memref<40x128xi32, #tpu.memory_space<vmem>> -> memref<1x128xi32, #tpu.memory_space<vmem>>
      %dma_wait3A_462 = tpu.memref_squeeze %dma_wait3A_461 : memref<1x128xi32, #tpu.memory_space<vmem>> -> memref<128xi32, #tpu.memory_space<vmem>>
      %dma_wait3A_463 = arith.constant 0 : i32
      %dma_wait3A_464 = arith.constant 0 : i32
      %dma_wait3A_465 = tpu.memref_slice %arg2[%dma_wait3A_463, %dma_wait3A_464] : memref<10000x128xf32, #tpu.memory_space<hbm>> -> memref<10000x128xf32, #tpu.memory_space<hbm>>
      tpu.wait_indirect_dma semaphore(%arg16 : memref<!tpu.dma_semaphore, #tpu.memory_space<semaphore_mem>>) src(%dma_wait3A_465 : memref<10000x128xf32, #tpu.memory_space<hbm>>) dst(%dma_wait3A_459 : memref<128x128xf32, #tpu.memory_space<vmem>>)
      %run_scoped3A_466 = arith.constant 1 : i32
      "tpu.region"() ({
        %run_scoped3A_480 = tpu.sem_alloc : memref<!tpu.dma_semaphore, #tpu.memory_space<semaphore_mem>>
        %dma_start3A_481 = arith.constant 0 : i32
        %dma_start3A_482 = arith.constant 0 : i32
        %dma_start3A_483 = tpu.memref_slice %arg10[%run_scoped3A_466, %dma_start3A_481, %dma_start3A_482] : memref<2x128x128xf32, #tpu.memory_space<vmem>> -> memref<1x128x128xf32, #tpu.memory_space<vmem>>
        %dma_start3A_484 = tpu.memref_squeeze %dma_start3A_483 : memref<1x128x128xf32, #tpu.memory_space<vmem>> -> memref<128x128xf32, #tpu.memory_space<vmem>>
        %dma_start3A_485 = arith.constant 0 : i32
        %dma_start3A_486 = tpu.memref_slice %arg9[%add3A_453, %dma_start3A_485] : memref<40x128xi32, #tpu.memory_space<vmem>> -> memref<1x128xi32, #tpu.memory_space<vmem>>
        %dma_start3A_487 = tpu.memref_squeeze %dma_start3A_486 : memref<1x128xi32, #tpu.memory_space<vmem>> -> memref<128xi32, #tpu.memory_space<vmem>>
        %dma_start3A_488 = arith.constant 0 : i32
        %dma_start3A_489 = arith.constant 0 : i32
        %dma_start3A_490 = tpu.memref_slice %arg13[%dma_start3A_488, %dma_start3A_489] : memref<10112x128xf32, #tpu.memory_space<vmem_shared>> -> memref<10112x128xf32, #tpu.memory_space<vmem_shared>>
        tpu.enqueue_indirect_dma source(%dma_start3A_484 : memref<128x128xf32, #tpu.memory_space<vmem>>) target(%dma_start3A_490 : memref<10112x128xf32, #tpu.memory_space<vmem_shared>>) offsets(%dma_start3A_487 : memref<128xi32, #tpu.memory_space<vmem>>) semaphore(%run_scoped3A_480 : memref<!tpu.dma_semaphore, #tpu.memory_space<semaphore_mem>>) {add = true}
        %dma_wait3A_491 = arith.constant 0 : i32
        %dma_wait3A_492 = arith.constant 0 : i32
        %dma_wait3A_493 = tpu.memref_slice %arg10[%run_scoped3A_466, %dma_wait3A_491, %dma_wait3A_492] : memref<2x128x128xf32, #tpu.memory_space<vmem>> -> memref<1x128x128xf32, #tpu.memory_space<vmem>>
        %dma_wait3A_494 = tpu.memref_squeeze %dma_wait3A_493 : memref<1x128x128xf32, #tpu.memory_space<vmem>> -> memref<128x128xf32, #tpu.memory_space<vmem>>
        %dma_wait3A_495 = arith.constant 0 : i32
        %dma_wait3A_496 = tpu.memref_slice %arg9[%add3A_453, %dma_wait3A_495] : memref<40x128xi32, #tpu.memory_space<vmem>> -> memref<1x128xi32, #tpu.memory_space<vmem>>
        %dma_wait3A_497 = tpu.memref_squeeze %dma_wait3A_496 : memref<1x128xi32, #tpu.memory_space<vmem>> -> memref<128xi32, #tpu.memory_space<vmem>>
        %dma_wait3A_498 = arith.constant 0 : i32
        %dma_wait3A_499 = arith.constant 0 : i32
        %dma_wait3A_500 = tpu.memref_slice %arg13[%dma_wait3A_498, %dma_wait3A_499] : memref<10112x128xf32, #tpu.memory_space<vmem_shared>> -> memref<10112x128xf32, #tpu.memory_space<vmem_shared>>
        tpu.wait_indirect_dma semaphore(%run_scoped3A_480 : memref<!tpu.dma_semaphore, #tpu.memory_space<semaphore_mem>>) src(%dma_wait3A_494 : memref<128x128xf32, #tpu.memory_space<vmem>>) dst(%dma_wait3A_500 : memref<10112x128xf32, #tpu.memory_space<vmem_shared>>)
        tpu.yield
      }) : () -> ()
      "tpu.region"() ({
        %run_scoped3A_480 = tpu.sem_alloc : memref<!tpu.dma_semaphore, #tpu.memory_space<semaphore_mem>>
        %dma_start3A_481 = arith.constant 0 : i32
        %dma_start3A_482 = tpu.memref_slice %arg9[%add3A_453, %dma_start3A_481] : memref<40x128xi32, #tpu.memory_space<vmem>> -> memref<1x128xi32, #tpu.memory_space<vmem>>
        %dma_start3A_483 = tpu.memref_squeeze %dma_start3A_482 : memref<1x128xi32, #tpu.memory_space<vmem>> -> memref<128xi32, #tpu.memory_space<vmem>>
        %dma_start3A_484 = arith.constant 0 : i32
        %dma_start3A_485 = tpu.memref_slice %arg14[%dma_start3A_484] : memref<10112xf32, #tpu.memory_space<vmem_shared>> -> memref<10112xf32, #tpu.memory_space<vmem_shared>>
        tpu.enqueue_indirect_dma source(%arg11 : memref<128xf32, #tpu.memory_space<vmem>>) target(%dma_start3A_485 : memref<10112xf32, #tpu.memory_space<vmem_shared>>) offsets(%dma_start3A_483 : memref<128xi32, #tpu.memory_space<vmem>>) semaphore(%run_scoped3A_480 : memref<!tpu.dma_semaphore, #tpu.memory_space<semaphore_mem>>) {add = true}
        %dma_wait3A_486 = arith.constant 0 : i32
        %dma_wait3A_487 = tpu.memref_slice %arg9[%add3A_453, %dma_wait3A_486] : memref<40x128xi32, #tpu.memory_space<vmem>> -> memref<1x128xi32, #tpu.memory_space<vmem>>
        %dma_wait3A_488 = tpu.memref_squeeze %dma_wait3A_487 : memref<1x128xi32, #tpu.memory_space<vmem>> -> memref<128xi32, #tpu.memory_space<vmem>>
        %dma_wait3A_489 = arith.constant 0 : i32
        %dma_wait3A_490 = tpu.memref_slice %arg14[%dma_wait3A_489] : memref<10112xf32, #tpu.memory_space<vmem_shared>> -> memref<10112xf32, #tpu.memory_space<vmem_shared>>
        tpu.wait_indirect_dma semaphore(%run_scoped3A_480 : memref<!tpu.dma_semaphore, #tpu.memory_space<semaphore_mem>>) src(%arg11 : memref<128xf32, #tpu.memory_space<vmem>>) dst(%dma_wait3A_490 : memref<10112xf32, #tpu.memory_space<vmem_shared>>)
        tpu.yield
      }) : () -> ()
      %add3A_467 = arith.constant 2 : i32
      %add3A_468 = arith.addi %add3A_453, %add3A_467 : i32
      %dma_start3A_469 = arith.constant 1 : i32
      %dma_start3A_470 = arith.constant 0 : i32
      %dma_start3A_471 = arith.constant 0 : i32
      %dma_start3A_472 = tpu.memref_slice %arg10[%dma_start3A_469, %dma_start3A_470, %dma_start3A_471] : memref<2x128x128xf32, #tpu.memory_space<vmem>> -> memref<1x128x128xf32, #tpu.memory_space<vmem>>
      %dma_start3A_473 = tpu.memref_squeeze %dma_start3A_472 : memref<1x128x128xf32, #tpu.memory_space<vmem>> -> memref<128x128xf32, #tpu.memory_space<vmem>>
      %dma_start3A_474 = arith.constant 0 : i32
      %dma_start3A_475 = tpu.memref_slice %arg8[%add3A_468, %dma_start3A_474] : memref<40x128xi32, #tpu.memory_space<vmem>> -> memref<1x128xi32, #tpu.memory_space<vmem>>
      %dma_start3A_476 = tpu.memref_squeeze %dma_start3A_475 : memref<1x128xi32, #tpu.memory_space<vmem>> -> memref<128xi32, #tpu.memory_space<vmem>>
      %dma_start3A_477 = arith.constant 0 : i32
      %dma_start3A_478 = arith.constant 0 : i32
      %dma_start3A_479 = tpu.memref_slice %arg2[%dma_start3A_477, %dma_start3A_478] : memref<10000x128xf32, #tpu.memory_space<hbm>> -> memref<10000x128xf32, #tpu.memory_space<hbm>>
      tpu.enqueue_indirect_dma source(%dma_start3A_479 : memref<10000x128xf32, #tpu.memory_space<hbm>>) target(%dma_start3A_473 : memref<128x128xf32, #tpu.memory_space<vmem>>) offsets(%dma_start3A_476 : memref<128xi32, #tpu.memory_space<vmem>>) semaphore(%arg16 : memref<!tpu.dma_semaphore, #tpu.memory_space<semaphore_mem>>)
    }
    %scan3A_380 = arith.constant 19 : i32
    %dma_wait3A_381 = arith.constant 0 : i32
    %dma_wait3A_382 = arith.constant 0 : i32
    %dma_wait3A_383 = arith.constant 0 : i32
    %dma_wait3A_384 = arith.constant 0 : i32
    %dma_wait3A_385 = tpu.memref_slice %arg10[%dma_wait3A_382, %dma_wait3A_383, %dma_wait3A_384] : memref<2x128x128xf32, #tpu.memory_space<vmem>> -> memref<1x128x128xf32, #tpu.memory_space<vmem>>
    %dma_wait3A_386 = tpu.memref_squeeze %dma_wait3A_385 : memref<1x128x128xf32, #tpu.memory_space<vmem>> -> memref<128x128xf32, #tpu.memory_space<vmem>>
    %dma_wait3A_387 = arith.constant 0 : i32
    %dma_wait3A_388 = tpu.memref_slice %arg8[%dma_wait3A_381, %dma_wait3A_387] : memref<40x128xi32, #tpu.memory_space<vmem>> -> memref<1x128xi32, #tpu.memory_space<vmem>>
    %dma_wait3A_389 = tpu.memref_squeeze %dma_wait3A_388 : memref<1x128xi32, #tpu.memory_space<vmem>> -> memref<128xi32, #tpu.memory_space<vmem>>
    %dma_wait3A_390 = arith.constant 0 : i32
    %dma_wait3A_391 = arith.constant 0 : i32
    %dma_wait3A_392 = tpu.memref_slice %arg2[%dma_wait3A_390, %dma_wait3A_391] : memref<10000x128xf32, #tpu.memory_space<hbm>> -> memref<10000x128xf32, #tpu.memory_space<hbm>>
    tpu.wait_indirect_dma semaphore(%arg15 : memref<!tpu.dma_semaphore, #tpu.memory_space<semaphore_mem>>) src(%dma_wait3A_392 : memref<10000x128xf32, #tpu.memory_space<hbm>>) dst(%dma_wait3A_386 : memref<128x128xf32, #tpu.memory_space<vmem>>)
    %run_scoped3A_393 = arith.constant 0 : i32
    %run_scoped3A_394 = arith.constant 38 : i32
    "tpu.region"() ({
      %run_scoped3A_415 = tpu.sem_alloc : memref<!tpu.dma_semaphore, #tpu.memory_space<semaphore_mem>>
      %dma_start3A_416 = arith.constant 0 : i32
      %dma_start3A_417 = arith.constant 0 : i32
      %dma_start3A_418 = tpu.memref_slice %arg10[%run_scoped3A_393, %dma_start3A_416, %dma_start3A_417] : memref<2x128x128xf32, #tpu.memory_space<vmem>> -> memref<1x128x128xf32, #tpu.memory_space<vmem>>
      %dma_start3A_419 = tpu.memref_squeeze %dma_start3A_418 : memref<1x128x128xf32, #tpu.memory_space<vmem>> -> memref<128x128xf32, #tpu.memory_space<vmem>>
      %dma_start3A_420 = arith.constant 0 : i32
      %dma_start3A_421 = tpu.memref_slice %arg9[%run_scoped3A_394, %dma_start3A_420] : memref<40x128xi32, #tpu.memory_space<vmem>> -> memref<1x128xi32, #tpu.memory_space<vmem>>
      %dma_start3A_422 = tpu.memref_squeeze %dma_start3A_421 : memref<1x128xi32, #tpu.memory_space<vmem>> -> memref<128xi32, #tpu.memory_space<vmem>>
      %dma_start3A_423 = arith.constant 0 : i32
      %dma_start3A_424 = arith.constant 0 : i32
      %dma_start3A_425 = tpu.memref_slice %arg13[%dma_start3A_423, %dma_start3A_424] : memref<10112x128xf32, #tpu.memory_space<vmem_shared>> -> memref<10112x128xf32, #tpu.memory_space<vmem_shared>>
      tpu.enqueue_indirect_dma source(%dma_start3A_419 : memref<128x128xf32, #tpu.memory_space<vmem>>) target(%dma_start3A_425 : memref<10112x128xf32, #tpu.memory_space<vmem_shared>>) offsets(%dma_start3A_422 : memref<128xi32, #tpu.memory_space<vmem>>) semaphore(%run_scoped3A_415 : memref<!tpu.dma_semaphore, #tpu.memory_space<semaphore_mem>>) {add = true}
      %dma_wait3A_426 = arith.constant 0 : i32
      %dma_wait3A_427 = arith.constant 0 : i32
      %dma_wait3A_428 = tpu.memref_slice %arg10[%run_scoped3A_393, %dma_wait3A_426, %dma_wait3A_427] : memref<2x128x128xf32, #tpu.memory_space<vmem>> -> memref<1x128x128xf32, #tpu.memory_space<vmem>>
      %dma_wait3A_429 = tpu.memref_squeeze %dma_wait3A_428 : memref<1x128x128xf32, #tpu.memory_space<vmem>> -> memref<128x128xf32, #tpu.memory_space<vmem>>
      %dma_wait3A_430 = arith.constant 0 : i32
      %dma_wait3A_431 = tpu.memref_slice %arg9[%run_scoped3A_394, %dma_wait3A_430] : memref<40x128xi32, #tpu.memory_space<vmem>> -> memref<1x128xi32, #tpu.memory_space<vmem>>
      %dma_wait3A_432 = tpu.memref_squeeze %dma_wait3A_431 : memref<1x128xi32, #tpu.memory_space<vmem>> -> memref<128xi32, #tpu.memory_space<vmem>>
      %dma_wait3A_433 = arith.constant 0 : i32
      %dma_wait3A_434 = arith.constant 0 : i32
      %dma_wait3A_435 = tpu.memref_slice %arg13[%dma_wait3A_433, %dma_wait3A_434] : memref<10112x128xf32, #tpu.memory_space<vmem_shared>> -> memref<10112x128xf32, #tpu.memory_space<vmem_shared>>
      tpu.wait_indirect_dma semaphore(%run_scoped3A_415 : memref<!tpu.dma_semaphore, #tpu.memory_space<semaphore_mem>>) src(%dma_wait3A_429 : memref<128x128xf32, #tpu.memory_space<vmem>>) dst(%dma_wait3A_435 : memref<10112x128xf32, #tpu.memory_space<vmem_shared>>)
      tpu.yield
    }) : () -> ()
    %run_scoped3A_395 = arith.constant 38 : i32
    "tpu.region"() ({
      %run_scoped3A_415 = tpu.sem_alloc : memref<!tpu.dma_semaphore, #tpu.memory_space<semaphore_mem>>
      %dma_start3A_416 = arith.constant 0 : i32
      %dma_start3A_417 = tpu.memref_slice %arg9[%run_scoped3A_395, %dma_start3A_416] : memref<40x128xi32, #tpu.memory_space<vmem>> -> memref<1x128xi32, #tpu.memory_space<vmem>>
      %dma_start3A_418 = tpu.memref_squeeze %dma_start3A_417 : memref<1x128xi32, #tpu.memory_space<vmem>> -> memref<128xi32, #tpu.memory_space<vmem>>
      %dma_start3A_419 = arith.constant 0 : i32
      %dma_start3A_420 = tpu.memref_slice %arg14[%dma_start3A_419] : memref<10112xf32, #tpu.memory_space<vmem_shared>> -> memref<10112xf32, #tpu.memory_space<vmem_shared>>
      tpu.enqueue_indirect_dma source(%arg11 : memref<128xf32, #tpu.memory_space<vmem>>) target(%dma_start3A_420 : memref<10112xf32, #tpu.memory_space<vmem_shared>>) offsets(%dma_start3A_418 : memref<128xi32, #tpu.memory_space<vmem>>) semaphore(%run_scoped3A_415 : memref<!tpu.dma_semaphore, #tpu.memory_space<semaphore_mem>>) {add = true}
      %dma_wait3A_421 = arith.constant 0 : i32
      %dma_wait3A_422 = tpu.memref_slice %arg9[%run_scoped3A_395, %dma_wait3A_421] : memref<40x128xi32, #tpu.memory_space<vmem>> -> memref<1x128xi32, #tpu.memory_space<vmem>>
      %dma_wait3A_423 = tpu.memref_squeeze %dma_wait3A_422 : memref<1x128xi32, #tpu.memory_space<vmem>> -> memref<128xi32, #tpu.memory_space<vmem>>
      %dma_wait3A_424 = arith.constant 0 : i32
      %dma_wait3A_425 = tpu.memref_slice %arg14[%dma_wait3A_424] : memref<10112xf32, #tpu.memory_space<vmem_shared>> -> memref<10112xf32, #tpu.memory_space<vmem_shared>>
      tpu.wait_indirect_dma semaphore(%run_scoped3A_415 : memref<!tpu.dma_semaphore, #tpu.memory_space<semaphore_mem>>) src(%arg11 : memref<128xf32, #tpu.memory_space<vmem>>) dst(%dma_wait3A_425 : memref<10112xf32, #tpu.memory_space<vmem_shared>>)
      tpu.yield
    }) : () -> ()
    %dma_wait3A_396 = arith.constant 1 : i32
    %dma_wait3A_397 = arith.constant 1 : i32
    %dma_wait3A_398 = arith.constant 0 : i32
    %dma_wait3A_399 = arith.constant 0 : i32
    %dma_wait3A_400 = tpu.memref_slice %arg10[%dma_wait3A_397, %dma_wait3A_398, %dma_wait3A_399] : memref<2x128x128xf32, #tpu.memory_space<vmem>> -> memref<1x128x128xf32, #tpu.memory_space<vmem>>
    %dma_wait3A_401 = tpu.memref_squeeze %dma_wait3A_400 : memref<1x128x128xf32, #tpu.memory_space<vmem>> -> memref<128x128xf32, #tpu.memory_space<vmem>>
    %dma_wait3A_402 = arith.constant 0 : i32
    %dma_wait3A_403 = tpu.memref_slice %arg8[%dma_wait3A_396, %dma_wait3A_402] : memref<40x128xi32, #tpu.memory_space<vmem>> -> memref<1x128xi32, #tpu.memory_space<vmem>>
    %dma_wait3A_404 = tpu.memref_squeeze %dma_wait3A_403 : memref<1x128xi32, #tpu.memory_space<vmem>> -> memref<128xi32, #tpu.memory_space<vmem>>
    %dma_wait3A_405 = arith.constant 0 : i32
    %dma_wait3A_406 = arith.constant 0 : i32
    %dma_wait3A_407 = tpu.memref_slice %arg2[%dma_wait3A_405, %dma_wait3A_406] : memref<10000x128xf32, #tpu.memory_space<hbm>> -> memref<10000x128xf32, #tpu.memory_space<hbm>>
    tpu.wait_indirect_dma semaphore(%arg16 : memref<!tpu.dma_semaphore, #tpu.memory_space<semaphore_mem>>) src(%dma_wait3A_407 : memref<10000x128xf32, #tpu.memory_space<hbm>>) dst(%dma_wait3A_401 : memref<128x128xf32, #tpu.memory_space<vmem>>)
    %run_scoped3A_408 = arith.constant 1 : i32
    %run_scoped3A_409 = arith.constant 39 : i32
    "tpu.region"() ({
      %run_scoped3A_415 = tpu.sem_alloc : memref<!tpu.dma_semaphore, #tpu.memory_space<semaphore_mem>>
      %dma_start3A_416 = arith.constant 0 : i32
      %dma_start3A_417 = arith.constant 0 : i32
      %dma_start3A_418 = tpu.memref_slice %arg10[%run_scoped3A_408, %dma_start3A_416, %dma_start3A_417] : memref<2x128x128xf32, #tpu.memory_space<vmem>> -> memref<1x128x128xf32, #tpu.memory_space<vmem>>
      %dma_start3A_419 = tpu.memref_squeeze %dma_start3A_418 : memref<1x128x128xf32, #tpu.memory_space<vmem>> -> memref<128x128xf32, #tpu.memory_space<vmem>>
      %dma_start3A_420 = arith.constant 0 : i32
      %dma_start3A_421 = tpu.memref_slice %arg9[%run_scoped3A_409, %dma_start3A_420] : memref<40x128xi32, #tpu.memory_space<vmem>> -> memref<1x128xi32, #tpu.memory_space<vmem>>
      %dma_start3A_422 = tpu.memref_squeeze %dma_start3A_421 : memref<1x128xi32, #tpu.memory_space<vmem>> -> memref<128xi32, #tpu.memory_space<vmem>>
      %dma_start3A_423 = arith.constant 0 : i32
      %dma_start3A_424 = arith.constant 0 : i32
      %dma_start3A_425 = tpu.memref_slice %arg13[%dma_start3A_423, %dma_start3A_424] : memref<10112x128xf32, #tpu.memory_space<vmem_shared>> -> memref<10112x128xf32, #tpu.memory_space<vmem_shared>>
      tpu.enqueue_indirect_dma source(%dma_start3A_419 : memref<128x128xf32, #tpu.memory_space<vmem>>) target(%dma_start3A_425 : memref<10112x128xf32, #tpu.memory_space<vmem_shared>>) offsets(%dma_start3A_422 : memref<128xi32, #tpu.memory_space<vmem>>) semaphore(%run_scoped3A_415 : memref<!tpu.dma_semaphore, #tpu.memory_space<semaphore_mem>>) {add = true}
      %dma_wait3A_426 = arith.constant 0 : i32
      %dma_wait3A_427 = arith.constant 0 : i32
      %dma_wait3A_428 = tpu.memref_slice %arg10[%run_scoped3A_408, %dma_wait3A_426, %dma_wait3A_427] : memref<2x128x128xf32, #tpu.memory_space<vmem>> -> memref<1x128x128xf32, #tpu.memory_space<vmem>>
      %dma_wait3A_429 = tpu.memref_squeeze %dma_wait3A_428 : memref<1x128x128xf32, #tpu.memory_space<vmem>> -> memref<128x128xf32, #tpu.memory_space<vmem>>
      %dma_wait3A_430 = arith.constant 0 : i32
      %dma_wait3A_431 = tpu.memref_slice %arg9[%run_scoped3A_409, %dma_wait3A_430] : memref<40x128xi32, #tpu.memory_space<vmem>> -> memref<1x128xi32, #tpu.memory_space<vmem>>
      %dma_wait3A_432 = tpu.memref_squeeze %dma_wait3A_431 : memref<1x128xi32, #tpu.memory_space<vmem>> -> memref<128xi32, #tpu.memory_space<vmem>>
      %dma_wait3A_433 = arith.constant 0 : i32
      %dma_wait3A_434 = arith.constant 0 : i32
      %dma_wait3A_435 = tpu.memref_slice %arg13[%dma_wait3A_433, %dma_wait3A_434] : memref<10112x128xf32, #tpu.memory_space<vmem_shared>> -> memref<10112x128xf32, #tpu.memory_space<vmem_shared>>
      tpu.wait_indirect_dma semaphore(%run_scoped3A_415 : memref<!tpu.dma_semaphore, #tpu.memory_space<semaphore_mem>>) src(%dma_wait3A_429 : memref<128x128xf32, #tpu.memory_space<vmem>>) dst(%dma_wait3A_435 : memref<10112x128xf32, #tpu.memory_space<vmem_shared>>)
      tpu.yield
    }) : () -> ()
    %run_scoped3A_410 = arith.constant 39 : i32
    "tpu.region"() ({
      %run_scoped3A_415 = tpu.sem_alloc : memref<!tpu.dma_semaphore, #tpu.memory_space<semaphore_mem>>
      %dma_start3A_416 = arith.constant 0 : i32
      %dma_start3A_417 = tpu.memref_slice %arg9[%run_scoped3A_410, %dma_start3A_416] : memref<40x128xi32, #tpu.memory_space<vmem>> -> memref<1x128xi32, #tpu.memory_space<vmem>>
      %dma_start3A_418 = tpu.memref_squeeze %dma_start3A_417 : memref<1x128xi32, #tpu.memory_space<vmem>> -> memref<128xi32, #tpu.memory_space<vmem>>
      %dma_start3A_419 = arith.constant 0 : i32
      %dma_start3A_420 = tpu.memref_slice %arg14[%dma_start3A_419] : memref<10112xf32, #tpu.memory_space<vmem_shared>> -> memref<10112xf32, #tpu.memory_space<vmem_shared>>
      tpu.enqueue_indirect_dma source(%arg11 : memref<128xf32, #tpu.memory_space<vmem>>) target(%dma_start3A_420 : memref<10112xf32, #tpu.memory_space<vmem_shared>>) offsets(%dma_start3A_418 : memref<128xi32, #tpu.memory_space<vmem>>) semaphore(%run_scoped3A_415 : memref<!tpu.dma_semaphore, #tpu.memory_space<semaphore_mem>>) {add = true}
      %dma_wait3A_421 = arith.constant 0 : i32
      %dma_wait3A_422 = tpu.memref_slice %arg9[%run_scoped3A_410, %dma_wait3A_421] : memref<40x128xi32, #tpu.memory_space<vmem>> -> memref<1x128xi32, #tpu.memory_space<vmem>>
      %dma_wait3A_423 = tpu.memref_squeeze %dma_wait3A_422 : memref<1x128xi32, #tpu.memory_space<vmem>> -> memref<128xi32, #tpu.memory_space<vmem>>
      %dma_wait3A_424 = arith.constant 0 : i32
      %dma_wait3A_425 = tpu.memref_slice %arg14[%dma_wait3A_424] : memref<10112xf32, #tpu.memory_space<vmem_shared>> -> memref<10112xf32, #tpu.memory_space<vmem_shared>>
      tpu.wait_indirect_dma semaphore(%run_scoped3A_415 : memref<!tpu.dma_semaphore, #tpu.memory_space<semaphore_mem>>) src(%arg11 : memref<128xf32, #tpu.memory_space<vmem>>) dst(%dma_wait3A_425 : memref<10112xf32, #tpu.memory_space<vmem_shared>>)
      tpu.yield
    }) : () -> ()
    %barrier3A_411 = arith.constant 0 : index
    tpu.barrier barrier_id(%barrier3A_411)
    "tpu.region"() ({
      %run_scoped3A_415 = tpu.sem_alloc : memref<!tpu.dma_semaphore, #tpu.memory_space<semaphore_mem>>
      %dma_start3A_416 = arith.constant 0 : i32
      %dma_start3A_417 = tpu.memref_slice %arg6[%arg0, %mul3A_2, %dma_start3A_416] : memref<2x10112x128xf32, #tpu.memory_space<hbm>> -> memref<1x632x128xf32, #tpu.memory_space<hbm>>
      %dma_start3A_418 = tpu.memref_squeeze %dma_start3A_417 : memref<1x632x128xf32, #tpu.memory_space<hbm>> -> memref<632x128xf32, #tpu.memory_space<hbm>>
      %dma_start3A_419 = arith.constant 0 : i32
      %dma_start3A_420 = tpu.memref_slice %arg13[%mul3A_2, %dma_start3A_419] : memref<10112x128xf32, #tpu.memory_space<vmem_shared>> -> memref<632x128xf32, #tpu.memory_space<vmem_shared>>
      tpu.enqueue_dma source(%dma_start3A_420 : memref<632x128xf32, #tpu.memory_space<vmem_shared>>) target(%dma_start3A_418 : memref<632x128xf32, #tpu.memory_space<hbm>>) target_semaphore(%run_scoped3A_415 : memref<!tpu.dma_semaphore, #tpu.memory_space<semaphore_mem>>)
      %dma_wait3A_421 = arith.constant 0 : i32
      %dma_wait3A_422 = tpu.memref_slice %arg6[%arg0, %mul3A_2, %dma_wait3A_421] : memref<2x10112x128xf32, #tpu.memory_space<hbm>> -> memref<1x632x128xf32, #tpu.memory_space<hbm>>
      %dma_wait3A_423 = tpu.memref_squeeze %dma_wait3A_422 : memref<1x632x128xf32, #tpu.memory_space<hbm>> -> memref<632x128xf32, #tpu.memory_space<hbm>>
      %dma_wait3A_424 = arith.constant 0 : i32
      %dma_wait3A_425 = tpu.memref_slice %arg13[%mul3A_2, %dma_wait3A_424] : memref<10112x128xf32, #tpu.memory_space<vmem_shared>> -> memref<632x128xf32, #tpu.memory_space<vmem_shared>>
      tpu.wait_dma2 semaphore(%run_scoped3A_415 : memref<!tpu.dma_semaphore, #tpu.memory_space<semaphore_mem>>) src(%dma_wait3A_425 : memref<632x128xf32, #tpu.memory_space<vmem_shared>>) dst(%dma_wait3A_423 : memref<632x128xf32, #tpu.memory_space<hbm>>)
      tpu.yield
    }) : () -> ()
    "tpu.region"() ({
      %run_scoped3A_415 = tpu.sem_alloc : memref<!tpu.dma_semaphore, #tpu.memory_space<semaphore_mem>>
      %dma_start3A_416 = arith.constant 0 : i32
      %dma_start3A_417 = tpu.memref_slice %arg12[%dma_start3A_416] : memref<640xf32, #tpu.memory_space<vmem>> -> memref<632xf32, #tpu.memory_space<vmem>>
      %dma_start3A_418 = tpu.memref_slice %arg14[%mul3A_2] : memref<10112xf32, #tpu.memory_space<vmem_shared>> -> memref<632xf32, #tpu.memory_space<vmem_shared>>
      %dma_start3A_419 = arith.constant 0 : i32
      %dma_start3A_420 = tpu.memref_slice %arg12[%dma_start3A_419] : memref<640xf32, #tpu.memory_space<vmem>> -> memref<632xf32, #tpu.memory_space<vmem>>
      %dma_start3A_421 = tpu.memref_slice %arg14[%mul3A_2] : memref<10112xf32, #tpu.memory_space<vmem_shared>> -> memref<632xf32, #tpu.memory_space<vmem_shared>>
      tpu.enqueue_dma source(%dma_start3A_421 : memref<632xf32, #tpu.memory_space<vmem_shared>>) target(%dma_start3A_420 : memref<632xf32, #tpu.memory_space<vmem>>) target_semaphore(%run_scoped3A_415 : memref<!tpu.dma_semaphore, #tpu.memory_space<semaphore_mem>>)
      %dma_wait3A_422 = arith.constant 0 : i32
      %dma_wait3A_423 = tpu.memref_slice %arg12[%dma_wait3A_422] : memref<640xf32, #tpu.memory_space<vmem>> -> memref<632xf32, #tpu.memory_space<vmem>>
      %dma_wait3A_424 = tpu.memref_slice %arg14[%mul3A_2] : memref<10112xf32, #tpu.memory_space<vmem_shared>> -> memref<632xf32, #tpu.memory_space<vmem_shared>>
      %dma_wait3A_425 = arith.constant 0 : i32
      %dma_wait3A_426 = tpu.memref_slice %arg12[%dma_wait3A_425] : memref<640xf32, #tpu.memory_space<vmem>> -> memref<632xf32, #tpu.memory_space<vmem>>
      %dma_wait3A_427 = tpu.memref_slice %arg14[%mul3A_2] : memref<10112xf32, #tpu.memory_space<vmem_shared>> -> memref<632xf32, #tpu.memory_space<vmem_shared>>
      tpu.wait_dma2 semaphore(%run_scoped3A_415 : memref<!tpu.dma_semaphore, #tpu.memory_space<semaphore_mem>>) src(%dma_wait3A_427 : memref<632xf32, #tpu.memory_space<vmem_shared>>) dst(%dma_wait3A_426 : memref<632xf32, #tpu.memory_space<vmem>>)
      tpu.yield
    }) : () -> ()
    %mul3A_412 = arith.constant 10112 : i32
    %mul3A_413 = arith.muli %arg0, %mul3A_412 : i32
    %add3A_414 = arith.addi %mul3A_413, %mul3A_2 : i32
    "tpu.region"() ({
      %run_scoped3A_415 = tpu.sem_alloc : memref<!tpu.dma_semaphore, #tpu.memory_space<semaphore_mem>>
      %dma_start3A_416 = arith.constant 0 : i32
      %dma_start3A_417 = tpu.memref_slice %arg12[%dma_start3A_416] : memref<640xf32, #tpu.memory_space<vmem>> -> memref<632xf32, #tpu.memory_space<vmem>>
      %dma_start3A_418 = tpu.memref_slice %arg7[%add3A_414] : memref<20224xf32, #tpu.memory_space<hbm>> -> memref<632xf32, #tpu.memory_space<hbm>>
      %dma_start3A_419 = tpu.memref_slice %arg7[%add3A_414] : memref<20224xf32, #tpu.memory_space<hbm>> -> memref<632xf32, #tpu.memory_space<hbm>>
      %dma_start3A_420 = arith.constant 0 : i32
      %dma_start3A_421 = tpu.memref_slice %arg12[%dma_start3A_420] : memref<640xf32, #tpu.memory_space<vmem>> -> memref<632xf32, #tpu.memory_space<vmem>>
      tpu.enqueue_dma source(%dma_start3A_421 : memref<632xf32, #tpu.memory_space<vmem>>) target(%dma_start3A_419 : memref<632xf32, #tpu.memory_space<hbm>>) target_semaphore(%run_scoped3A_415 : memref<!tpu.dma_semaphore, #tpu.memory_space<semaphore_mem>>)
      %dma_wait3A_422 = arith.constant 0 : i32
      %dma_wait3A_423 = tpu.memref_slice %arg12[%dma_wait3A_422] : memref<640xf32, #tpu.memory_space<vmem>> -> memref<632xf32, #tpu.memory_space<vmem>>
      %dma_wait3A_424 = tpu.memref_slice %arg7[%add3A_414] : memref<20224xf32, #tpu.memory_space<hbm>> -> memref<632xf32, #tpu.memory_space<hbm>>
      %dma_wait3A_425 = tpu.memref_slice %arg7[%add3A_414] : memref<20224xf32, #tpu.memory_space<hbm>> -> memref<632xf32, #tpu.memory_space<hbm>>
      %dma_wait3A_426 = arith.constant 0 : i32
      %dma_wait3A_427 = tpu.memref_slice %arg12[%dma_wait3A_426] : memref<640xf32, #tpu.memory_space<vmem>> -> memref<632xf32, #tpu.memory_space<vmem>>
      tpu.wait_dma2 semaphore(%run_scoped3A_415 : memref<!tpu.dma_semaphore, #tpu.memory_space<semaphore_mem>>) src(%dma_wait3A_427 : memref<632xf32, #tpu.memory_space<vmem>>) dst(%dma_wait3A_425 : memref<632xf32, #tpu.memory_space<hbm>>)
      tpu.yield
    }) : () -> ()
    return
  }
}

module attributes {stable_mosaic.version = 14 : i64} {
  func.func @_dense_body(%arg0: memref<10112x128xf32, #tpu.memory_space<vmem>>, %arg1: memref<10112x128xf32, #tpu.memory_space<vmem>>, %arg2: memref<10112x1xf32, #tpu.memory_space<vmem>>, %arg3: memref<10112x1xf32, #tpu.memory_space<vmem>>, %arg4: memref<10112x128xf32, #tpu.memory_space<vmem>>, %arg5: memref<128x128xf32, #tpu.memory_space<vmem>>, %arg6: memref<128x128xf32, #tpu.memory_space<vmem>>, %arg7: memref<1x128xf32, #tpu.memory_space<vmem>>, %arg8: memref<10112x128xf32, #tpu.memory_space<vmem>>) attributes {dimension_semantics = [], scalar_prefetch = 0 : i64, scratch_operands = 0 : i64, tpu.core_type = #tpu.core_type<tc>} {
    %get3A = arith.constant 0 : index
    %get3A_0 = arith.constant 0 : index
    %get3A_1 = vector.load %arg0[%get3A, %get3A_0] : memref<10112x128xf32, #tpu.memory_space<vmem>>, vector<10112x128xf32>
    %get3A_2 = arith.constant 0 : index
    %get3A_3 = arith.constant 0 : index
    %get3A_4 = vector.load %arg1[%get3A_2, %get3A_3] : memref<10112x128xf32, #tpu.memory_space<vmem>>, vector<10112x128xf32>
    %add3A = arith.addf %get3A_1, %get3A_4 : vector<10112x128xf32>
    %get3A_5 = arith.constant 0 : index
    %get3A_6 = arith.constant 0 : index
    %get3A_7 = vector.load %arg2[%get3A_5, %get3A_6] : memref<10112x1xf32, #tpu.memory_space<vmem>>, vector<10112x1xf32>
    %get3A_8 = arith.constant 0 : index
    %get3A_9 = arith.constant 0 : index
    %get3A_10 = vector.load %arg3[%get3A_8, %get3A_9] : memref<10112x1xf32, #tpu.memory_space<vmem>>, vector<10112x1xf32>
    %add3A_11 = arith.addf %get3A_7, %get3A_10 : vector<10112x1xf32>
    %max3A = arith.constant 1.000000e+00 : f32
    %max3A_12 = vector.broadcast %max3A : f32 to vector<10112x1xf32>
    %max3A_13 = arith.maximumf %add3A_11, %max3A_12 : vector<10112x1xf32>
    %div3A = vector.broadcast %max3A_13 : vector<10112x1xf32> to vector<10112x128xf32>
    %div3A_14 = arith.divf %add3A, %div3A : vector<10112x128xf32>
    %get3A_15 = arith.constant 0 : index
    %get3A_16 = arith.constant 0 : index
    %get3A_17 = vector.load %arg5[%get3A_15, %get3A_16] : memref<128x128xf32, #tpu.memory_space<vmem>>, vector<128x128xf32>
    %dot_general3A = arith.constant dense<0.000000e+00> : vector<10112x128xf32>
    %dot_general3A_18 = tpu.matmul %div3A_14, %get3A_17, %dot_general3A {dimension_numbers = #tpu.dot_dimension_numbers<[1], [0], [0], [1], [0, 0, 1, 1], [], []>, transpose_lhs_hint = false} : vector<10112x128xf32>, vector<128x128xf32>, vector<10112x128xf32> -> vector<10112x128xf32>
    %get3A_19 = arith.constant 0 : index
    %get3A_20 = arith.constant 0 : index
    %get3A_21 = vector.load %arg4[%get3A_19, %get3A_20] : memref<10112x128xf32, #tpu.memory_space<vmem>>, vector<10112x128xf32>
    %get3A_22 = arith.constant 0 : index
    %get3A_23 = arith.constant 0 : index
    %get3A_24 = vector.load %arg6[%get3A_22, %get3A_23] : memref<128x128xf32, #tpu.memory_space<vmem>>, vector<128x128xf32>
    %dot_general3A_25 = arith.constant dense<0.000000e+00> : vector<10112x128xf32>
    %dot_general3A_26 = tpu.matmul %get3A_21, %get3A_24, %dot_general3A_25 {dimension_numbers = #tpu.dot_dimension_numbers<[1], [0], [0], [1], [0, 0, 1, 1], [], []>, transpose_lhs_hint = false} : vector<10112x128xf32>, vector<128x128xf32>, vector<10112x128xf32> -> vector<10112x128xf32>
    %add3A_27 = arith.addf %dot_general3A_18, %dot_general3A_26 : vector<10112x128xf32>
    %get3A_28 = arith.constant 0 : index
    %get3A_29 = arith.constant 0 : index
    %get3A_30 = vector.load %arg7[%get3A_28, %get3A_29] : memref<1x128xf32, #tpu.memory_space<vmem>>, vector<1x128xf32>
    %add3A_31 = vector.broadcast %get3A_30 : vector<1x128xf32> to vector<10112x128xf32>
    %add3A_32 = arith.addf %add3A_27, %add3A_31 : vector<10112x128xf32>
    %max3A_33 = arith.constant 0.000000e+00 : f32
    %max3A_34 = vector.broadcast %max3A_33 : f32 to vector<10112x128xf32>
    %max3A_35 = arith.maximumf %add3A_32, %max3A_34 : vector<10112x128xf32>
    %swap3A = arith.constant 0 : index
    %swap3A_36 = arith.constant 0 : index
    %swap3A_37 = vector.load %arg8[%swap3A, %swap3A_36] : memref<10112x128xf32, #tpu.memory_space<vmem>>, vector<10112x128xf32>
    tpu.vector_store %arg8[%swap3A, %swap3A_36], %max3A_35 {strides = array<i32>} : memref<10112x128xf32, #tpu.memory_space<vmem>>, vector<10112x128xf32>,
    return
  }
}

module attributes {stable_mosaic.version = 14 : i64} {
  func.func @_dense_body(%arg0: memref<10112x128xf32, #tpu.memory_space<vmem>>, %arg1: memref<10112x128xf32, #tpu.memory_space<vmem>>, %arg2: memref<10112x1xf32, #tpu.memory_space<vmem>>, %arg3: memref<10112x1xf32, #tpu.memory_space<vmem>>, %arg4: memref<10112x128xf32, #tpu.memory_space<vmem>>, %arg5: memref<128x128xf32, #tpu.memory_space<vmem>>, %arg6: memref<128x128xf32, #tpu.memory_space<vmem>>, %arg7: memref<1x128xf32, #tpu.memory_space<vmem>>, %arg8: memref<10112x128xf32, #tpu.memory_space<vmem>>) attributes {dimension_semantics = [], scalar_prefetch = 0 : i64, scratch_operands = 0 : i64, tpu.core_type = #tpu.core_type<tc>} {
    %get3A = arith.constant 0 : index
    %get3A_0 = arith.constant 0 : index
    %get3A_1 = vector.load %arg0[%get3A, %get3A_0] : memref<10112x128xf32, #tpu.memory_space<vmem>>, vector<10112x128xf32>
    %get3A_2 = arith.constant 0 : index
    %get3A_3 = arith.constant 0 : index
    %get3A_4 = vector.load %arg1[%get3A_2, %get3A_3] : memref<10112x128xf32, #tpu.memory_space<vmem>>, vector<10112x128xf32>
    %add3A = arith.addf %get3A_1, %get3A_4 : vector<10112x128xf32>
    %get3A_5 = arith.constant 0 : index
    %get3A_6 = arith.constant 0 : index
    %get3A_7 = vector.load %arg2[%get3A_5, %get3A_6] : memref<10112x1xf32, #tpu.memory_space<vmem>>, vector<10112x1xf32>
    %get3A_8 = arith.constant 0 : index
    %get3A_9 = arith.constant 0 : index
    %get3A_10 = vector.load %arg3[%get3A_8, %get3A_9] : memref<10112x1xf32, #tpu.memory_space<vmem>>, vector<10112x1xf32>
    %add3A_11 = arith.addf %get3A_7, %get3A_10 : vector<10112x1xf32>
    %max3A = arith.constant 1.000000e+00 : f32
    %max3A_12 = vector.broadcast %max3A : f32 to vector<10112x1xf32>
    %max3A_13 = arith.maximumf %add3A_11, %max3A_12 : vector<10112x1xf32>
    %div3A = vector.broadcast %max3A_13 : vector<10112x1xf32> to vector<10112x128xf32>
    %div3A_14 = arith.divf %add3A, %div3A : vector<10112x128xf32>
    %get3A_15 = arith.constant 0 : index
    %get3A_16 = arith.constant 0 : index
    %get3A_17 = vector.load %arg5[%get3A_15, %get3A_16] : memref<128x128xf32, #tpu.memory_space<vmem>>, vector<128x128xf32>
    %dot_general3A = arith.constant dense<0.000000e+00> : vector<10112x128xf32>
    %dot_general3A_18 = tpu.matmul %div3A_14, %get3A_17, %dot_general3A {dimension_numbers = #tpu.dot_dimension_numbers<[1], [0], [0], [1], [0, 0, 1, 1], [], []>, transpose_lhs_hint = false} : vector<10112x128xf32>, vector<128x128xf32>, vector<10112x128xf32> -> vector<10112x128xf32>
    %get3A_19 = arith.constant 0 : index
    %get3A_20 = arith.constant 0 : index
    %get3A_21 = vector.load %arg4[%get3A_19, %get3A_20] : memref<10112x128xf32, #tpu.memory_space<vmem>>, vector<10112x128xf32>
    %get3A_22 = arith.constant 0 : index
    %get3A_23 = arith.constant 0 : index
    %get3A_24 = vector.load %arg6[%get3A_22, %get3A_23] : memref<128x128xf32, #tpu.memory_space<vmem>>, vector<128x128xf32>
    %dot_general3A_25 = arith.constant dense<0.000000e+00> : vector<10112x128xf32>
    %dot_general3A_26 = tpu.matmul %get3A_21, %get3A_24, %dot_general3A_25 {dimension_numbers = #tpu.dot_dimension_numbers<[1], [0], [0], [1], [0, 0, 1, 1], [], []>, transpose_lhs_hint = false} : vector<10112x128xf32>, vector<128x128xf32>, vector<10112x128xf32> -> vector<10112x128xf32>
    %add3A_27 = arith.addf %dot_general3A_18, %dot_general3A_26 : vector<10112x128xf32>
    %get3A_28 = arith.constant 0 : index
    %get3A_29 = arith.constant 0 : index
    %get3A_30 = vector.load %arg7[%get3A_28, %get3A_29] : memref<1x128xf32, #tpu.memory_space<vmem>>, vector<1x128xf32>
    %add3A_31 = vector.broadcast %get3A_30 : vector<1x128xf32> to vector<10112x128xf32>
    %add3A_32 = arith.addf %add3A_27, %add3A_31 : vector<10112x128xf32>
    %swap3A = arith.constant 0 : index
    %swap3A_33 = arith.constant 0 : index
    %swap3A_34 = vector.load %arg8[%swap3A, %swap3A_33] : memref<10112x128xf32, #tpu.memory_space<vmem>>, vector<10112x128xf32>
    tpu.vector_store %arg8[%swap3A, %swap3A_33], %add3A_32 {strides = array<i32>} : memref<10112x128xf32, #tpu.memory_space<vmem>>, vector<10112x128xf32>,
    return
  }
}

</mosaic_0001>

<sc_bundles>
// kernel: kernel.6.cloned.1.call-start
scs
__scs_entry_jumppad:
0x0: {  	(pc) =	sbr.rel $0x88, $3  }
0x1: {  	(tag) =	ssettag $0x0;
	lr =	simm.s32 $0x1  }
0x2: {  	[smem:$0x3F99] =	sst lr;
	_ =	strace $0xD0000000  }
0x3: {  	_ = 	snop  }
0x4: {  	_ = 	snop  }
0x5: {  	_ = 	snop  }
0x6: {  	_ = 	snop  }
0x7: {  	_ = 	snop  }
__scs_overlays_trampoline_lowered:
0x8: {  	[smem:$0x3FA8] =	sst s0  }
0x9: {  	[smem:$0x3FA9] =	sst s1  }
0xa: {  	[smem:$0x3FAA] =	sst s2  }
0xb: {  	[smem:$0x3FAB] =	sst s3  }
0xc: {  	[smem:$0x3FAC] =	sst s4  }
0xd: {  	[smem:$0x3FAD] =	sst s5  }
0xe: {  	[smem:$0x3FAE] =	sst s6  }
0xf: {  	[smem:$0x3FAF] =	sst s7  }
0x10: {  	[smem:$0x3FB0] =	sst s8  }
0x11: {  	[smem:$0x3FB1] =	sst s9;
	s0 =	simm.s32 @!p0 $0x0  }
0x12: {  	s1 =	sld [smem:$0x3F97];
	s0 =	simm.s32 @p0 $0x1  }
0x13: {  	[smem:$0x3FB2] =	sst s0;
	s0 =	simm.s32 @!p1 $0x0  }
0x14: {  	s2 =	sld [smem:$0x3F96];
	s0 =	simm.s32 @p1 $0x1  }
0x15: {  	[smem:$0x3FB3] =	sst s0;
	s0 =	simm.s32 @!p2 $0x0  }
0x16: {  	s3 =	sld [smem:$0x3FDB];
	s0 =	simm.s32 @p2 $0x1  }
0x17: {  	s4 =	simm.s32 $0x1BF5;
	[smem:$0x3FB5] =	sst s0  }
0x18: {  	s0 =	sld [smem:$0x3F98];
	_ =	swait.ge [sflag:s4], $0x0  }
0x19: {  	s7 =	sld [smem:$0x3F99]  }
0x1a: {  	s8 =	sadd.s32 $0xFFFFE003, lr  }
0x1b: {  	s9 =	sadd.s32 $0xFFFFFEF7, lr;
	s5 =	simm.s32 $0xFFFFFFFF;
	p2 =	slt.u32 s8, $0xFFFFF086  }
0x1c: {  	p1 =	slt.u32 s9, $0xF7A;
	s5 =	simm.s32 @!p2 $0x0  }
0x1d: {  	s5 =	simm.s32 @p1 $0x1;
	p0 =	seq.s32 s7, s2  }
0x1e: {  	s7 =	smul.u32 @!p0 $0xF7A, s2;
	p2 =	seq.s32 @!p0 s5, $0x0  }
0x1f: {  	s9 =	smul.u32 $0xF7A, s1;
	s8 =	simm.s32 @!p0 $0x1BF5;
	p2 =	por !p2, p0  }
0x20: {  	[sflag:s8] =	ssyncset.s32 @!p0 $0xFFFFF086;
	s6 =	sadd.s32 @!p0 s3, s7;
	s7 =	simm.s32 @!p0 $0x108  }
0x21: {  	s3 =	sadd.s32 s3, s9;
	s6 =	sadd.s32 @!p0 $0x88, s6;
	s7 =	simm.s32 @p2 $0x1082  }
0x22: {  	[simem:s7], [sflag:s8] =	dma.local @!p0 [hbm:s6], $0xF7A  }
0x23: {  	s9 =	sor.u32 $0xD0000000, s2;
	s6 =	simm.s32 $0x108;
	_ =	swait.ge @!p0 [sflag:s8], $0x0  }
0x24: {  	s3 =	sadd.s32 $0x88, s3;
	s6 =	simm.s32 @!p1 $0x1082;
	[sflag:s4] =	ssyncset.s32 $0xFFFFF086  }
0x25: {  	[simem:s6], [sflag:s4] =	dma.local [hbm:s3], $0xF7A  }
0x26: {  	[smem:$0x3F99] =	sst s1;
	(tag) =	ssettag s2;
	_ =	strace s9  }
0x27: {  	s1 =	sld [smem:$0x3FA9]  }
0x28: {  	s2 =	sld [smem:$0x3FAA]  }
0x29: {  	s4 =	sld [smem:$0x3FAC]  }
0x2a: {  	p0 =	seq.s32 s5, $0x0;
	s5 =	sld [smem:$0x3FAD]  }
0x2b: {  	s6 =	sld [smem:$0x3FAE]  }
0x2c: {  	s7 =	sld [smem:$0x3FAF]  }
0x2d: {  	s3 =	simm.s32 $0x108;
	s8 =	sld [smem:$0x3FB0]  }
0x2e: {  	s3 =	simm.s32 @!p0 $0x1082;
	s9 =	sld [smem:$0x3FB1]  }
0x2f: {  	lr =	sadd.s32 s0, s3;
	s0 =	sld [smem:$0x3FA8]  }
0x30: {  	s3 =	sld [smem:$0x3FAB]  }
0x31: {  	[smem:$0x3FB4] =	sst s10  }
0x32: {  	s10 =	sld [smem:$0x3FB2];
	_ =	sdelay $0x3  }
0x33: {  	p0 =	seq.s32 s10, $0x1;
	s10 =	sld [smem:$0x3FB4];
	_ =	sdelay $0x3  }
0x34: {  	[smem:$0x3FB4] =	sst s10  }
0x35: {  	s10 =	sld [smem:$0x3FB3];
	_ =	sdelay $0x3  }
0x36: {  	p1 =	seq.s32 s10, $0x1;
	s10 =	sld [smem:$0x3FB4];
	_ =	sdelay $0x3  }
0x37: {  	[smem:$0x3FB4] =	sst s10  }
0x38: {  	s10 =	sld [smem:$0x3FB5]  }
0x39: {  	_ = 	snop;
	(pc) =	sbr.ind lr, $3  }
0x3a: {  	_ = 	snop  }
0x3b: {  	_ = 	snop  }
0x3c: {  	p2 =	seq.s32 s10, $0x1;
	s10 =	sld [smem:$0x3FB4]  }
0x3d: {  	_ =	shalt  }
0x3e: {  	_ =	shalt  }
0x3f: {  	_ =	shalt  }
0x40: {  	_ =	shalt  }
0x41: {  	_ =	shalt  }
0x42: {  	_ =	shalt  }
0x43: {  	_ =	shalt  }
0x44: {  	_ =	shalt  }
0x45: {  	_ =	shalt  }
0x46: {  	_ =	shalt  }
0x47: {  	_ =	shalt  }
0x48: {  	_ =	shalt  }
0x49: {  	_ =	shalt  }
0x4a: {  	_ =	shalt  }
0x4b: {  	_ =	shalt  }
0x4c: {  	_ =	shalt  }
0x4d: {  	_ =	shalt  }
0x4e: {  	_ =	shalt  }
0x4f: {  	_ =	shalt  }
0x50: {  	_ =	shalt  }
0x51: {  	_ =	shalt  }
0x52: {  	_ =	shalt  }
0x53: {  	_ =	shalt  }
0x54: {  	_ =	shalt  }
0x55: {  	_ =	shalt  }
0x56: {  	_ =	shalt  }
0x57: {  	_ =	shalt  }
0x58: {  	_ =	shalt  }
0x59: {  	_ =	shalt  }
0x5a: {  	_ =	shalt  }
0x5b: {  	_ =	shalt  }
0x5c: {  	_ =	shalt  }
0x5d: {  	_ =	shalt  }
0x5e: {  	_ =	shalt  }
0x5f: {  	_ =	shalt  }
0x60: {  	_ =	shalt  }
0x61: {  	_ =	shalt  }
0x62: {  	_ =	shalt  }
0x63: {  	_ =	shalt  }
0x64: {  	_ =	shalt  }
0x65: {  	_ =	shalt  }
0x66: {  	_ =	shalt  }
0x67: {  	_ =	shalt  }
0x68: {  	_ =	shalt  }
0x69: {  	_ =	shalt  }
0x6a: {  	_ =	shalt  }
0x6b: {  	_ =	shalt  }
0x6c: {  	_ =	shalt  }
0x6d: {  	_ =	shalt  }
0x6e: {  	_ =	shalt  }
0x6f: {  	_ =	shalt  }
0x70: {  	_ =	shalt  }
0x71: {  	_ =	shalt  }
0x72: {  	_ =	shalt  }
0x73: {  	_ =	shalt  }
0x74: {  	_ =	shalt  }
0x75: {  	_ =	shalt  }
0x76: {  	_ =	shalt  }
0x77: {  	_ =	shalt  }
0x78: {  	_ =	shalt  }
0x79: {  	_ =	shalt  }
0x7a: {  	_ =	shalt  }
0x7b: {  	_ =	shalt  }
0x7c: {  	_ =	shalt  }
0x7d: {  	_ =	shalt  }
0x7e: {  	_ =	shalt  }
0x7f: {  	_ =	shalt  }
0x80: {  	_ =	shalt  }
0x81: {  	_ =	shalt  }
0x82: {  	_ =	shalt  }
0x83: {  	_ =	shalt  }
0x84: {  	_ =	shalt  }
0x85: {  	_ =	shalt  }
0x86: {  	_ =	shalt  }
0x87: {  	_ =	shalt  }
.Lfunc_end0:
.L_simem_size_0:
called_computation_lowered:
.L_overlay_start_0:
0x88: {  	s2 =	sld [smem:$0x3FD9]  }
0x89: {  	s3 =	sld [smem:$0x3FFE];
	_ =	sdelay $0x1  }
0x8a: {  	s1 =	srdreg.scid  }
0x8b: {  	s0 =	sand.u32 $0x1, s1  }
0x8c: {  	s17 =	sshll.u32 s0, $0xA;
	s2 =	sadd.s32 s3, s2  }
0x8d: {  	s2 =	sadd.s32 s2, s17  }
0x8e: {  	[smem:$0x3FC0] =	sst s2  }
0x8f: {  	_ = 	snop  }
0x90: {  	s2 =	sld [smem:$0x3FC9]  }
0x91: {  	s18 =	sld [smem:$0x3FD0];
	(tm) =	ssettm $0x1  }
0x92: {  	s4 =	sld [smem:$0x3FFB];
	_ =	sdelay $0x3  }
0x93: {  	_ =	strace s4  }
0x94: {  	s4 =	sld [smem:$0x3FFC];
	_ =	sdelay $0x3  }
0x95: {  	_ =	strace s4  }
0x96: {  	s4 =	sld [smem:$0x3FFD];
	_ =	sdelay $0x3  }
0x97: {  	_ =	strace s4  }
0x98: {  	_ =	strace $0x8FFFFFFF  }
0x99: {  	s19 =	sld [smem:$0x3FDB];
	_ =	sdelay $0x1  }
0x9a: {  	s5 =	simm.s32 $_scs_section_size  }
0x9b: {  	s6 =	simm.s32 $_size__tile_overlayer_lowered;
	s7 =	simm.s32 $_tile_overlayer_lowered  }
0x9c: {  	s22 =	simm.s32 $0x1BFF;
	s21 =	sshll.u32 s7, $0x1;
	s4 =	sadd.s32 s5, s19  }
0x9d: {  	s8 =	simm.s32 $0x0;
	s20 =	sshll.u32 s6, $0x1;
	s6 =	sadd.s32 s21, s4  }
0x9e: {  	[timem:s8], [sflag:s22] =	dma.local [hbm:s6], s20  }
0x9f: {  	_ =	swait.ge [sflag:s22], s20  }
0xa0: {  	s5 =	ssub.s32 $0x0, s20;
	[sflag:s22] =	ssyncset.done $0x0  }
0xa1: {  	[sflag:s22] =	ssyncadd.s32 s5;
	_ =	sdelay $0x1  }
0xa2: {  	s23 =	simm.s32 $0x1B8B  }
0xa3: {  	_ =	swait.ge [sflag:s23], $0x1  }
0xa4: {  	[sflag:s23] =	ssyncset.done $0x0  }
0xa5: {  	s25 =	simm.s32 $0x1B8E;
	s24 =	sld [smem:$0x3FFE];
	[sflag:s23] =	ssyncadd.s32 $0xFFFFFFFF  }
0xa6: {  	s26 =	simm.s32 $execute0_lowered;
	[smem:$0x3FD2] =	sst s25  }
0xa7: {  	s6 =	sshll.u32 s26, $0x1;
	_ =	strace $0x80000046;
	[dreg:$0x1] =	wrdreg $0xFFFFFFFF  }
0xa8: {  	s28 =	simm.s32 $_size_execute0_lowered;
	s4 =	sadd.s32 s4, s6;
	[dreg:$0x0] =	wrdreg $0x0  }
0xa9: {  	s6 =	sshll.u32 s28, $0x1;
	[dreg:$0x2] =	wrdreg s4  }
0xaa: {  	[dreg:$0x3] =	wrdreg s6  }
0xab: {  	[dreg:$0x4] =	wrdreg $0xC0  }
0xac: {  	_ =	task [dreg:s8], $0x5FFFF  }
0xad: {  	[dreg:$0x1] =	wrdreg $0xFFFFFFFF  }
0xae: {  	[dreg:$0x0] =	wrdreg $0x60  }
0xaf: {  	[dreg:$0x2] =	wrdreg s2  }
0xb0: {  	[dreg:$0x3] =	wrdreg s24  }
0xb1: {  	[dreg:$0x4] =	wrdreg s18  }
0xb2: {  	[dreg:$0x5] =	wrdreg $0xAB000  }
0xb3: {  	[dreg:$0x6] =	wrdreg $0x1E7000  }
0xb4: {  	[dreg:$0x7] =	wrdreg $0x9  }
0xb5: {  	_ =	task.clear_ibuf [dreg:s8], $0x8FFFF;
	_ =	strace $0x90000046  }
0xb6: {  	s29 =	simm.s32 $0x9;
	_ =	strace $0x80000048  }
0xb7: {  	_ =	swait.ge [sflag:s29], $0x1  }
0xb8: {  	[sflag:s29] =	ssyncadd.s32 $0xFFFFFFFF  }
0xb9: {  	_ =	strace $0x90000048  }
0xba: {  	_ =	sfence  }
0xbb: {  	s30 =	sld [smem:$0x0];
	_ =	sdelay $0x2  }
0xbc: {  	s31 =	sshll.u32 s1, $0xD;
	s1 =	sshrl.u32 s1, $0x2  }
0xbd: {  	s3 =	sand.u32 $0x4000, s31;
	s1 =	sadd.s32 s1, s30  }
0xbe: {  	s0 =	sor.u32 s3, s0;
	s1 =	sshll.u32 s1, $0x11  }
0xbf: {  	s0 =	sor.u32 s1, s0  }
0xc0: {  	s0 =	sadd.s32 $0x8F2B, s0  }
0xc1: {  	[sflag:s0] =	ssyncadd.remote.s32 $0x1  }
0xc2: {  	_ =	sfence.sel $0xFFFF  }
0xc3: {  	[dreg:$0x0] =	wrdreg $0xFFFFFFFF;
	(pc) =	sbr.abs _section_cstart, $3  }
0xc4: {  	[dreg:$0x1] =	wrdreg $0xFFFFFFFF  }
0xc5: {  	_ =	task.clear_ibuf [dreg:s8], $0x2FFFF;
	_ =	strace $0x9FFFFFFF  }
0xc6: {  	(tm) =	ssettm $0x7FFFFFFF  }
0xc7: {  	_ =	shalt  }
tec
execute0_lowered:
.L_overlay_start_1:
0x0: {  	(tag) =	ssettag $0x1  }
0x1: {  	s1 =	rddreg [dreg:$0x0]  }
0x2: {  	s6 =	rddreg [dreg:$0x1]  }
0x3: {  	s12 =	rddreg [dreg:$0x2]  }
0x4: {  	s3 =	rddreg [dreg:$0x3]  }
0x5: {  	s0 =	stileid.u32;
	s2 =	srdreg.scid  }
0x6: {  	s4 =	rddreg [dreg:$0x4];
	s5 =	simm.s32 $0x0;
	s7 =	smul.u32 $0x13C00, s0  }
0x7: {  	s28 =	simm.s32 $0x2780;
	s29 =	simm.s32 $0x0;
	s10 =	smul.u32 $0x278, s0  }
0x8: {  	s8 =	sand.u32 $0x1, s2;
	[smem:$0x7FF] =	sst s5;
	s22 =	smul.u32 $0x4F000, s0  }
0x9: {  	s13 =	sadd.s32 $0x2400, s6;
	s30 =	sshll.u32 s0, $0x6;
	s9 =	smul.u32 $0x13C000, s8  }
0xa: {  	_ =	strace $0x80000047;
	s11 =	smul.u32 $0x2780, s8;
	s23 =	ssub.s32 $0x2, s8  }
0xb: {  	s24 =	sshll.u32 s8, $0x4;
	s14 =	sshrl.u32 s7, $0x3;
	s25 =	sshrl.u32 s23, $0x1  }
0xc: {  	s8 =	sadd.s32 s10, s4;
	s7 =	sadd.s32 s7, s9;
	s19 =	sadd.s32 s14, s6  }
0xd: {  	s11 =	sadd.s32 s10, s11;
	s16 =	ssub.s32 s23, s25;
	s23 =	simm.s32 $0x1  }
0xe: {  	s25 =	simm.s32 $0x2;
	s7 =	sshrl.u32 s7, $0x3;
	s21 =	sshrl.u32 s11, $0x3  }
0xf: {  	s11 =	sshrl.u32 s22, $0x2;
	s22 =	simm.s32 $0x6800;
	s20 =	sadd.s32 s7, s6  }
0x10: {  	s15 =	sadd.s32 s21, s6;
	s7 =	sor.u32 s0, s24;
	s17 =	sadd.s32 s11, s3  }
0x11: {  	s6 =	sadd.s32 $0xC400, s19;
	s19 =	simm.s32 $0x1400;
	s26 =	smul.u32 $0x2800, s7  }
0x12: {  	s21 =	simm.s32 $0x2800;
	s24 =	simm.s32 $0xA800;
	s18 =	smul.u32 $0x500, s7  }
0x13: {  	s7 =	sor.u32 $0x1C03, s30;
	s14 =	sadd.s32 $0x33C00, s15;
	s15 =	smax.u32 s16, $0x1  }
0x14: {  	s16 =	sshrl.u32 s17, $0x3;
	s17 =	simm.s32 $0x3;
	s11 =	sshrl.u32 s26, $0x3  }
0x15: {  	s9 =	sadd.s32 s13, s18;
	s10 =	sadd.s32 s12, s18;
	s31 =	sadd.s32 $0x280, s11  }
0x16: {  	s18 =	simm.s32 $0xA880;
	s26 =	simm.s32 $0x2700;
	s11 =	sadd.s32 s13, s31  }
0x17: {  	v0 =	vimm.f32 $0.0e+00;
	v1 =	vimm.f32 $1.000000000e+00;
	s12 =	sadd.s32 s12, s31;
	s13 =	sadd.s32 $0x34600, s20;
	s20 =	simm.s32 $0x80  }
.LBB2_1:
0x18: {  	[spmem:s16], [sflag:s7] =	dma.local [hbm:s6], $0x2780  }
0x19: {  	_ =	swait.ge [sflag:s17], $0x2780  }
0x1a: {  	[sflag:s17] =	ssyncset.done $0x0  }
0x1b: {  	[sflag:s17] =	ssyncadd.s32 $0xFFFFD880  }
0x1c: {  	[tilespmem:$0xA880] =	vst v0  }
0x1d: {  	[tilespmem:$0xA890] =	vst v0  }
0x1e: {  	[tilespmem:$0xA8A0] =	vst v0  }
0x1f: {  	[tilespmem:$0xA8B0] =	vst v0  }
0x20: {  	[tilespmem:$0xA8C0] =	vst v0  }
0x21: {  	[tilespmem:$0xA8D0] =	vst v0  }
0x22: {  	[tilespmem:$0xA8E0] =	vst v0  }
0x23: {  	[tilespmem:$0xA8F0] =	vst v0  }
0x24: {  	[tilespmem:$0xA900] =	vst v0  }
0x25: {  	[tilespmem:$0xA910] =	vst v0  }
0x26: {  	[tilespmem:$0xA920] =	vst v0  }
0x27: {  	[tilespmem:$0xA930] =	vst v0  }
0x28: {  	[tilespmem:$0xA940] =	vst v0  }
0x29: {  	[tilespmem:$0xA950] =	vst v0  }
0x2a: {  	[tilespmem:$0xA960] =	vst v0  }
0x2b: {  	[tilespmem:$0xA970] =	vst v0  }
0x2c: {  	[tilespmem:$0xA980] =	vst v0  }
0x2d: {  	[tilespmem:$0xA990] =	vst v0  }
0x2e: {  	[tilespmem:$0xA9A0] =	vst v0  }
0x2f: {  	[tilespmem:$0xA9B0] =	vst v0  }
0x30: {  	[tilespmem:$0xA9C0] =	vst v0  }
0x31: {  	[tilespmem:$0xA9D0] =	vst v0  }
0x32: {  	[tilespmem:$0xA9E0] =	vst v0  }
0x33: {  	[tilespmem:$0xA9F0] =	vst v0  }
0x34: {  	[tilespmem:$0xAA00] =	vst v0  }
0x35: {  	[tilespmem:$0xAA10] =	vst v0  }
0x36: {  	[tilespmem:$0xAA20] =	vst v0  }
0x37: {  	[tilespmem:$0xAA30] =	vst v0  }
0x38: {  	[tilespmem:$0xAA40] =	vst v0  }
0x39: {  	[tilespmem:$0xAA50] =	vst v0  }
0x3a: {  	[tilespmem:$0xAA60] =	vst v0  }
0x3b: {  	[tilespmem:$0xAA70] =	vst v0  }
0x3c: {  	[tilespmem:$0xAA80] =	vst v0  }
0x3d: {  	[tilespmem:$0xAA90] =	vst v0  }
0x3e: {  	[tilespmem:$0xAAA0] =	vst v0  }
0x3f: {  	[tilespmem:$0xAAB0] =	vst v0  }
0x40: {  	[tilespmem:$0xAAC0] =	vst v0  }
0x41: {  	[tilespmem:$0xAAD0] =	vst v0  }
0x42: {  	[tilespmem:$0xAAE0] =	vst v0  }
0x43: {  	[tilespmem:$0xAAF0] =	vst v0  }
0x44: {  	[spmem:s8] =	stream.linear.scatter [tilespmem:s18], [sflag:$0x3], $0x278, $0x38;
	[tilespmem:$0x1E978] =	vst v63  }
0x45: {  	_ =	swait.ge [sflag:s17], $0x278  }
0x46: {  	[sflag:s17] =	ssyncset.done $0x0  }
0x47: {  	[sflag:s17] =	ssyncadd.s32 $0xFFFFFD88  }
0x48: {  	[tilespmem:$0xA800] =	vst v1  }
0x49: {  	[tilespmem:$0xA810] =	vst v1  }
0x4a: {  	[tilespmem:$0xA820] =	vst v1  }
0x4b: {  	[tilespmem:$0xA830] =	vst v1  }
0x4c: {  	[tilespmem:$0xA840] =	vst v1  }
0x4d: {  	[tilespmem:$0xA850] =	vst v1  }
0x4e: {  	[tilespmem:$0xA860] =	vst v1  }
0x4f: {  	[tilespmem:$0xA870] =	vst v1  }
0x50: {  	[bflag:$0x0] =	sbarrier.arrive $0xFFFF  }
0x51: {  	[tilespmem:s5], [sflag:$0x3] =	stream.linear.gather [hbm4b:s9+s5], $0x1400, $0x38;
	[tilespmem:$0x1E978] =	vst v63  }
0x52: {  	_ =	swait.ge [sflag:s17], $0x1400  }
0x53: {  	[sflag:s17] =	ssyncset.done $0x0  }
0x54: {  	[sflag:s17] =	ssyncadd.s32 $0xFFFFEC00  }
0x55: {  	[tilespmem:s19], [sflag:$0x3] =	stream.linear.gather [hbm4b:s10+s5], $0x1400, $0x38;
	[tilespmem:$0x1E978] =	vst v63  }
0x56: {  	_ =	swait.ge [sflag:s17], $0x1400  }
0x57: {  	[sflag:s17] =	ssyncset.done $0x0  }
0x58: {  	[sflag:s17] =	ssyncadd.s32 $0xFFFFEC00  }
0x59: {  	[tilespmem:s21], [sflag:$0x1] =	stream.indirect.gather [hbm4b:s1+s20], $0x80, s5, s20, $0xb8;
	[tilespmem:$0x1E978] =	vst v63  }
0x5a: {  	_ = 	snop  }
0x5b: {  	[tilespmem:s22], [sflag:$0x2] =	stream.indirect.gather [hbm4b:s1+s20], $0x80, s20, s20, $0xb8;
	[tilespmem:$0x1E978] =	vst v63  }
0x5c: {  	_ =	swait.ge [sflag:s23], $0x4000  }
0x5d: {  	[sflag:s23] =	ssyncset.done $0x0  }
0x5e: {  	s30 =	simm.s32 $0x1400;
	[sflag:s23] =	ssyncadd.s32 $0xFFFFC000  }
0x5f: {  	[spmem:s3] =	stream.indirect.scatter.add.f32 [tilespmem:s21], [sflag:$0x3], $0x80, s30, s20, $0xb8;
	[tilespmem:$0x1E978] =	vst v63  }
0x60: {  	_ =	swait.ge [sflag:s17], $0x4000  }
0x61: {  	[sflag:s17] =	ssyncset.done $0x0  }
0x62: {  	[sflag:s17] =	ssyncadd.s32 $0xFFFFC000  }
0x63: {  	[spmem:s4] =	stream.indirect.scatter.add.f32 [tilespmem:s24], [sflag:$0x3], $0x1, s30, s20, $0xb8;
	[tilespmem:$0x1E978] =	vst v63  }
0x64: {  	_ =	swait.ge [sflag:s17], $0x80  }
0x65: {  	[sflag:s17] =	ssyncset.done $0x0  }
0x66: {  	s30 =	simm.s32 $0x100;
	[sflag:s17] =	ssyncadd.s32 $0xFFFFFF80  }
0x67: {  	[tilespmem:s21], [sflag:$0x1] =	stream.indirect.gather [hbm4b:s1+s20], $0x80, s30, s20, $0xb8;
	[tilespmem:$0x1E978] =	vst v63  }
0x68: {  	_ =	swait.ge [sflag:s25], $0x4000  }
0x69: {  	[sflag:s25] =	ssyncset.done $0x0  }
0x6a: {  	s30 =	simm.s32 $0x1480;
	[sflag:s25] =	ssyncadd.s32 $0xFFFFC000  }
0x6b: {  	[spmem:s3] =	stream.indirect.scatter.add.f32 [tilespmem:s22], [sflag:$0x3], $0x80, s30, s20, $0xb8;
	[tilespmem:$0x1E978] =	vst v63  }
0x6c: {  	_ =	swait.ge [sflag:s17], $0x4000  }
0x6d: {  	[sflag:s17] =	ssyncset.done $0x0  }
0x6e: {  	[sflag:s17] =	ssyncadd.s32 $0xFFFFC000  }
0x6f: {  	[spmem:s4] =	stream.indirect.scatter.add.f32 [tilespmem:s24], [sflag:$0x3], $0x1, s30, s20, $0xb8;
	[tilespmem:$0x1E978] =	vst v63  }
0x70: {  	_ =	swait.ge [sflag:s17], $0x80  }
0x71: {  	[sflag:s17] =	ssyncset.done $0x0  }
0x72: {  	s31 =	simm.s32 $0x180;
	s30 =	simm.s32 $0x400;
	[sflag:s17] =	ssyncadd.s32 $0xFFFFFF80  }
.LBB2_2:
0x73: {  	[tilespmem:s22], [sflag:$0x2] =	stream.indirect.gather [hbm4b:s1+s20], $0x80, s31, s20, $0xb8;
	[tilespmem:$0x1E978] =	vst v63  }
0x74: {  	s31 =	smov.u32 s30  }
0x75: {  	p0 =	sne.s32 s30, $0x4800;
	s30 =	sadd.s32 $0x400, s30;
	_ =	swait.ge [sflag:s23], $0x4000  }
0x76: {  	s31 =	sshra.s32 s31, $0x2;
	[sflag:s23] =	ssyncset.done $0x0  }
0x77: {  	s2 =	sadd.s32 $0x1400, s31;
	[sflag:s23] =	ssyncadd.s32 $0xFFFFC000  }
0x78: {  	[spmem:s3] =	stream.indirect.scatter.add.f32 [tilespmem:s21], [sflag:$0x3], $0x80, s2, s20, $0xb8;
	[tilespmem:$0x1E978] =	vst v63  }
0x79: {  	_ =	swait.ge [sflag:s17], $0x4000  }
0x7a: {  	[sflag:s17] =	ssyncset.done $0x0  }
0x7b: {  	[sflag:s17] =	ssyncadd.s32 $0xFFFFC000  }
0x7c: {  	[spmem:s4] =	stream.indirect.scatter.add.f32 [tilespmem:s24], [sflag:$0x3], $0x1, s2, s20, $0xb8;
	[tilespmem:$0x1E978] =	vst v63  }
0x7d: {  	_ =	swait.ge [sflag:s17], $0x80  }
0x7e: {  	[sflag:s17] =	ssyncset.done $0x0  }
0x7f: {  	s2 =	sadd.s32 $0x100, s31;
	[sflag:s17] =	ssyncadd.s32 $0xFFFFFF80  }
0x80: {  	[tilespmem:s21], [sflag:$0x1] =	stream.indirect.gather [hbm4b:s1+s20], $0x80, s2, s20, $0xb8;
	[tilespmem:$0x1E978] =	vst v63  }
0x81: {  	_ =	swait.ge [sflag:s25], $0x4000  }
0x82: {  	[sflag:s25] =	ssyncset.done $0x0  }
0x83: {  	s2 =	sadd.s32 $0x1480, s31;
	[sflag:s25] =	ssyncadd.s32 $0xFFFFC000  }
0x84: {  	[spmem:s3] =	stream.indirect.scatter.add.f32 [tilespmem:s22], [sflag:$0x3], $0x80, s2, s20, $0xb8;
	[tilespmem:$0x1E978] =	vst v63  }
0x85: {  	_ =	swait.ge [sflag:s17], $0x4000  }
0x86: {  	[sflag:s17] =	ssyncset.done $0x0  }
.Ltmp0:
0x87: {  	[sflag:s17] =	ssyncadd.s32 $0xFFFFC000;
	(pc) =	sbr.rel @p0 .LBB2_2-.Ltmp0, $4  }
0x88: {  	[spmem:s4] =	stream.indirect.scatter.add.f32 [tilespmem:s24], [sflag:$0x3], $0x1, s2, s20, $0xb8;
	[tilespmem:$0x1E978] =	vst v63  }
0x89: {  	_ =	swait.ge [sflag:s17], $0x80  }
0x8a: {  	[sflag:s17] =	ssyncset.done $0x0  }
0x8b: {  	s31 =	sadd.s32 $0x180, s31;
	[sflag:s17] =	ssyncadd.s32 $0xFFFFFF80  }
0x8c: {  	[tilespmem:s22], [sflag:$0x2] =	stream.indirect.gather [hbm4b:s1+s20], $0x80, s31, s20, $0xb8;
	[tilespmem:$0x1E978] =	vst v63  }
0x8d: {  	_ =	swait.ge [sflag:s23], $0x4000  }
0x8e: {  	[sflag:s23] =	ssyncset.done $0x0  }
0x8f: {  	[sflag:s23] =	ssyncadd.s32 $0xFFFFC000  }
0x90: {  	[spmem:s3] =	stream.indirect.scatter.add.f32 [tilespmem:s21], [sflag:$0x3], $0x80, s26, s20, $0xb8;
	[tilespmem:$0x1E978] =	vst v63  }
0x91: {  	_ =	swait.ge [sflag:s17], $0x4000  }
0x92: {  	[sflag:s17] =	ssyncset.done $0x0  }
0x93: {  	[sflag:s17] =	ssyncadd.s32 $0xFFFFC000  }
0x94: {  	[spmem:s4] =	stream.indirect.scatter.add.f32 [tilespmem:s24], [sflag:$0x3], $0x1, s26, s20, $0xb8;
	[tilespmem:$0x1E978] =	vst v63  }
0x95: {  	_ =	swait.ge [sflag:s17], $0x80  }
0x96: {  	[sflag:s17] =	ssyncset.done $0x0  }
0x97: {  	[sflag:s17] =	ssyncadd.s32 $0xFFFFFF80  }
0x98: {  	_ =	swait.ge [sflag:s25], $0x4000  }
0x99: {  	[sflag:s25] =	ssyncset.done $0x0  }
0x9a: {  	[sflag:s25] =	ssyncadd.s32 $0xFFFFC000  }
0x9b: {  	[spmem:s3] =	stream.indirect.scatter.add.f32 [tilespmem:s22], [sflag:$0x3], $0x80, s28, s20, $0xb8;
	[tilespmem:$0x1E978] =	vst v63  }
0x9c: {  	_ =	swait.ge [sflag:s17], $0x4000  }
0x9d: {  	[sflag:s17] =	ssyncset.done $0x0  }
0x9e: {  	[sflag:s17] =	ssyncadd.s32 $0xFFFFC000  }
0x9f: {  	[spmem:s4] =	stream.indirect.scatter.add.f32 [tilespmem:s24], [sflag:$0x3], $0x1, s28, s20, $0xb8;
	[tilespmem:$0x1E978] =	vst v63  }
0xa0: {  	_ =	swait.ge [sflag:s17], $0x80  }
0xa1: {  	[sflag:s17] =	ssyncset.done $0x0  }
0xa2: {  	s2 =	simm.s32 $0x0;
	[sflag:s17] =	ssyncadd.s32 $0xFFFFFF80  }
0xa3: {  	[tilespmem:s2], [sflag:$0x3] =	stream.linear.gather [hbm4b:s11+s2], $0x1400, $0x38;
	[tilespmem:$0x1E978] =	vst v63  }
0xa4: {  	_ =	swait.ge [sflag:s17], $0x1400  }
0xa5: {  	[sflag:s17] =	ssyncset.done $0x0  }
0xa6: {  	[sflag:s17] =	ssyncadd.s32 $0xFFFFEC00  }
0xa7: {  	[tilespmem:s19], [sflag:$0x3] =	stream.linear.gather [hbm4b:s12+s2], $0x1400, $0x38;
	[tilespmem:$0x1E978] =	vst v63  }
0xa8: {  	_ =	swait.ge [sflag:s17], $0x1400  }
0xa9: {  	[sflag:s17] =	ssyncset.done $0x0  }
0xaa: {  	[sflag:s17] =	ssyncadd.s32 $0xFFFFEC00  }
0xab: {  	[tilespmem:s21], [sflag:$0x1] =	stream.indirect.gather [hbm4b:s1+s20], $0x80, s2, s20, $0xb8;
	[tilespmem:$0x1E978] =	vst v63  }
0xac: {  	_ = 	snop  }
0xad: {  	[tilespmem:s22], [sflag:$0x2] =	stream.indirect.gather [hbm4b:s1+s20], $0x80, s20, s20, $0xb8;
	[tilespmem:$0x1E978] =	vst v63  }
0xae: {  	_ =	swait.ge [sflag:s23], $0x4000  }
0xaf: {  	[sflag:s23] =	ssyncset.done $0x0  }
0xb0: {  	s2 =	simm.s32 $0x1400;
	[sflag:s23] =	ssyncadd.s32 $0xFFFFC000  }
0xb1: {  	[spmem:s3] =	stream.indirect.scatter.add.f32 [tilespmem:s21], [sflag:$0x3], $0x80, s2, s20, $0xb8;
	[tilespmem:$0x1E978] =	vst v63  }
0xb2: {  	_ =	swait.ge [sflag:s17], $0x4000  }
0xb3: {  	[sflag:s17] =	ssyncset.done $0x0  }
0xb4: {  	[sflag:s17] =	ssyncadd.s32 $0xFFFFC000  }
0xb5: {  	[spmem:s4] =	stream.indirect.scatter.add.f32 [tilespmem:s24], [sflag:$0x3], $0x1, s2, s20, $0xb8;
	[tilespmem:$0x1E978] =	vst v63  }
0xb6: {  	_ =	swait.ge [sflag:s17], $0x80  }
0xb7: {  	[sflag:s17] =	ssyncset.done $0x0  }
0xb8: {  	s2 =	simm.s32 $0x100;
	[sflag:s17] =	ssyncadd.s32 $0xFFFFFF80  }
0xb9: {  	[tilespmem:s21], [sflag:$0x1] =	stream.indirect.gather [hbm4b:s1+s20], $0x80, s2, s20, $0xb8;
	[tilespmem:$0x1E978] =	vst v63  }
0xba: {  	_ =	swait.ge [sflag:s25], $0x4000  }
0xbb: {  	[sflag:s25] =	ssyncset.done $0x0  }
0xbc: {  	s2 =	simm.s32 $0x1480;
	[sflag:s25] =	ssyncadd.s32 $0xFFFFC000  }
0xbd: {  	[spmem:s3] =	stream.indirect.scatter.add.f32 [tilespmem:s22], [sflag:$0x3], $0x80, s2, s20, $0xb8;
	[tilespmem:$0x1E978] =	vst v63  }
0xbe: {  	_ =	swait.ge [sflag:s17], $0x4000  }
0xbf: {  	[sflag:s17] =	ssyncset.done $0x0  }
0xc0: {  	[sflag:s17] =	ssyncadd.s32 $0xFFFFC000  }
0xc1: {  	[spmem:s4] =	stream.indirect.scatter.add.f32 [tilespmem:s24], [sflag:$0x3], $0x1, s2, s20, $0xb8;
	[tilespmem:$0x1E978] =	vst v63  }
0xc2: {  	_ =	swait.ge [sflag:s17], $0x80  }
0xc3: {  	[sflag:s17] =	ssyncset.done $0x0  }
0xc4: {  	s30 =	simm.s32 $0x400;
	s31 =	simm.s32 $0x180;
	[sflag:s17] =	ssyncadd.s32 $0xFFFFFF80  }
.LBB2_4:
0xc5: {  	[tilespmem:s22], [sflag:$0x2] =	stream.indirect.gather [hbm4b:s1+s20], $0x80, s31, s20, $0xb8;
	[tilespmem:$0x1E978] =	vst v63  }
0xc6: {  	s2 =	smov.u32 s30  }
0xc7: {  	p0 =	sne.s32 s30, $0x4800;
	s30 =	sadd.s32 $0x400, s30;
	_ =	swait.ge [sflag:s23], $0x4000  }
0xc8: {  	s2 =	sshra.s32 s2, $0x2;
	[sflag:s23] =	ssyncset.done $0x0  }
0xc9: {  	s31 =	sadd.s32 $0x1400, s2;
	[sflag:s23] =	ssyncadd.s32 $0xFFFFC000  }
0xca: {  	[spmem:s3] =	stream.indirect.scatter.add.f32 [tilespmem:s21], [sflag:$0x3], $0x80, s31, s20, $0xb8;
	[tilespmem:$0x1E978] =	vst v63  }
0xcb: {  	_ =	swait.ge [sflag:s17], $0x4000  }
0xcc: {  	[sflag:s17] =	ssyncset.done $0x0  }
0xcd: {  	[sflag:s17] =	ssyncadd.s32 $0xFFFFC000  }
0xce: {  	[spmem:s4] =	stream.indirect.scatter.add.f32 [tilespmem:s24], [sflag:$0x3], $0x1, s31, s20, $0xb8;
	[tilespmem:$0x1E978] =	vst v63  }
0xcf: {  	_ =	swait.ge [sflag:s17], $0x80  }
0xd0: {  	[sflag:s17] =	ssyncset.done $0x0  }
0xd1: {  	s31 =	sadd.s32 $0x100, s2;
	[sflag:s17] =	ssyncadd.s32 $0xFFFFFF80  }
0xd2: {  	[tilespmem:s21], [sflag:$0x1] =	stream.indirect.gather [hbm4b:s1+s20], $0x80, s31, s20, $0xb8;
	[tilespmem:$0x1E978] =	vst v63  }
0xd3: {  	_ =	swait.ge [sflag:s25], $0x4000  }
0xd4: {  	[sflag:s25] =	ssyncset.done $0x0  }
0xd5: {  	s31 =	sadd.s32 $0x1480, s2;
	[sflag:s25] =	ssyncadd.s32 $0xFFFFC000  }
0xd6: {  	[spmem:s3] =	stream.indirect.scatter.add.f32 [tilespmem:s22], [sflag:$0x3], $0x80, s31, s20, $0xb8;
	[tilespmem:$0x1E978] =	vst v63  }
0xd7: {  	_ =	swait.ge [sflag:s17], $0x4000  }
0xd8: {  	[sflag:s17] =	ssyncset.done $0x0  }
.Ltmp1:
0xd9: {  	[sflag:s17] =	ssyncadd.s32 $0xFFFFC000;
	(pc) =	sbr.rel @p0 .LBB2_4-.Ltmp1, $4  }
0xda: {  	[spmem:s4] =	stream.indirect.scatter.add.f32 [tilespmem:s24], [sflag:$0x3], $0x1, s31, s20, $0xb8;
	[tilespmem:$0x1E978] =	vst v63  }
0xdb: {  	_ =	swait.ge [sflag:s17], $0x80  }
0xdc: {  	[sflag:s17] =	ssyncset.done $0x0  }
0xdd: {  	s31 =	sadd.s32 $0x180, s2;
	[sflag:s17] =	ssyncadd.s32 $0xFFFFFF80  }
0xde: {  	[tilespmem:s22], [sflag:$0x2] =	stream.indirect.gather [hbm4b:s1+s20], $0x80, s31, s20, $0xb8;
	[tilespmem:$0x1E978] =	vst v63  }
0xdf: {  	_ =	swait.ge [sflag:s23], $0x4000  }
0xe0: {  	[sflag:s23] =	ssyncset.done $0x0  }
0xe1: {  	[sflag:s23] =	ssyncadd.s32 $0xFFFFC000  }
0xe2: {  	[spmem:s3] =	stream.indirect.scatter.add.f32 [tilespmem:s21], [sflag:$0x3], $0x80, s26, s20, $0xb8;
	[tilespmem:$0x1E978] =	vst v63  }
0xe3: {  	_ =	swait.ge [sflag:s17], $0x4000  }
0xe4: {  	[sflag:s17] =	ssyncset.done $0x0  }
0xe5: {  	[sflag:s17] =	ssyncadd.s32 $0xFFFFC000  }
0xe6: {  	[spmem:s4] =	stream.indirect.scatter.add.f32 [tilespmem:s24], [sflag:$0x3], $0x1, s26, s20, $0xb8;
	[tilespmem:$0x1E978] =	vst v63  }
0xe7: {  	_ =	swait.ge [sflag:s17], $0x80  }
0xe8: {  	[sflag:s17] =	ssyncset.done $0x0  }
0xe9: {  	[sflag:s17] =	ssyncadd.s32 $0xFFFFFF80  }
0xea: {  	_ =	swait.ge [sflag:s25], $0x4000  }
0xeb: {  	[sflag:s25] =	ssyncset.done $0x0  }
0xec: {  	[sflag:s25] =	ssyncadd.s32 $0xFFFFC000  }
0xed: {  	[spmem:s3] =	stream.indirect.scatter.add.f32 [tilespmem:s22], [sflag:$0x3], $0x80, s28, s20, $0xb8;
	[tilespmem:$0x1E978] =	vst v63  }
0xee: {  	_ =	swait.ge [sflag:s17], $0x4000  }
0xef: {  	[sflag:s17] =	ssyncset.done $0x0  }
0xf0: {  	[sflag:s17] =	ssyncadd.s32 $0xFFFFC000  }
0xf1: {  	[spmem:s4] =	stream.indirect.scatter.add.f32 [tilespmem:s24], [sflag:$0x3], $0x1, s28, s20, $0xb8;
	[tilespmem:$0x1E978] =	vst v63  }
0xf2: {  	_ =	swait.ge [sflag:s17], $0x80  }
0xf3: {  	[sflag:s17] =	ssyncset.done $0x0  }
0xf4: {  	[sflag:s17] =	ssyncadd.s32 $0xFFFFFF80  }
0xf5: {  	[bflag:$0x0] =	sbarrier.arrive $0xFFFF  }
0xf6: {  	[hbm:s13], [sflag:s7] =	dma.local [spmem:s16], $0x2780  }
0xf7: {  	_ =	swait.ge [sflag:s17], $0x2780  }
0xf8: {  	[sflag:s17] =	ssyncset.done $0x0  }
0xf9: {  	[sflag:s17] =	ssyncadd.s32 $0xFFFFD880  }
0xfa: {  	[tilespmem:s18], [sflag:$0x3] =	stream.linear.gather [spmem:s8], $0x278, $0x38;
	[tilespmem:$0x1E978] =	vst v63  }
0xfb: {  	s29 =	sadd.s32 $0x1, s29;
	_ =	swait.ge [sflag:s17], $0x278  }
0xfc: {  	p0 =	sne.s32 s29, s15;
	[sflag:s17] =	ssyncset.done $0x0  }
.Ltmp2:
0xfd: {  	[sflag:s17] =	ssyncadd.s32 $0xFFFFFD88;
	(pc) =	sbr.rel @p0 .LBB2_1-.Ltmp2, $4  }
0xfe: {  	[hbm4b:s14+s5] =	stream.linear.scatter [tilespmem:s18], [sflag:$0x3], $0x278, $0x38;
	[tilespmem:$0x1E978] =	vst v63  }
0xff: {  	_ =	swait.ge [sflag:s17], $0x278  }
0x100: {  	[sflag:s17] =	ssyncset.done $0x0  }
0x101: {  	[sflag:s17] =	ssyncadd.s32 $0xFFFFFD88  }
0x102: {  	_ =	sfence.sel $0x180000  }
0x103: {  	[bflag:$0x0] =	sbarrier.arrive $0xFFFF  }
0x104: {  	_ =	strace $0x90000047  }
0x105: {  	[bflag:$0x2] =	sbarrier.arrive $0xFFFF  }
0x106: {  	p0 =	sne.s32 s0, $0x0;
	s0 =	rddreg [dreg:$0x5]  }
0x107: {  	s0 =	sadd.s32 @!p0 $0x100000, s0  }
0x108: {  	[sflag:s0] =	ssyncadd.tile.s32 @!p0 $0x1;
	_ =	shalt  }
.Lfunc_end2:
_tile_overlayer_lowered:
.L_overlay_start_2:
0x109: {  	(tag) =	ssettag $0x2  }
0x10a: {  	s0 =	rddreg [dreg:$0x0];
	s2 =	stileid.u32  }
0x10b: {  	s1 =	rddreg [dreg:$0x1];
	p0 =	sne.s32 s2, $0x0  }
0x10c: {  	s3 =	rddreg [dreg:$0x2];
	[bflag:$0x3] =	sbarrier.arrive $0xFFFF;
	s2 =	simm.s32 @!p0 $0x1C03  }
0x10d: {  	[timem:s3], [sflag:s2] =	dma.local @!p0 [hbm:s0], s1  }
0x10e: {  	s0 =	simm.s32 @!p0 $0x3  }
0x10f: {  	_ =	swait.ge @!p0 [sflag:s0], s1  }
0x110: {  	s1 =	ssub.s32 @!p0 $0x0, s1;
	[sflag:s0] =	ssyncset.done @!p0 $0x0  }
0x111: {  	[sflag:s0] =	ssyncadd.s32 @!p0 s1  }
0x112: {  	[bflag:$0x3] =	sbarrier.arrive $0xFFFF  }
0x113: {  	_ =	shalt  }

// kernel: kernel.9.cloned.1.call-start
scs
__scs_entry_jumppad:
0x0: {  	(pc) =	sbr.rel $0x88, $3  }
0x1: {  	(tag) =	ssettag $0x0;
	lr =	simm.s32 $0x1  }
0x2: {  	[smem:$0x3F99] =	sst lr;
	_ =	strace $0xD0000000  }
0x3: {  	_ = 	snop  }
0x4: {  	_ = 	snop  }
0x5: {  	_ = 	snop  }
0x6: {  	_ = 	snop  }
0x7: {  	_ = 	snop  }
__scs_overlays_trampoline_lowered:
0x8: {  	[smem:$0x3FA8] =	sst s0  }
0x9: {  	[smem:$0x3FA9] =	sst s1  }
0xa: {  	[smem:$0x3FAA] =	sst s2  }
0xb: {  	[smem:$0x3FAB] =	sst s3  }
0xc: {  	[smem:$0x3FAC] =	sst s4  }
0xd: {  	[smem:$0x3FAD] =	sst s5  }
0xe: {  	[smem:$0x3FAE] =	sst s6  }
0xf: {  	[smem:$0x3FAF] =	sst s7  }
0x10: {  	[smem:$0x3FB0] =	sst s8  }
0x11: {  	[smem:$0x3FB1] =	sst s9;
	s0 =	simm.s32 @!p0 $0x0  }
0x12: {  	s1 =	sld [smem:$0x3F97];
	s0 =	simm.s32 @p0 $0x1  }
0x13: {  	[smem:$0x3FB2] =	sst s0;
	s0 =	simm.s32 @!p1 $0x0  }
0x14: {  	s2 =	sld [smem:$0x3F96];
	s0 =	simm.s32 @p1 $0x1  }
0x15: {  	[smem:$0x3FB3] =	sst s0;
	s0 =	simm.s32 @!p2 $0x0  }
0x16: {  	s3 =	sld [smem:$0x3FDB];
	s0 =	simm.s32 @p2 $0x1  }
0x17: {  	s4 =	simm.s32 $0x1BF5;
	[smem:$0x3FB5] =	sst s0  }
0x18: {  	s0 =	sld [smem:$0x3F98];
	_ =	swait.ge [sflag:s4], $0x0  }
0x19: {  	s7 =	sld [smem:$0x3F99]  }
0x1a: {  	s8 =	sadd.s32 $0xFFFFE003, lr  }
0x1b: {  	s9 =	sadd.s32 $0xFFFFFEF7, lr;
	s5 =	simm.s32 $0xFFFFFFFF;
	p2 =	slt.u32 s8, $0xFFFFF086  }
0x1c: {  	p1 =	slt.u32 s9, $0xF7A;
	s5 =	simm.s32 @!p2 $0x0  }
0x1d: {  	s5 =	simm.s32 @p1 $0x1;
	p0 =	seq.s32 s7, s2  }
0x1e: {  	s7 =	smul.u32 @!p0 $0xF7A, s2;
	p2 =	seq.s32 @!p0 s5, $0x0  }
0x1f: {  	s9 =	smul.u32 $0xF7A, s1;
	s8 =	simm.s32 @!p0 $0x1BF5;
	p2 =	por !p2, p0  }
0x20: {  	[sflag:s8] =	ssyncset.s32 @!p0 $0xFFFFF086;
	s6 =	sadd.s32 @!p0 s3, s7;
	s7 =	simm.s32 @!p0 $0x108  }
0x21: {  	s3 =	sadd.s32 s3, s9;
	s6 =	sadd.s32 @!p0 $0x88, s6;
	s7 =	simm.s32 @p2 $0x1082  }
0x22: {  	[simem:s7], [sflag:s8] =	dma.local @!p0 [hbm:s6], $0xF7A  }
0x23: {  	s9 =	sor.u32 $0xD0000000, s2;
	s6 =	simm.s32 $0x108;
	_ =	swait.ge @!p0 [sflag:s8], $0x0  }
0x24: {  	s3 =	sadd.s32 $0x88, s3;
	s6 =	simm.s32 @!p1 $0x1082;
	[sflag:s4] =	ssyncset.s32 $0xFFFFF086  }
0x25: {  	[simem:s6], [sflag:s4] =	dma.local [hbm:s3], $0xF7A  }
0x26: {  	[smem:$0x3F99] =	sst s1;
	(tag) =	ssettag s2;
	_ =	strace s9  }
0x27: {  	s1 =	sld [smem:$0x3FA9]  }
0x28: {  	s2 =	sld [smem:$0x3FAA]  }
0x29: {  	s4 =	sld [smem:$0x3FAC]  }
0x2a: {  	p0 =	seq.s32 s5, $0x0;
	s5 =	sld [smem:$0x3FAD]  }
0x2b: {  	s6 =	sld [smem:$0x3FAE]  }
0x2c: {  	s7 =	sld [smem:$0x3FAF]  }
0x2d: {  	s3 =	simm.s32 $0x108;
	s8 =	sld [smem:$0x3FB0]  }
0x2e: {  	s3 =	simm.s32 @!p0 $0x1082;
	s9 =	sld [smem:$0x3FB1]  }
0x2f: {  	lr =	sadd.s32 s0, s3;
	s0 =	sld [smem:$0x3FA8]  }
0x30: {  	s3 =	sld [smem:$0x3FAB]  }
0x31: {  	[smem:$0x3FB4] =	sst s10  }
0x32: {  	s10 =	sld [smem:$0x3FB2];
	_ =	sdelay $0x3  }
0x33: {  	p0 =	seq.s32 s10, $0x1;
	s10 =	sld [smem:$0x3FB4];
	_ =	sdelay $0x3  }
0x34: {  	[smem:$0x3FB4] =	sst s10  }
0x35: {  	s10 =	sld [smem:$0x3FB3];
	_ =	sdelay $0x3  }
0x36: {  	p1 =	seq.s32 s10, $0x1;
	s10 =	sld [smem:$0x3FB4];
	_ =	sdelay $0x3  }
0x37: {  	[smem:$0x3FB4] =	sst s10  }
0x38: {  	s10 =	sld [smem:$0x3FB5]  }
0x39: {  	_ = 	snop;
	(pc) =	sbr.ind lr, $3  }
0x3a: {  	_ = 	snop  }
0x3b: {  	_ = 	snop  }
0x3c: {  	p2 =	seq.s32 s10, $0x1;
	s10 =	sld [smem:$0x3FB4]  }
0x3d: {  	_ =	shalt  }
0x3e: {  	_ =	shalt  }
0x3f: {  	_ =	shalt  }
0x40: {  	_ =	shalt  }
0x41: {  	_ =	shalt  }
0x42: {  	_ =	shalt  }
0x43: {  	_ =	shalt  }
0x44: {  	_ =	shalt  }
0x45: {  	_ =	shalt  }
0x46: {  	_ =	shalt  }
0x47: {  	_ =	shalt  }
0x48: {  	_ =	shalt  }
0x49: {  	_ =	shalt  }
0x4a: {  	_ =	shalt  }
0x4b: {  	_ =	shalt  }
0x4c: {  	_ =	shalt  }
0x4d: {  	_ =	shalt  }
0x4e: {  	_ =	shalt  }
0x4f: {  	_ =	shalt  }
0x50: {  	_ =	shalt  }
0x51: {  	_ =	shalt  }
0x52: {  	_ =	shalt  }
0x53: {  	_ =	shalt  }
0x54: {  	_ =	shalt  }
0x55: {  	_ =	shalt  }
0x56: {  	_ =	shalt  }
0x57: {  	_ =	shalt  }
0x58: {  	_ =	shalt  }
0x59: {  	_ =	shalt  }
0x5a: {  	_ =	shalt  }
0x5b: {  	_ =	shalt  }
0x5c: {  	_ =	shalt  }
0x5d: {  	_ =	shalt  }
0x5e: {  	_ =	shalt  }
0x5f: {  	_ =	shalt  }
0x60: {  	_ =	shalt  }
0x61: {  	_ =	shalt  }
0x62: {  	_ =	shalt  }
0x63: {  	_ =	shalt  }
0x64: {  	_ =	shalt  }
0x65: {  	_ =	shalt  }
0x66: {  	_ =	shalt  }
0x67: {  	_ =	shalt  }
0x68: {  	_ =	shalt  }
0x69: {  	_ =	shalt  }
0x6a: {  	_ =	shalt  }
0x6b: {  	_ =	shalt  }
0x6c: {  	_ =	shalt  }
0x6d: {  	_ =	shalt  }
0x6e: {  	_ =	shalt  }
0x6f: {  	_ =	shalt  }
0x70: {  	_ =	shalt  }
0x71: {  	_ =	shalt  }
0x72: {  	_ =	shalt  }
0x73: {  	_ =	shalt  }
0x74: {  	_ =	shalt  }
0x75: {  	_ =	shalt  }
0x76: {  	_ =	shalt  }
0x77: {  	_ =	shalt  }
0x78: {  	_ =	shalt  }
0x79: {  	_ =	shalt  }
0x7a: {  	_ =	shalt  }
0x7b: {  	_ =	shalt  }
0x7c: {  	_ =	shalt  }
0x7d: {  	_ =	shalt  }
0x7e: {  	_ =	shalt  }
0x7f: {  	_ =	shalt  }
0x80: {  	_ =	shalt  }
0x81: {  	_ =	shalt  }
0x82: {  	_ =	shalt  }
0x83: {  	_ =	shalt  }
0x84: {  	_ =	shalt  }
0x85: {  	_ =	shalt  }
0x86: {  	_ =	shalt  }
0x87: {  	_ =	shalt  }
.Lfunc_end0:
.L_simem_size_0:
called_computation.1_lowered:
.L_overlay_start_0:
0x88: {  	s2 =	sld [smem:$0x3FD9]  }
0x89: {  	s3 =	sld [smem:$0x3FFE];
	_ =	sdelay $0x1  }
0x8a: {  	s1 =	srdreg.scid  }
0x8b: {  	s0 =	sand.u32 $0x1, s1  }
0x8c: {  	s17 =	sshll.u32 s0, $0xA;
	s2 =	sadd.s32 s3, s2  }
0x8d: {  	s2 =	sadd.s32 s2, s17  }
0x8e: {  	[smem:$0x3FC0] =	sst s2  }
0x8f: {  	_ = 	snop  }
0x90: {  	s2 =	sld [smem:$0x3FD0];
	(tm) =	ssettm $0x1  }
0x91: {  	s18 =	sld [smem:$0x3FFB];
	_ =	sdelay $0x3  }
0x92: {  	_ =	strace s18  }
0x93: {  	s3 =	sld [smem:$0x3FFC];
	_ =	sdelay $0x3  }
0x94: {  	_ =	strace s3  }
0x95: {  	s3 =	sld [smem:$0x3FFD];
	_ =	sdelay $0x3  }
0x96: {  	_ =	strace s3  }
0x97: {  	_ =	strace $0x8FFFFFFF  }
0x98: {  	s19 =	sld [smem:$0x3FDB];
	_ =	sdelay $0x1  }
0x99: {  	s4 =	simm.s32 $_scs_section_size  }
0x9a: {  	s5 =	simm.s32 $_size__tile_overlayer_lowered;
	s6 =	simm.s32 $_tile_overlayer_lowered  }
0x9b: {  	s22 =	simm.s32 $0x1BFF;
	s21 =	sshll.u32 s6, $0x1;
	s3 =	sadd.s32 s4, s19  }
0x9c: {  	s7 =	simm.s32 $0x0;
	s20 =	sshll.u32 s5, $0x1;
	s5 =	sadd.s32 s21, s3  }
0x9d: {  	[timem:s7], [sflag:s22] =	dma.local [hbm:s5], s20  }
0x9e: {  	_ =	swait.ge [sflag:s22], s20  }
0x9f: {  	s4 =	ssub.s32 $0x0, s20;
	[sflag:s22] =	ssyncset.done $0x0  }
0xa0: {  	[sflag:s22] =	ssyncadd.s32 s4;
	_ =	sdelay $0x1  }
0xa1: {  	s23 =	simm.s32 $0x1B8B  }
0xa2: {  	_ =	swait.ge [sflag:s23], $0x1  }
0xa3: {  	[sflag:s23] =	ssyncset.done $0x0  }
0xa4: {  	s25 =	simm.s32 $0x1B8E;
	s24 =	sld [smem:$0x3FFE];
	[sflag:s23] =	ssyncadd.s32 $0xFFFFFFFF  }
0xa5: {  	s26 =	simm.s32 $execute0_lowered;
	[smem:$0x3FD2] =	sst s25  }
0xa6: {  	s5 =	sshll.u32 s26, $0x1;
	_ =	strace $0x80000049;
	[dreg:$0x1] =	wrdreg $0xFFFFFFFF  }
0xa7: {  	s28 =	simm.s32 $_size_execute0_lowered;
	s3 =	sadd.s32 s3, s5;
	[dreg:$0x0] =	wrdreg $0x0  }
0xa8: {  	s5 =	sshll.u32 s28, $0x1;
	[dreg:$0x2] =	wrdreg s3  }
0xa9: {  	[dreg:$0x3] =	wrdreg s5  }
0xaa: {  	[dreg:$0x4] =	wrdreg $0xC0  }
0xab: {  	_ =	task [dreg:s7], $0x5FFFF  }
0xac: {  	[dreg:$0x1] =	wrdreg $0xFFFFFFFF  }
0xad: {  	[dreg:$0x0] =	wrdreg $0x60  }
0xae: {  	[dreg:$0x2] =	wrdreg s24  }
0xaf: {  	[dreg:$0x3] =	wrdreg s2  }
0xb0: {  	[dreg:$0x4] =	wrdreg $0xA8000  }
0xb1: {  	[dreg:$0x5] =	wrdreg $0x9  }
0xb2: {  	_ =	task.clear_ibuf [dreg:s7], $0x6FFFF;
	_ =	strace $0x90000049  }
0xb3: {  	s29 =	simm.s32 $0x9;
	_ =	strace $0x8000004B  }
0xb4: {  	_ =	swait.ge [sflag:s29], $0x1  }
0xb5: {  	[sflag:s29] =	ssyncadd.s32 $0xFFFFFFFF  }
0xb6: {  	_ =	strace $0x9000004B  }
0xb7: {  	_ =	sfence  }
0xb8: {  	s30 =	sld [smem:$0x0];
	_ =	sdelay $0x2  }
0xb9: {  	s31 =	sshll.u32 s1, $0xD;
	s1 =	sshrl.u32 s1, $0x2  }
0xba: {  	s3 =	sand.u32 $0x4000, s31;
	s1 =	sadd.s32 s1, s30  }
0xbb: {  	s0 =	sor.u32 s3, s0;
	s1 =	sshll.u32 s1, $0x11  }
0xbc: {  	s0 =	sor.u32 s1, s0  }
0xbd: {  	s0 =	sadd.s32 $0x8F2B, s0  }
0xbe: {  	[sflag:s0] =	ssyncadd.remote.s32 $0x1  }
0xbf: {  	_ =	sfence.sel $0xFFFF  }
0xc0: {  	[dreg:$0x0] =	wrdreg $0xFFFFFFFF;
	(pc) =	sbr.abs _section_cstart, $3  }
0xc1: {  	[dreg:$0x1] =	wrdreg $0xFFFFFFFF  }
0xc2: {  	_ =	task.clear_ibuf [dreg:s7], $0x2FFFF;
	_ =	strace $0x9FFFFFFF  }
0xc3: {  	(tm) =	ssettm $0x7FFFFFFF  }
tec
execute0_lowered:
.L_overlay_start_1:
0x0: {  	(tag) =	ssettag $0x1  }
0x1: {  	s5 =	rddreg [dreg:$0x0]  }
0x2: {  	s10 =	rddreg [dreg:$0x1]  }
0x3: {  	s2 =	rddreg [dreg:$0x2]  }
0x4: {  	s0 =	rddreg [dreg:$0x3]  }
0x5: {  	s1 =	stileid.u32;
	s4 =	srdreg.scid  }
0x6: {  	s3 =	simm.s32 $0x0;
	s16 =	simm.s32 $0x80;
	s17 =	simm.s32 $0x2800  }
0x7: {  	s18 =	simm.s32 $0x6800;
	s19 =	simm.s32 $0x1;
	s20 =	simm.s32 $0x2  }
0x8: {  	s21 =	simm.s32 $0x2700;
	s6 =	smul.u32 $0x13C00, s1;
	s7 =	sand.u32 $0x1, s4  }
0x9: {  	[smem:$0x7FF] =	sst s3;
	s4 =	sadd.s32 $0x5B400, s5;
	s12 =	smul.u32 $0x4F000, s1  }
0xa: {  	s11 =	sadd.s32 $0x2400, s5;
	s28 =	sshll.u32 s1, $0x6;
	s8 =	smul.u32 $0x13C000, s7  }
0xb: {  	_ =	strace $0x8000004A;
	s23 =	ssub.s32 $0x2, s7;
	s7 =	sshll.u32 s7, $0x4  }
0xc: {  	s9 =	sshrl.u32 s6, $0x3;
	s24 =	sshrl.u32 s23, $0x1;
	s25 =	sor.u32 s1, s7  }
0xd: {  	s26 =	sshrl.u32 s12, $0x2;
	s6 =	sadd.s32 s6, s8;
	s22 =	sadd.s32 s9, s5  }
0xe: {  	s14 =	ssub.s32 s23, s24;
	s7 =	smul.u32 $0x2800, s25;
	s15 =	sadd.s32 s26, s2  }
0xf: {  	s29 =	smul.u32 $0x500, s25;
	s23 =	simm.s32 $0x0;
	s6 =	sshrl.u32 s6, $0x3  }
0x10: {  	s12 =	smax.u32 s14, $0x1;
	s14 =	simm.s32 $0x3;
	s13 =	sadd.s32 s6, s5  }
0x11: {  	s5 =	sadd.s32 $0xC400, s22;
	s6 =	sor.u32 $0x1C03, s28;
	s30 =	sshrl.u32 s7, $0x3  }
0x12: {  	s7 =	sadd.s32 s11, s29;
	s8 =	sadd.s32 s10, s29;
	s31 =	sadd.s32 $0x280, s30  }
0x13: {  	s22 =	simm.s32 $0x2780;
	s9 =	sadd.s32 s11, s31;
	s10 =	sadd.s32 s10, s31  }
0x14: {  	s11 =	sadd.s32 $0x83600, s13;
	s13 =	sshrl.u32 s15, $0x3;
	s15 =	simm.s32 $0x1400  }
.LBB2_1:
0x15: {  	[spmem:s13], [sflag:s6] =	dma.local [hbm:s5], $0x2780  }
0x16: {  	_ =	swait.ge [sflag:s14], $0x2780  }
0x17: {  	[sflag:s14] =	ssyncset.done $0x0  }
0x18: {  	[sflag:s14] =	ssyncadd.s32 $0xFFFFD880  }
0x19: {  	[bflag:$0x0] =	sbarrier.arrive $0xFFFF  }
0x1a: {  	[tilespmem:s3], [sflag:$0x3] =	stream.linear.gather [hbm4b:s7+s3], $0x1400, $0x38;
	[tilespmem:$0x1E400] =	vst v63  }
0x1b: {  	_ =	swait.ge [sflag:s14], $0x1400  }
0x1c: {  	[sflag:s14] =	ssyncset.done $0x0  }
0x1d: {  	[sflag:s14] =	ssyncadd.s32 $0xFFFFEC00  }
0x1e: {  	[tilespmem:s15], [sflag:$0x3] =	stream.linear.gather [hbm4b:s8+s3], $0x1400, $0x38;
	[tilespmem:$0x1E400] =	vst v63  }
0x1f: {  	_ =	swait.ge [sflag:s14], $0x1400  }
0x20: {  	[sflag:s14] =	ssyncset.done $0x0  }
0x21: {  	[sflag:s14] =	ssyncadd.s32 $0xFFFFEC00  }
0x22: {  	[tilespmem:s17], [sflag:$0x1] =	stream.indirect.gather [hbm4b:s4+s16], $0x80, s3, s16, $0xb8;
	[tilespmem:$0x1E400] =	vst v63  }
0x23: {  	_ = 	snop  }
0x24: {  	[tilespmem:s18], [sflag:$0x2] =	stream.indirect.gather [hbm4b:s4+s16], $0x80, s16, s16, $0xb8;
	[tilespmem:$0x1E400] =	vst v63  }
0x25: {  	_ =	swait.ge [sflag:s19], $0x4000  }
0x26: {  	[sflag:s19] =	ssyncset.done $0x0  }
0x27: {  	s24 =	simm.s32 $0x1400;
	[sflag:s19] =	ssyncadd.s32 $0xFFFFC000  }
0x28: {  	[spmem:s2] =	stream.indirect.scatter.add.f32 [tilespmem:s17], [sflag:$0x3], $0x80, s24, s16, $0xb8;
	[tilespmem:$0x1E400] =	vst v63  }
0x29: {  	_ =	swait.ge [sflag:s14], $0x4000  }
0x2a: {  	[sflag:s14] =	ssyncset.done $0x0  }
0x2b: {  	s30 =	simm.s32 $0x100;
	[sflag:s14] =	ssyncadd.s32 $0xFFFFC000  }
0x2c: {  	[tilespmem:s17], [sflag:$0x1] =	stream.indirect.gather [hbm4b:s4+s16], $0x80, s30, s16, $0xb8;
	[tilespmem:$0x1E400] =	vst v63  }
0x2d: {  	_ =	swait.ge [sflag:s20], $0x4000  }
0x2e: {  	[sflag:s20] =	ssyncset.done $0x0  }
0x2f: {  	s31 =	simm.s32 $0x1480;
	[sflag:s20] =	ssyncadd.s32 $0xFFFFC000  }
0x30: {  	[spmem:s2] =	stream.indirect.scatter.add.f32 [tilespmem:s18], [sflag:$0x3], $0x80, s31, s16, $0xb8;
	[tilespmem:$0x1E400] =	vst v63  }
0x31: {  	_ =	swait.ge [sflag:s14], $0x4000  }
0x32: {  	[sflag:s14] =	ssyncset.done $0x0  }
0x33: {  	s25 =	simm.s32 $0x180;
	s24 =	simm.s32 $0x400;
	[sflag:s14] =	ssyncadd.s32 $0xFFFFC000  }
.LBB2_2:
0x34: {  	[tilespmem:s18], [sflag:$0x2] =	stream.indirect.gather [hbm4b:s4+s16], $0x80, s25, s16, $0xb8;
	[tilespmem:$0x1E400] =	vst v63  }
0x35: {  	s25 =	smov.u32 s24  }
0x36: {  	p0 =	sne.s32 s24, $0x4800;
	s24 =	sadd.s32 $0x400, s24;
	_ =	swait.ge [sflag:s19], $0x4000  }
0x37: {  	s25 =	sshra.s32 s25, $0x2;
	[sflag:s19] =	ssyncset.done $0x0  }
0x38: {  	s26 =	sadd.s32 $0x1400, s25;
	[sflag:s19] =	ssyncadd.s32 $0xFFFFC000  }
0x39: {  	[spmem:s2] =	stream.indirect.scatter.add.f32 [tilespmem:s17], [sflag:$0x3], $0x80, s26, s16, $0xb8;
	[tilespmem:$0x1E400] =	vst v63  }
0x3a: {  	_ =	swait.ge [sflag:s14], $0x4000  }
0x3b: {  	[sflag:s14] =	ssyncset.done $0x0  }
0x3c: {  	s26 =	sadd.s32 $0x100, s25;
	[sflag:s14] =	ssyncadd.s32 $0xFFFFC000  }
0x3d: {  	[tilespmem:s17], [sflag:$0x1] =	stream.indirect.gather [hbm4b:s4+s16], $0x80, s26, s16, $0xb8;
	[tilespmem:$0x1E400] =	vst v63  }
0x3e: {  	_ =	swait.ge [sflag:s20], $0x4000  }
0x3f: {  	[sflag:s20] =	ssyncset.done $0x0  }
.Ltmp0:
0x40: {  	s26 =	sadd.s32 $0x1480, s25;
	[sflag:s20] =	ssyncadd.s32 $0xFFFFC000;
	(pc) =	sbr.rel @p0 .LBB2_2-.Ltmp0, $4  }
0x41: {  	[spmem:s2] =	stream.indirect.scatter.add.f32 [tilespmem:s18], [sflag:$0x3], $0x80, s26, s16, $0xb8;
	[tilespmem:$0x1E400] =	vst v63  }
0x42: {  	_ =	swait.ge [sflag:s14], $0x4000  }
0x43: {  	[sflag:s14] =	ssyncset.done $0x0  }
0x44: {  	s25 =	sadd.s32 $0x180, s25;
	[sflag:s14] =	ssyncadd.s32 $0xFFFFC000  }
0x45: {  	[tilespmem:s18], [sflag:$0x2] =	stream.indirect.gather [hbm4b:s4+s16], $0x80, s25, s16, $0xb8;
	[tilespmem:$0x1E400] =	vst v63  }
0x46: {  	_ =	swait.ge [sflag:s19], $0x4000  }
0x47: {  	[sflag:s19] =	ssyncset.done $0x0  }
0x48: {  	[sflag:s19] =	ssyncadd.s32 $0xFFFFC000  }
0x49: {  	[spmem:s2] =	stream.indirect.scatter.add.f32 [tilespmem:s17], [sflag:$0x3], $0x80, s21, s16, $0xb8;
	[tilespmem:$0x1E400] =	vst v63  }
0x4a: {  	_ =	swait.ge [sflag:s14], $0x4000  }
0x4b: {  	[sflag:s14] =	ssyncset.done $0x0  }
0x4c: {  	[sflag:s14] =	ssyncadd.s32 $0xFFFFC000  }
0x4d: {  	_ =	swait.ge [sflag:s20], $0x4000  }
0x4e: {  	[sflag:s20] =	ssyncset.done $0x0  }
0x4f: {  	[sflag:s20] =	ssyncadd.s32 $0xFFFFC000  }
0x50: {  	[spmem:s2] =	stream.indirect.scatter.add.f32 [tilespmem:s18], [sflag:$0x3], $0x80, s22, s16, $0xb8;
	[tilespmem:$0x1E400] =	vst v63  }
0x51: {  	_ =	swait.ge [sflag:s14], $0x4000  }
0x52: {  	[sflag:s14] =	ssyncset.done $0x0  }
0x53: {  	s24 =	simm.s32 $0x0;
	[sflag:s14] =	ssyncadd.s32 $0xFFFFC000  }
0x54: {  	[tilespmem:s24], [sflag:$0x3] =	stream.linear.gather [hbm4b:s9+s24], $0x1400, $0x38;
	[tilespmem:$0x1E400] =	vst v63  }
0x55: {  	_ =	swait.ge [sflag:s14], $0x1400  }
0x56: {  	[sflag:s14] =	ssyncset.done $0x0  }
0x57: {  	[sflag:s14] =	ssyncadd.s32 $0xFFFFEC00  }
0x58: {  	[tilespmem:s15], [sflag:$0x3] =	stream.linear.gather [hbm4b:s10+s24], $0x1400, $0x38;
	[tilespmem:$0x1E400] =	vst v63  }
0x59: {  	_ =	swait.ge [sflag:s14], $0x1400  }
0x5a: {  	[sflag:s14] =	ssyncset.done $0x0  }
0x5b: {  	[sflag:s14] =	ssyncadd.s32 $0xFFFFEC00  }
0x5c: {  	[tilespmem:s17], [sflag:$0x1] =	stream.indirect.gather [hbm4b:s4+s16], $0x80, s24, s16, $0xb8;
	[tilespmem:$0x1E400] =	vst v63  }
0x5d: {  	_ = 	snop  }
0x5e: {  	[tilespmem:s18], [sflag:$0x2] =	stream.indirect.gather [hbm4b:s4+s16], $0x80, s16, s16, $0xb8;
	[tilespmem:$0x1E400] =	vst v63  }
0x5f: {  	_ =	swait.ge [sflag:s19], $0x4000  }
0x60: {  	[sflag:s19] =	ssyncset.done $0x0  }
0x61: {  	s29 =	simm.s32 $0x1400;
	[sflag:s19] =	ssyncadd.s32 $0xFFFFC000  }
0x62: {  	[spmem:s2] =	stream.indirect.scatter.add.f32 [tilespmem:s17], [sflag:$0x3], $0x80, s29, s16, $0xb8;
	[tilespmem:$0x1E400] =	vst v63  }
0x63: {  	_ =	swait.ge [sflag:s14], $0x4000  }
0x64: {  	[sflag:s14] =	ssyncset.done $0x0  }
0x65: {  	s30 =	simm.s32 $0x100;
	[sflag:s14] =	ssyncadd.s32 $0xFFFFC000  }
0x66: {  	[tilespmem:s17], [sflag:$0x1] =	stream.indirect.gather [hbm4b:s4+s16], $0x80, s30, s16, $0xb8;
	[tilespmem:$0x1E400] =	vst v63  }
0x67: {  	_ =	swait.ge [sflag:s20], $0x4000  }
0x68: {  	[sflag:s20] =	ssyncset.done $0x0  }
0x69: {  	s31 =	simm.s32 $0x1480;
	[sflag:s20] =	ssyncadd.s32 $0xFFFFC000  }
0x6a: {  	[spmem:s2] =	stream.indirect.scatter.add.f32 [tilespmem:s18], [sflag:$0x3], $0x80, s31, s16, $0xb8;
	[tilespmem:$0x1E400] =	vst v63  }
0x6b: {  	_ =	swait.ge [sflag:s14], $0x4000  }
0x6c: {  	[sflag:s14] =	ssyncset.done $0x0  }
0x6d: {  	s25 =	simm.s32 $0x180;
	s24 =	simm.s32 $0x400;
	[sflag:s14] =	ssyncadd.s32 $0xFFFFC000  }
.LBB2_4:
0x6e: {  	[tilespmem:s18], [sflag:$0x2] =	stream.indirect.gather [hbm4b:s4+s16], $0x80, s25, s16, $0xb8;
	[tilespmem:$0x1E400] =	vst v63  }
0x6f: {  	s25 =	smov.u32 s24  }
0x70: {  	p0 =	sne.s32 s24, $0x4800;
	s24 =	sadd.s32 $0x400, s24;
	_ =	swait.ge [sflag:s19], $0x4000  }
0x71: {  	s25 =	sshra.s32 s25, $0x2;
	[sflag:s19] =	ssyncset.done $0x0  }
0x72: {  	s26 =	sadd.s32 $0x1400, s25;
	[sflag:s19] =	ssyncadd.s32 $0xFFFFC000  }
0x73: {  	[spmem:s2] =	stream.indirect.scatter.add.f32 [tilespmem:s17], [sflag:$0x3], $0x80, s26, s16, $0xb8;
	[tilespmem:$0x1E400] =	vst v63  }
0x74: {  	_ =	swait.ge [sflag:s14], $0x4000  }
0x75: {  	[sflag:s14] =	ssyncset.done $0x0  }
0x76: {  	s26 =	sadd.s32 $0x100, s25;
	[sflag:s14] =	ssyncadd.s32 $0xFFFFC000  }
0x77: {  	[tilespmem:s17], [sflag:$0x1] =	stream.indirect.gather [hbm4b:s4+s16], $0x80, s26, s16, $0xb8;
	[tilespmem:$0x1E400] =	vst v63  }
0x78: {  	_ =	swait.ge [sflag:s20], $0x4000  }
0x79: {  	[sflag:s20] =	ssyncset.done $0x0  }
.Ltmp1:
0x7a: {  	s26 =	sadd.s32 $0x1480, s25;
	[sflag:s20] =	ssyncadd.s32 $0xFFFFC000;
	(pc) =	sbr.rel @p0 .LBB2_4-.Ltmp1, $4  }
0x7b: {  	[spmem:s2] =	stream.indirect.scatter.add.f32 [tilespmem:s18], [sflag:$0x3], $0x80, s26, s16, $0xb8;
	[tilespmem:$0x1E400] =	vst v63  }
0x7c: {  	_ =	swait.ge [sflag:s14], $0x4000  }
0x7d: {  	[sflag:s14] =	ssyncset.done $0x0  }
0x7e: {  	s25 =	sadd.s32 $0x180, s25;
	[sflag:s14] =	ssyncadd.s32 $0xFFFFC000  }
0x7f: {  	[tilespmem:s18], [sflag:$0x2] =	stream.indirect.gather [hbm4b:s4+s16], $0x80, s25, s16, $0xb8;
	[tilespmem:$0x1E400] =	vst v63  }
0x80: {  	_ =	swait.ge [sflag:s19], $0x4000  }
0x81: {  	[sflag:s19] =	ssyncset.done $0x0  }
0x82: {  	[sflag:s19] =	ssyncadd.s32 $0xFFFFC000  }
0x83: {  	[spmem:s2] =	stream.indirect.scatter.add.f32 [tilespmem:s17], [sflag:$0x3], $0x80, s21, s16, $0xb8;
	[tilespmem:$0x1E400] =	vst v63  }
0x84: {  	_ =	swait.ge [sflag:s14], $0x4000  }
0x85: {  	[sflag:s14] =	ssyncset.done $0x0  }
0x86: {  	[sflag:s14] =	ssyncadd.s32 $0xFFFFC000  }
0x87: {  	_ =	swait.ge [sflag:s20], $0x4000  }
0x88: {  	[sflag:s20] =	ssyncset.done $0x0  }
0x89: {  	[sflag:s20] =	ssyncadd.s32 $0xFFFFC000  }
0x8a: {  	[spmem:s2] =	stream.indirect.scatter.add.f32 [tilespmem:s18], [sflag:$0x3], $0x80, s22, s16, $0xb8;
	[tilespmem:$0x1E400] =	vst v63  }
0x8b: {  	_ =	swait.ge [sflag:s14], $0x4000  }
0x8c: {  	s23 =	sadd.s32 $0x1, s23;
	[sflag:s14] =	ssyncset.done $0x0  }
0x8d: {  	p0 =	sne.s32 s23, s12;
	[sflag:s14] =	ssyncadd.s32 $0xFFFFC000  }
.Ltmp2:
0x8e: {  	[bflag:$0x0] =	sbarrier.arrive $0xFFFF;
	(pc) =	sbr.rel @p0 .LBB2_1-.Ltmp2, $4  }
0x8f: {  	[hbm:s11], [sflag:s6] =	dma.local [spmem:s13], $0x2780  }
0x90: {  	_ =	swait.ge [sflag:s14], $0x2780  }
0x91: {  	[sflag:s14] =	ssyncset.done $0x0  }
0x92: {  	[sflag:s14] =	ssyncadd.s32 $0xFFFFD880  }
0x93: {  	_ =	sfence.sel $0x180000  }
0x94: {  	[bflag:$0x0] =	sbarrier.arrive $0xFFFF  }
0x95: {  	p0 =	sne.s32 s1, $0x0;
	_ =	strace $0x9000004A  }
0x96: {  	s0 =	sadd.s32 @!p0 $0x100000, s0;
	[bflag:$0x2] =	sbarrier.arrive $0xFFFF  }
0x97: {  	[sflag:s0] =	ssyncadd.tile.s32 @!p0 $0x1;
	_ =	shalt  }
.Lfunc_end2:
_tile_overlayer_lowered:
.L_overlay_start_2:
0x98: {  	(tag) =	ssettag $0x2  }
0x99: {  	s0 =	rddreg [dreg:$0x0];
	s2 =	stileid.u32  }
0x9a: {  	s1 =	rddreg [dreg:$0x1];
	p0 =	sne.s32 s2, $0x0  }
0x9b: {  	s3 =	rddreg [dreg:$0x2];
	[bflag:$0x3] =	sbarrier.arrive $0xFFFF;
	s2 =	simm.s32 @!p0 $0x1C03  }
0x9c: {  	[timem:s3], [sflag:s2] =	dma.local @!p0 [hbm:s0], s1  }
0x9d: {  	s0 =	simm.s32 @!p0 $0x3  }
0x9e: {  	_ =	swait.ge @!p0 [sflag:s0], s1  }
0x9f: {  	s1 =	ssub.s32 @!p0 $0x0, s1;
	[sflag:s0] =	ssyncset.done @!p0 $0x0  }
0xa0: {  	[sflag:s0] =	ssyncadd.s32 @!p0 s1  }
0xa1: {  	[bflag:$0x3] =	sbarrier.arrive $0xFFFF  }
0xa2: {  	_ =	shalt  }

</sc_bundles>
